<compile_context>
chip_gen: v7x
topology: tpu7x:2x2x1
jax: 0.10.2.dev20260603
libtpu: 0.0.44.dev20260713+nightly
codegen_flags: <defaults>
</compile_context>

<pallas_src>
import functools

import jax
import jax.numpy as jnp
from jax import lax
from jax.experimental import pallas as pl
from jax.experimental.pallas import tpu as pltpu
from jax.experimental.pallas import tpu_sc as plsc

N = 10000
E = 320000
D = 128
H2 = 256
STEPS = 12
DT = 6.0 / STEPS

NC = 2
NS = 16
NW = NC * NS
E_PER_TILE = E // NW
CHUNK = 125
NCHUNKS = E_PER_TILE // CHUNK
NPAD = 10240
ROWS_PER_TILE = NPAD // NS

_MESH = plsc.VectorSubcoreMesh(core_axis_name="c", subcore_axis_name="s")


@functools.partial(
    pl.kernel,
    out_type=jax.ShapeDtypeStruct((NC, NPAD, D), jnp.float32),
    mesh=_MESH,
    scratch_types=[
        [pltpu.VMEM((CHUNK,), jnp.int32)] * 4,
        [pltpu.VMEM((CHUNK,), jnp.int32)] * 4,
        [pltpu.VMEM((CHUNK, D), jnp.float32)] * 2,
        pltpu.VMEM_SHARED((NPAD, D), jnp.float32),
        pltpu.SemaphoreType.DMA,
        pltpu.SemaphoreType.DMA,
        [pltpu.SemaphoreType.DMA] * 2,
    ],
)
def _sc_aggregate(h_hbm, src_hbm, dst_hbm, zero_hbm, out_hbm,
                  S, Dx, R, acc_sh, isem, gsem, SS):
    c = lax.axis_index("c")
    s = lax.axis_index("s")
    wid = c * NS + s
    my_src = src_hbm.at[wid]
    my_dst = dst_hbm.at[wid]
    pltpu.sync_copy(my_src.at[0], S[0])
    pltpu.sync_copy(my_dst.at[0], Dx[0])
    pltpu.async_copy(h_hbm.at[S[0]], R[0], gsem)
    for k in (1, 2):
        pltpu.async_copy(my_src.at[k], S[k], isem)
        pltpu.async_copy(my_dst.at[k], Dx[k], isem)
    r0 = s * ROWS_PER_TILE
    pltpu.sync_copy(zero_hbm.at[pl.ds(r0, ROWS_PER_TILE)],
                    acc_sh.at[pl.ds(r0, ROWS_PER_TILE)])
    plsc.subcore_barrier()

    @pl.loop(0, NCHUNKS, step=4)
    def _outer(g0):
        for j in range(4):
            g = g0 + j
            sb, db, rb = S[j], Dx[j], R[j % 2]
            so, do_, ro = S[(j + 1) % 4], Dx[(j + 1) % 4], R[(j + 1) % 2]
            sp, dp = S[(j + 3) % 4], Dx[(j + 3) % 4]

            @pl.when(g + 1 < NCHUNKS)
            def _():
                @pl.when(g >= 1)
                def _():
                    pltpu.make_async_copy(ro, acc_sh.at[do_],
                                          SS[(j + 1) % 2]).wait()
                pltpu.make_async_copy(my_src.at[g + 1], so, isem).wait()
                pltpu.make_async_copy(my_dst.at[g + 1], do_, isem).wait()
                pltpu.async_copy(h_hbm.at[so], ro, gsem)

                @pl.when(g + 3 < NCHUNKS)
                def _():
                    pltpu.async_copy(my_src.at[g + 3], sp, isem)
                    pltpu.async_copy(my_dst.at[g + 3], dp, isem)

            pltpu.make_async_copy(h_hbm.at[sb], rb, gsem).wait()
            pltpu.async_copy(rb, acc_sh.at[db], SS[j % 2], add=True)

    pltpu.make_async_copy(R[0], acc_sh.at[Dx[2]], SS[0]).wait()
    pltpu.make_async_copy(R[1], acc_sh.at[Dx[3]], SS[1]).wait()
    plsc.subcore_barrier()
    pltpu.sync_copy(acc_sh.at[pl.ds(r0, ROWS_PER_TILE)],
                    out_hbm.at[c].at[pl.ds(r0, ROWS_PER_TILE)])


BLK = 2000


def _tc_in_body(x_ref, w_ref, b_ref, o_ref):
    o_ref[...] = jnp.tanh(
        jnp.dot(x_ref[...], w_ref[...], preferred_element_type=jnp.float32)
        + b_ref[...])


_tc_in = pl.pallas_call(
    _tc_in_body,
    grid=(N // BLK,),
    in_specs=[
        pl.BlockSpec((BLK, D), lambda i: (i, 0)),
        pl.BlockSpec((D, D), lambda i: (0, 0)),
        pl.BlockSpec((1, D), lambda i: (0, 0)),
    ],
    out_specs=pl.BlockSpec((BLK, D), lambda i: (i, 0)),
    out_shape=jax.ShapeDtypeStruct((N, D), jnp.float32),
)


def _tc_step_body(p0_ref, p1_ref, d0_ref, d1_ref, h_ref,
                  w1_ref, b1_ref, w2_ref, b2_ref, cl_ref, o_ref):
    deg = jnp.maximum(d0_ref[:, 0:1] + d1_ref[:, 0:1], 1.0)
    agg = (p0_ref[...] + p1_ref[...]) / deg
    z = jnp.dot(agg, w1_ref[...], preferred_element_type=jnp.float32) + b1_ref[...]
    z = 0.5 * z * (1.0 + lax.erf(z * (2.0 ** -0.5)))
    diff = jnp.tanh(
        jnp.dot(z, w2_ref[...], preferred_element_type=jnp.float32) + b2_ref[...])
    clr = jnp.maximum(cl_ref[0, 0], 0.0)
    o_ref[...] = h_ref[...] * (1.0 - clr * DT) + diff * DT


_tc_step = pl.pallas_call(
    _tc_step_body,
    grid=(N // BLK,),
    in_specs=[
        pl.BlockSpec((BLK, D), lambda i: (i, 0)),
        pl.BlockSpec((BLK, D), lambda i: (i, 0)),
        pl.BlockSpec((BLK, D), lambda i: (i, 0)),
        pl.BlockSpec((BLK, D), lambda i: (i, 0)),
        pl.BlockSpec((BLK, D), lambda i: (i, 0)),
        pl.BlockSpec((D, H2), lambda i: (0, 0)),
        pl.BlockSpec((1, H2), lambda i: (0, 0)),
        pl.BlockSpec((H2, D), lambda i: (0, 0)),
        pl.BlockSpec((1, D), lambda i: (0, 0)),
        pl.BlockSpec((1, 1), lambda i: (0, 0)),
    ],
    out_specs=pl.BlockSpec((BLK, D), lambda i: (i, 0)),
    out_shape=jax.ShapeDtypeStruct((N, D), jnp.float32),
)


def kernel(gat_out, edge_index, W_in, b_in, W1, b1, W2, b2, clearance):
    src = edge_index[0].astype(jnp.int32).reshape(NW, NCHUNKS, CHUNK)
    dst = edge_index[1].astype(jnp.int32).reshape(NW, NCHUNKS, CHUNK)
    zeros_nd = jnp.zeros((NPAD, D), jnp.float32)
    ones_nd = jnp.ones((N, D), jnp.float32)

    h0 = _tc_in(gat_out, W_in, b_in.reshape(1, D))
    degp = _sc_aggregate(ones_nd, src, dst, zeros_nd)
    d0 = degp[0]
    d1 = degp[1]
    b1r = b1.reshape(1, H2)
    b2r = b2.reshape(1, D)
    clr = clearance.reshape(1, 1)

    def step(_, h):
        p = _sc_aggregate(h, src, dst, zeros_nd)
        return _tc_step(p[0], p[1], d0, d1, h, W1, b1r, W2, b2r, clr)

    return lax.fori_loop(0, STEPS, step, h0)

# --- scband reference (transcript-rebuilt; emitter-appended) ---
"""Pipeline reference for scband-continuous-diffusion-30872224924148 (READ-ONLY COPY).

The authoritative reference and input builder live on the scoring server;
editing this copy changes nothing except your own understanding.
"""

import jax, jax.numpy as jnp
import numpy as np

N_NODES = 10000
N_EDGES = 320000
IN_DIM = 128
HID = 128
TIME = 6.0
STEPS = 12


def setup_inputs(seed: int = 0) -> dict:
    key = jax.random.key(seed)
    ks = jax.random.split(key, 10)
    gat_out = jax.random.normal(ks[0], (N_NODES, IN_DIM), dtype=jnp.float32)
    edge_index = jax.random.randint(ks[1], (2, N_EDGES), 0, N_NODES, dtype=jnp.int64)
    # Parameters (stored as [in, out] for x @ W convention)
    W_in = jax.random.normal(ks[2], (IN_DIM, HID), dtype=jnp.float32) * (1.0 / np.sqrt(IN_DIM))
    b_in = jnp.zeros((HID,), dtype=jnp.float32)
    W1 = jax.random.normal(ks[3], (HID, HID * 2), dtype=jnp.float32) * (1.0 / np.sqrt(HID))
    b1 = jnp.zeros((HID * 2,), dtype=jnp.float32)
    W2 = jax.random.normal(ks[4], (HID * 2, HID), dtype=jnp.float32) * (1.0 / np.sqrt(HID * 2))
    b2 = jnp.zeros((HID,), dtype=jnp.float32)
    clearance = jnp.ones((1,), dtype=jnp.float32) * 0.1
    return {"gat_out": gat_out, "edge_index": edge_index, "W_in": W_in, "b_in": b_in,
            "W1": W1, "b1": b1, "W2": W2, "b2": b2, "clearance": clearance}


def reference(gat_out, edge_index, W_in, b_in, W1, b1, W2, b2, clearance):
    N = gat_out.shape[0]
    dt = TIME / STEPS
    src = edge_index[0]
    dst = edge_index[1]
    h = jnp.tanh(gat_out @ W_in + b_in)
    # degree depends only on edge_index; identical math to the per-step torch computation
    degree = jax.ops.segment_sum(jnp.ones((src.shape[0],), dtype=jnp.float32), dst, num_segments=N)
    degree = jnp.maximum(degree, 1.0)[:, None]
    for _ in range(STEPS):
        agg = jax.ops.segment_sum(h[src], dst, num_segments=N)
        agg = agg / degree
        z = jax.nn.gelu(agg @ W1 + b1, approximate=False)  # torch nn.GELU default = exact erf
        diff = jnp.tanh(z @ W2 + b2)
        dh_dt = diff - jax.nn.relu(clearance) * h
        h = h + dh_dt * dt
    return h

if __name__ == "__main__":
    import jax
    _d = setup_inputs()
    print(jax.jit(kernel)(*tuple(_d.values())))

</pallas_src>

<mosaic_0001>
#map = affine_map<(d0, d1) -> (0, 0)>
#map1 = affine_map<(d0, d1) -> (0, 0, 0)>
module attributes {stable_mosaic.version = 14 : i64} {
  func.func @_sc_aggregate(%arg0: i32, %arg1: i32, %arg2: memref<10000x128xf32, #tpu.memory_space<hbm>>, %arg3: memref<32x80x125xi32, #tpu.memory_space<hbm>>, %arg4: memref<32x80x125xi32, #tpu.memory_space<hbm>>, %arg5: memref<10240x128xf32, #tpu.memory_space<hbm>>, %arg6: memref<2x10240x128xf32, #tpu.memory_space<hbm>>, %arg7: memref<125xi32, #tpu.memory_space<vmem>>, %arg8: memref<125xi32, #tpu.memory_space<vmem>>, %arg9: memref<125xi32, #tpu.memory_space<vmem>>, %arg10: memref<125xi32, #tpu.memory_space<vmem>>, %arg11: memref<125xi32, #tpu.memory_space<vmem>>, %arg12: memref<125xi32, #tpu.memory_space<vmem>>, %arg13: memref<125xi32, #tpu.memory_space<vmem>>, %arg14: memref<125xi32, #tpu.memory_space<vmem>>, %arg15: memref<125x128xf32, #tpu.memory_space<vmem>>, %arg16: memref<125x128xf32, #tpu.memory_space<vmem>>, %arg17: memref<10240x128xf32, #tpu.memory_space<vmem_shared>>, %arg18: memref<!tpu.dma_semaphore, #tpu.memory_space<semaphore_mem>>, %arg19: memref<!tpu.dma_semaphore, #tpu.memory_space<semaphore_mem>>, %arg20: memref<!tpu.dma_semaphore, #tpu.memory_space<semaphore_mem>>, %arg21: memref<!tpu.dma_semaphore, #tpu.memory_space<semaphore_mem>>) attributes {dimension_semantics = [#tpu.dimension_semantics<core_parallel>, #tpu.dimension_semantics<subcore_parallel>], iteration_bounds = array<i64: 2, 16>, scalar_prefetch = 0 : i64, scratch_operands = 15 : i64, tpu.core_type = #tpu.core_type<sc_vector_subcore>, window_params = [{transform_indices = #map}, {transform_indices = #map1}, {transform_indices = #map1}, {transform_indices = #map}, {transform_indices = #map1}]} {
    %mul3A = arith.constant 16 : i32
    %mul3A_0 = arith.muli %arg0, %mul3A : i32
    %add3A = arith.addi %mul3A_0, %arg1 : i32
    %run_scoped3A = arith.constant 0 : i32
    "tpu.region"() ({
      %run_scoped3A_76 = tpu.sem_alloc : memref<!tpu.dma_semaphore, #tpu.memory_space<semaphore_mem>>
      %dma_start3A_77 = arith.constant 0 : i32
      %dma_start3A_78 = arith.constant 0 : i32
      %dma_start3A_79 = tpu.memref_slice %arg3[%add3A, %dma_start3A_77, %dma_start3A_78] : memref<32x80x125xi32, #tpu.memory_space<hbm>> -> memref<1x80x125xi32, #tpu.memory_space<hbm>>
      %dma_start3A_80 = tpu.memref_squeeze %dma_start3A_79 : memref<1x80x125xi32, #tpu.memory_space<hbm>> -> memref<80x125xi32, #tpu.memory_space<hbm>>
      %dma_start3A_81 = arith.constant 0 : i32
      %dma_start3A_82 = tpu.memref_slice %dma_start3A_80[%run_scoped3A, %dma_start3A_81] : memref<80x125xi32, #tpu.memory_space<hbm>> -> memref<1x125xi32, #tpu.memory_space<hbm>>
      %dma_start3A_83 = tpu.memref_squeeze %dma_start3A_82 : memref<1x125xi32, #tpu.memory_space<hbm>> -> memref<125xi32, #tpu.memory_space<hbm>>
      %dma_start3A_84 = arith.constant 0 : i32
      %dma_start3A_85 = arith.constant 0 : i32
      %dma_start3A_86 = tpu.memref_slice %arg3[%add3A, %dma_start3A_84, %dma_start3A_85] : memref<32x80x125xi32, #tpu.memory_space<hbm>> -> memref<1x80x125xi32, #tpu.memory_space<hbm>>
      %dma_start3A_87 = tpu.memref_squeeze %dma_start3A_86 : memref<1x80x125xi32, #tpu.memory_space<hbm>> -> memref<80x125xi32, #tpu.memory_space<hbm>>
      %dma_start3A_88 = arith.constant 0 : i32
      %dma_start3A_89 = tpu.memref_slice %dma_start3A_87[%run_scoped3A, %dma_start3A_88] : memref<80x125xi32, #tpu.memory_space<hbm>> -> memref<1x125xi32, #tpu.memory_space<hbm>>
      %dma_start3A_90 = tpu.memref_squeeze %dma_start3A_89 : memref<1x125xi32, #tpu.memory_space<hbm>> -> memref<125xi32, #tpu.memory_space<hbm>>
      tpu.enqueue_dma source(%dma_start3A_90 : memref<125xi32, #tpu.memory_space<hbm>>) target(%arg7 : memref<125xi32, #tpu.memory_space<vmem>>) target_semaphore(%run_scoped3A_76 : memref<!tpu.dma_semaphore, #tpu.memory_space<semaphore_mem>>)
      %dma_wait3A_91 = arith.constant 0 : i32
      %dma_wait3A_92 = arith.constant 0 : i32
      %dma_wait3A_93 = tpu.memref_slice %arg3[%add3A, %dma_wait3A_91, %dma_wait3A_92] : memref<32x80x125xi32, #tpu.memory_space<hbm>> -> memref<1x80x125xi32, #tpu.memory_space<hbm>>
      %dma_wait3A_94 = tpu.memref_squeeze %dma_wait3A_93 : memref<1x80x125xi32, #tpu.memory_space<hbm>> -> memref<80x125xi32, #tpu.memory_space<hbm>>
      %dma_wait3A_95 = arith.constant 0 : i32
      %dma_wait3A_96 = tpu.memref_slice %dma_wait3A_94[%run_scoped3A, %dma_wait3A_95] : memref<80x125xi32, #tpu.memory_space<hbm>> -> memref<1x125xi32, #tpu.memory_space<hbm>>
      %dma_wait3A_97 = tpu.memref_squeeze %dma_wait3A_96 : memref<1x125xi32, #tpu.memory_space<hbm>> -> memref<125xi32, #tpu.memory_space<hbm>>
      %dma_wait3A_98 = arith.constant 0 : i32
      %dma_wait3A_99 = arith.constant 0 : i32
      %dma_wait3A_100 = tpu.memref_slice %arg3[%add3A, %dma_wait3A_98, %dma_wait3A_99] : memref<32x80x125xi32, #tpu.memory_space<hbm>> -> memref<1x80x125xi32, #tpu.memory_space<hbm>>
      %dma_wait3A_101 = tpu.memref_squeeze %dma_wait3A_100 : memref<1x80x125xi32, #tpu.memory_space<hbm>> -> memref<80x125xi32, #tpu.memory_space<hbm>>
      %dma_wait3A_102 = arith.constant 0 : i32
      %dma_wait3A_103 = tpu.memref_slice %dma_wait3A_101[%run_scoped3A, %dma_wait3A_102] : memref<80x125xi32, #tpu.memory_space<hbm>> -> memref<1x125xi32, #tpu.memory_space<hbm>>
      %dma_wait3A_104 = tpu.memref_squeeze %dma_wait3A_103 : memref<1x125xi32, #tpu.memory_space<hbm>> -> memref<125xi32, #tpu.memory_space<hbm>>
      tpu.wait_dma2 semaphore(%run_scoped3A_76 : memref<!tpu.dma_semaphore, #tpu.memory_space<semaphore_mem>>) src(%dma_wait3A_104 : memref<125xi32, #tpu.memory_space<hbm>>) dst(%arg7 : memref<125xi32, #tpu.memory_space<vmem>>)
      tpu.yield
    }) : () -> ()
    %run_scoped3A_1 = arith.constant 0 : i32
    "tpu.region"() ({
      %run_scoped3A_76 = tpu.sem_alloc : memref<!tpu.dma_semaphore, #tpu.memory_space<semaphore_mem>>
      %dma_start3A_77 = arith.constant 0 : i32
      %dma_start3A_78 = arith.constant 0 : i32
      %dma_start3A_79 = tpu.memref_slice %arg4[%add3A, %dma_start3A_77, %dma_start3A_78] : memref<32x80x125xi32, #tpu.memory_space<hbm>> -> memref<1x80x125xi32, #tpu.memory_space<hbm>>
      %dma_start3A_80 = tpu.memref_squeeze %dma_start3A_79 : memref<1x80x125xi32, #tpu.memory_space<hbm>> -> memref<80x125xi32, #tpu.memory_space<hbm>>
      %dma_start3A_81 = arith.constant 0 : i32
      %dma_start3A_82 = tpu.memref_slice %dma_start3A_80[%run_scoped3A_1, %dma_start3A_81] : memref<80x125xi32, #tpu.memory_space<hbm>> -> memref<1x125xi32, #tpu.memory_space<hbm>>
      %dma_start3A_83 = tpu.memref_squeeze %dma_start3A_82 : memref<1x125xi32, #tpu.memory_space<hbm>> -> memref<125xi32, #tpu.memory_space<hbm>>
      %dma_start3A_84 = arith.constant 0 : i32
      %dma_start3A_85 = arith.constant 0 : i32
      %dma_start3A_86 = tpu.memref_slice %arg4[%add3A, %dma_start3A_84, %dma_start3A_85] : memref<32x80x125xi32, #tpu.memory_space<hbm>> -> memref<1x80x125xi32, #tpu.memory_space<hbm>>
      %dma_start3A_87 = tpu.memref_squeeze %dma_start3A_86 : memref<1x80x125xi32, #tpu.memory_space<hbm>> -> memref<80x125xi32, #tpu.memory_space<hbm>>
      %dma_start3A_88 = arith.constant 0 : i32
      %dma_start3A_89 = tpu.memref_slice %dma_start3A_87[%run_scoped3A_1, %dma_start3A_88] : memref<80x125xi32, #tpu.memory_space<hbm>> -> memref<1x125xi32, #tpu.memory_space<hbm>>
      %dma_start3A_90 = tpu.memref_squeeze %dma_start3A_89 : memref<1x125xi32, #tpu.memory_space<hbm>> -> memref<125xi32, #tpu.memory_space<hbm>>
      tpu.enqueue_dma source(%dma_start3A_90 : memref<125xi32, #tpu.memory_space<hbm>>) target(%arg11 : memref<125xi32, #tpu.memory_space<vmem>>) target_semaphore(%run_scoped3A_76 : memref<!tpu.dma_semaphore, #tpu.memory_space<semaphore_mem>>)
      %dma_wait3A_91 = arith.constant 0 : i32
      %dma_wait3A_92 = arith.constant 0 : i32
      %dma_wait3A_93 = tpu.memref_slice %arg4[%add3A, %dma_wait3A_91, %dma_wait3A_92] : memref<32x80x125xi32, #tpu.memory_space<hbm>> -> memref<1x80x125xi32, #tpu.memory_space<hbm>>
      %dma_wait3A_94 = tpu.memref_squeeze %dma_wait3A_93 : memref<1x80x125xi32, #tpu.memory_space<hbm>> -> memref<80x125xi32, #tpu.memory_space<hbm>>
      %dma_wait3A_95 = arith.constant 0 : i32
      %dma_wait3A_96 = tpu.memref_slice %dma_wait3A_94[%run_scoped3A_1, %dma_wait3A_95] : memref<80x125xi32, #tpu.memory_space<hbm>> -> memref<1x125xi32, #tpu.memory_space<hbm>>
      %dma_wait3A_97 = tpu.memref_squeeze %dma_wait3A_96 : memref<1x125xi32, #tpu.memory_space<hbm>> -> memref<125xi32, #tpu.memory_space<hbm>>
      %dma_wait3A_98 = arith.constant 0 : i32
      %dma_wait3A_99 = arith.constant 0 : i32
      %dma_wait3A_100 = tpu.memref_slice %arg4[%add3A, %dma_wait3A_98, %dma_wait3A_99] : memref<32x80x125xi32, #tpu.memory_space<hbm>> -> memref<1x80x125xi32, #tpu.memory_space<hbm>>
      %dma_wait3A_101 = tpu.memref_squeeze %dma_wait3A_100 : memref<1x80x125xi32, #tpu.memory_space<hbm>> -> memref<80x125xi32, #tpu.memory_space<hbm>>
      %dma_wait3A_102 = arith.constant 0 : i32
      %dma_wait3A_103 = tpu.memref_slice %dma_wait3A_101[%run_scoped3A_1, %dma_wait3A_102] : memref<80x125xi32, #tpu.memory_space<hbm>> -> memref<1x125xi32, #tpu.memory_space<hbm>>
      %dma_wait3A_104 = tpu.memref_squeeze %dma_wait3A_103 : memref<1x125xi32, #tpu.memory_space<hbm>> -> memref<125xi32, #tpu.memory_space<hbm>>
      tpu.wait_dma2 semaphore(%run_scoped3A_76 : memref<!tpu.dma_semaphore, #tpu.memory_space<semaphore_mem>>) src(%dma_wait3A_104 : memref<125xi32, #tpu.memory_space<hbm>>) dst(%arg11 : memref<125xi32, #tpu.memory_space<vmem>>)
      tpu.yield
    }) : () -> ()
    %dma_start3A = arith.constant 0 : i32
    %dma_start3A_2 = arith.constant 0 : i32
    %dma_start3A_3 = tpu.memref_slice %arg2[%dma_start3A, %dma_start3A_2] : memref<10000x128xf32, #tpu.memory_space<hbm>> -> memref<10000x128xf32, #tpu.memory_space<hbm>>
    tpu.enqueue_indirect_dma source(%dma_start3A_3 : memref<10000x128xf32, #tpu.memory_space<hbm>>) target(%arg15 : memref<125x128xf32, #tpu.memory_space<vmem>>) offsets(%arg7 : memref<125xi32, #tpu.memory_space<vmem>>) semaphore(%arg19 : memref<!tpu.dma_semaphore, #tpu.memory_space<semaphore_mem>>)
    %dma_start3A_4 = arith.constant 1 : i32
    %dma_start3A_5 = arith.constant 0 : i32
    %dma_start3A_6 = arith.constant 0 : i32
    %dma_start3A_7 = tpu.memref_slice %arg3[%add3A, %dma_start3A_5, %dma_start3A_6] : memref<32x80x125xi32, #tpu.memory_space<hbm>> -> memref<1x80x125xi32, #tpu.memory_space<hbm>>
    %dma_start3A_8 = tpu.memref_squeeze %dma_start3A_7 : memref<1x80x125xi32, #tpu.memory_space<hbm>> -> memref<80x125xi32, #tpu.memory_space<hbm>>
    %dma_start3A_9 = arith.constant 0 : i32
    %dma_start3A_10 = tpu.memref_slice %dma_start3A_8[%dma_start3A_4, %dma_start3A_9] : memref<80x125xi32, #tpu.memory_space<hbm>> -> memref<1x125xi32, #tpu.memory_space<hbm>>
    %dma_start3A_11 = tpu.memref_squeeze %dma_start3A_10 : memref<1x125xi32, #tpu.memory_space<hbm>> -> memref<125xi32, #tpu.memory_space<hbm>>
    %dma_start3A_12 = arith.constant 0 : i32
    %dma_start3A_13 = arith.constant 0 : i32
    %dma_start3A_14 = tpu.memref_slice %arg3[%add3A, %dma_start3A_12, %dma_start3A_13] : memref<32x80x125xi32, #tpu.memory_space<hbm>> -> memref<1x80x125xi32, #tpu.memory_space<hbm>>
    %dma_start3A_15 = tpu.memref_squeeze %dma_start3A_14 : memref<1x80x125xi32, #tpu.memory_space<hbm>> -> memref<80x125xi32, #tpu.memory_space<hbm>>
    %dma_start3A_16 = arith.constant 0 : i32
    %dma_start3A_17 = tpu.memref_slice %dma_start3A_15[%dma_start3A_4, %dma_start3A_16] : memref<80x125xi32, #tpu.memory_space<hbm>> -> memref<1x125xi32, #tpu.memory_space<hbm>>
    %dma_start3A_18 = tpu.memref_squeeze %dma_start3A_17 : memref<1x125xi32, #tpu.memory_space<hbm>> -> memref<125xi32, #tpu.memory_space<hbm>>
    tpu.enqueue_dma source(%dma_start3A_18 : memref<125xi32, #tpu.memory_space<hbm>>) target(%arg8 : memref<125xi32, #tpu.memory_space<vmem>>) target_semaphore(%arg18 : memref<!tpu.dma_semaphore, #tpu.memory_space<semaphore_mem>>)
    %dma_start3A_19 = arith.constant 1 : i32
    %dma_start3A_20 = arith.constant 0 : i32
    %dma_start3A_21 = arith.constant 0 : i32
    %dma_start3A_22 = tpu.memref_slice %arg4[%add3A, %dma_start3A_20, %dma_start3A_21] : memref<32x80x125xi32, #tpu.memory_space<hbm>> -> memref<1x80x125xi32, #tpu.memory_space<hbm>>
    %dma_start3A_23 = tpu.memref_squeeze %dma_start3A_22 : memref<1x80x125xi32, #tpu.memory_space<hbm>> -> memref<80x125xi32, #tpu.memory_space<hbm>>
    %dma_start3A_24 = arith.constant 0 : i32
    %dma_start3A_25 = tpu.memref_slice %dma_start3A_23[%dma_start3A_19, %dma_start3A_24] : memref<80x125xi32, #tpu.memory_space<hbm>> -> memref<1x125xi32, #tpu.memory_space<hbm>>
    %dma_start3A_26 = tpu.memref_squeeze %dma_start3A_25 : memref<1x125xi32, #tpu.memory_space<hbm>> -> memref<125xi32, #tpu.memory_space<hbm>>
    %dma_start3A_27 = arith.constant 0 : i32
    %dma_start3A_28 = arith.constant 0 : i32
    %dma_start3A_29 = tpu.memref_slice %arg4[%add3A, %dma_start3A_27, %dma_start3A_28] : memref<32x80x125xi32, #tpu.memory_space<hbm>> -> memref<1x80x125xi32, #tpu.memory_space<hbm>>
    %dma_start3A_30 = tpu.memref_squeeze %dma_start3A_29 : memref<1x80x125xi32, #tpu.memory_space<hbm>> -> memref<80x125xi32, #tpu.memory_space<hbm>>
    %dma_start3A_31 = arith.constant 0 : i32
    %dma_start3A_32 = tpu.memref_slice %dma_start3A_30[%dma_start3A_19, %dma_start3A_31] : memref<80x125xi32, #tpu.memory_space<hbm>> -> memref<1x125xi32, #tpu.memory_space<hbm>>
    %dma_start3A_33 = tpu.memref_squeeze %dma_start3A_32 : memref<1x125xi32, #tpu.memory_space<hbm>> -> memref<125xi32, #tpu.memory_space<hbm>>
    tpu.enqueue_dma source(%dma_start3A_33 : memref<125xi32, #tpu.memory_space<hbm>>) target(%arg12 : memref<125xi32, #tpu.memory_space<vmem>>) target_semaphore(%arg18 : memref<!tpu.dma_semaphore, #tpu.memory_space<semaphore_mem>>)
    %dma_start3A_34 = arith.constant 2 : i32
    %dma_start3A_35 = arith.constant 0 : i32
    %dma_start3A_36 = arith.constant 0 : i32
    %dma_start3A_37 = tpu.memref_slice %arg3[%add3A, %dma_start3A_35, %dma_start3A_36] : memref<32x80x125xi32, #tpu.memory_space<hbm>> -> memref<1x80x125xi32, #tpu.memory_space<hbm>>
    %dma_start3A_38 = tpu.memref_squeeze %dma_start3A_37 : memref<1x80x125xi32, #tpu.memory_space<hbm>> -> memref<80x125xi32, #tpu.memory_space<hbm>>
    %dma_start3A_39 = arith.constant 0 : i32
    %dma_start3A_40 = tpu.memref_slice %dma_start3A_38[%dma_start3A_34, %dma_start3A_39] : memref<80x125xi32, #tpu.memory_space<hbm>> -> memref<1x125xi32, #tpu.memory_space<hbm>>
    %dma_start3A_41 = tpu.memref_squeeze %dma_start3A_40 : memref<1x125xi32, #tpu.memory_space<hbm>> -> memref<125xi32, #tpu.memory_space<hbm>>
    %dma_start3A_42 = arith.constant 0 : i32
    %dma_start3A_43 = arith.constant 0 : i32
    %dma_start3A_44 = tpu.memref_slice %arg3[%add3A, %dma_start3A_42, %dma_start3A_43] : memref<32x80x125xi32, #tpu.memory_space<hbm>> -> memref<1x80x125xi32, #tpu.memory_space<hbm>>
    %dma_start3A_45 = tpu.memref_squeeze %dma_start3A_44 : memref<1x80x125xi32, #tpu.memory_space<hbm>> -> memref<80x125xi32, #tpu.memory_space<hbm>>
    %dma_start3A_46 = arith.constant 0 : i32
    %dma_start3A_47 = tpu.memref_slice %dma_start3A_45[%dma_start3A_34, %dma_start3A_46] : memref<80x125xi32, #tpu.memory_space<hbm>> -> memref<1x125xi32, #tpu.memory_space<hbm>>
    %dma_start3A_48 = tpu.memref_squeeze %dma_start3A_47 : memref<1x125xi32, #tpu.memory_space<hbm>> -> memref<125xi32, #tpu.memory_space<hbm>>
    tpu.enqueue_dma source(%dma_start3A_48 : memref<125xi32, #tpu.memory_space<hbm>>) target(%arg9 : memref<125xi32, #tpu.memory_space<vmem>>) target_semaphore(%arg18 : memref<!tpu.dma_semaphore, #tpu.memory_space<semaphore_mem>>)
    %dma_start3A_49 = arith.constant 2 : i32
    %dma_start3A_50 = arith.constant 0 : i32
    %dma_start3A_51 = arith.constant 0 : i32
    %dma_start3A_52 = tpu.memref_slice %arg4[%add3A, %dma_start3A_50, %dma_start3A_51] : memref<32x80x125xi32, #tpu.memory_space<hbm>> -> memref<1x80x125xi32, #tpu.memory_space<hbm>>
    %dma_start3A_53 = tpu.memref_squeeze %dma_start3A_52 : memref<1x80x125xi32, #tpu.memory_space<hbm>> -> memref<80x125xi32, #tpu.memory_space<hbm>>
    %dma_start3A_54 = arith.constant 0 : i32
    %dma_start3A_55 = tpu.memref_slice %dma_start3A_53[%dma_start3A_49, %dma_start3A_54] : memref<80x125xi32, #tpu.memory_space<hbm>> -> memref<1x125xi32, #tpu.memory_space<hbm>>
    %dma_start3A_56 = tpu.memref_squeeze %dma_start3A_55 : memref<1x125xi32, #tpu.memory_space<hbm>> -> memref<125xi32, #tpu.memory_space<hbm>>
    %dma_start3A_57 = arith.constant 0 : i32
    %dma_start3A_58 = arith.constant 0 : i32
    %dma_start3A_59 = tpu.memref_slice %arg4[%add3A, %dma_start3A_57, %dma_start3A_58] : memref<32x80x125xi32, #tpu.memory_space<hbm>> -> memref<1x80x125xi32, #tpu.memory_space<hbm>>
    %dma_start3A_60 = tpu.memref_squeeze %dma_start3A_59 : memref<1x80x125xi32, #tpu.memory_space<hbm>> -> memref<80x125xi32, #tpu.memory_space<hbm>>
    %dma_start3A_61 = arith.constant 0 : i32
    %dma_start3A_62 = tpu.memref_slice %dma_start3A_60[%dma_start3A_49, %dma_start3A_61] : memref<80x125xi32, #tpu.memory_space<hbm>> -> memref<1x125xi32, #tpu.memory_space<hbm>>
    %dma_start3A_63 = tpu.memref_squeeze %dma_start3A_62 : memref<1x125xi32, #tpu.memory_space<hbm>> -> memref<125xi32, #tpu.memory_space<hbm>>
    tpu.enqueue_dma source(%dma_start3A_63 : memref<125xi32, #tpu.memory_space<hbm>>) target(%arg13 : memref<125xi32, #tpu.memory_space<vmem>>) target_semaphore(%arg18 : memref<!tpu.dma_semaphore, #tpu.memory_space<semaphore_mem>>)
    %mul3A_64 = arith.constant 640 : i32
    %mul3A_65 = arith.muli %arg1, %mul3A_64 : i32
    "tpu.region"() ({
      %run_scoped3A_76 = tpu.sem_alloc : memref<!tpu.dma_semaphore, #tpu.memory_space<semaphore_mem>>
      %dma_start3A_77 = arith.constant 0 : i32
      %dma_start3A_78 = tpu.memref_slice %arg17[%mul3A_65, %dma_start3A_77] : memref<10240x128xf32, #tpu.memory_space<vmem_shared>> -> memref<640x128xf32, #tpu.memory_space<vmem_shared>>
      %dma_start3A_79 = arith.constant 0 : i32
      %dma_start3A_80 = tpu.memref_slice %arg5[%mul3A_65, %dma_start3A_79] : memref<10240x128xf32, #tpu.memory_space<hbm>> -> memref<640x128xf32, #tpu.memory_space<hbm>>
      tpu.enqueue_dma source(%dma_start3A_80 : memref<640x128xf32, #tpu.memory_space<hbm>>) target(%dma_start3A_78 : memref<640x128xf32, #tpu.memory_space<vmem_shared>>) target_semaphore(%run_scoped3A_76 : memref<!tpu.dma_semaphore, #tpu.memory_space<semaphore_mem>>)
      %dma_wait3A_81 = arith.constant 0 : i32
      %dma_wait3A_82 = tpu.memref_slice %arg17[%mul3A_65, %dma_wait3A_81] : memref<10240x128xf32, #tpu.memory_space<vmem_shared>> -> memref<640x128xf32, #tpu.memory_space<vmem_shared>>
      %dma_wait3A_83 = arith.constant 0 : i32
      %dma_wait3A_84 = tpu.memref_slice %arg5[%mul3A_65, %dma_wait3A_83] : memref<10240x128xf32, #tpu.memory_space<hbm>> -> memref<640x128xf32, #tpu.memory_space<hbm>>
      tpu.wait_dma2 semaphore(%run_scoped3A_76 : memref<!tpu.dma_semaphore, #tpu.memory_space<semaphore_mem>>) src(%dma_wait3A_84 : memref<640x128xf32, #tpu.memory_space<hbm>>) dst(%dma_wait3A_82 : memref<640x128xf32, #tpu.memory_space<vmem_shared>>)
      tpu.yield
    }) : () -> ()
    %barrier3A = arith.constant 0 : index
    tpu.barrier barrier_id(%barrier3A)
    %scan3A = arith.constant 0 : i32
    %scan3A_66 = arith.constant 20 : i32
    %scan3A_67 = arith.addi %scan3A, %scan3A_66 : i32
    %scan3A_68 = arith.constant 1 : i32
    scf.for %scan3A_76 = %scan3A to %scan3A_67 step %scan3A_68  : i32 {
      %mul3A_77 = arith.constant 4 : i32
      %mul3A_78 = arith.muli %scan3A_76, %mul3A_77 : i32
      %add3A_79 = arith.constant 0 : i32
      %add3A_80 = arith.addi %add3A_79, %mul3A_78 : i32
      %add3A_81 = arith.constant 0 : i32
      %add3A_82 = arith.addi %add3A_80, %add3A_81 : i32
      %add3A_83 = arith.constant 1 : i32
      %add3A_84 = arith.addi %add3A_82, %add3A_83 : i32
      %lt3A = arith.constant 80 : i32
      %lt3A_85 = arith.cmpi slt, %add3A_84, %lt3A : i32
      %convert_element_type3A = arith.extui %lt3A_85 : i1 to i32
      %cond3A = arith.constant 0 : i32
      %cond3A_86 = arith.cmpi ne, %convert_element_type3A, %cond3A : i32
      scf.if %cond3A_86 {
        %ge3A = arith.constant 1 : i32
        %ge3A_138 = arith.cmpi sge, %add3A_82, %ge3A : i32
        %convert_element_type3A_139 = arith.extui %ge3A_138 : i1 to i32
        %cond3A_140 = arith.constant 0 : i32
        %cond3A_141 = arith.cmpi ne, %convert_element_type3A_139, %cond3A_140 : i32
        scf.if %cond3A_141 {
          %dma_wait3A_184 = arith.constant 0 : i32
          %dma_wait3A_185 = arith.constant 0 : i32
          %dma_wait3A_186 = tpu.memref_slice %arg17[%dma_wait3A_184, %dma_wait3A_185] : memref<10240x128xf32, #tpu.memory_space<vmem_shared>> -> memref<10240x128xf32, #tpu.memory_space<vmem_shared>>
          tpu.wait_indirect_dma semaphore(%arg21 : memref<!tpu.dma_semaphore, #tpu.memory_space<semaphore_mem>>) src(%arg16 : memref<125x128xf32, #tpu.memory_space<vmem>>) dst(%dma_wait3A_186 : memref<10240x128xf32, #tpu.memory_space<vmem_shared>>)
        } else {
        }
        %add3A_142 = arith.constant 1 : i32
        %add3A_143 = arith.addi %add3A_82, %add3A_142 : i32
        %dma_wait3A_144 = arith.constant 0 : i32
        %dma_wait3A_145 = arith.constant 0 : i32
        %dma_wait3A_146 = tpu.memref_slice %arg3[%add3A, %dma_wait3A_144, %dma_wait3A_145] : memref<32x80x125xi32, #tpu.memory_space<hbm>> -> memref<1x80x125xi32, #tpu.memory_space<hbm>>
        %dma_wait3A_147 = tpu.memref_squeeze %dma_wait3A_146 : memref<1x80x125xi32, #tpu.memory_space<hbm>> -> memref<80x125xi32, #tpu.memory_space<hbm>>
        %dma_wait3A_148 = arith.constant 0 : i32
        %dma_wait3A_149 = tpu.memref_slice %dma_wait3A_147[%add3A_143, %dma_wait3A_148] : memref<80x125xi32, #tpu.memory_space<hbm>> -> memref<1x125xi32, #tpu.memory_space<hbm>>
        %dma_wait3A_150 = tpu.memref_squeeze %dma_wait3A_149 : memref<1x125xi32, #tpu.memory_space<hbm>> -> memref<125xi32, #tpu.memory_space<hbm>>
        %dma_wait3A_151 = arith.constant 0 : i32
        %dma_wait3A_152 = arith.constant 0 : i32
        %dma_wait3A_153 = tpu.memref_slice %arg3[%add3A, %dma_wait3A_151, %dma_wait3A_152] : memref<32x80x125xi32, #tpu.memory_space<hbm>> -> memref<1x80x125xi32, #tpu.memory_space<hbm>>
        %dma_wait3A_154 = tpu.memref_squeeze %dma_wait3A_153 : memref<1x80x125xi32, #tpu.memory_space<hbm>> -> memref<80x125xi32, #tpu.memory_space<hbm>>
        %dma_wait3A_155 = arith.constant 0 : i32
        %dma_wait3A_156 = tpu.memref_slice %dma_wait3A_154[%add3A_143, %dma_wait3A_155] : memref<80x125xi32, #tpu.memory_space<hbm>> -> memref<1x125xi32, #tpu.memory_space<hbm>>
        %dma_wait3A_157 = tpu.memref_squeeze %dma_wait3A_156 : memref<1x125xi32, #tpu.memory_space<hbm>> -> memref<125xi32, #tpu.memory_space<hbm>>
        tpu.wait_dma2 semaphore(%arg18 : memref<!tpu.dma_semaphore, #tpu.memory_space<semaphore_mem>>) src(%dma_wait3A_157 : memref<125xi32, #tpu.memory_space<hbm>>) dst(%arg8 : memref<125xi32, #tpu.memory_space<vmem>>)
        %add3A_158 = arith.constant 1 : i32
        %add3A_159 = arith.addi %add3A_82, %add3A_158 : i32
        %dma_wait3A_160 = arith.constant 0 : i32
        %dma_wait3A_161 = arith.constant 0 : i32
        %dma_wait3A_162 = tpu.memref_slice %arg4[%add3A, %dma_wait3A_160, %dma_wait3A_161] : memref<32x80x125xi32, #tpu.memory_space<hbm>> -> memref<1x80x125xi32, #tpu.memory_space<hbm>>
        %dma_wait3A_163 = tpu.memref_squeeze %dma_wait3A_162 : memref<1x80x125xi32, #tpu.memory_space<hbm>> -> memref<80x125xi32, #tpu.memory_space<hbm>>
        %dma_wait3A_164 = arith.constant 0 : i32
        %dma_wait3A_165 = tpu.memref_slice %dma_wait3A_163[%add3A_159, %dma_wait3A_164] : memref<80x125xi32, #tpu.memory_space<hbm>> -> memref<1x125xi32, #tpu.memory_space<hbm>>
        %dma_wait3A_166 = tpu.memref_squeeze %dma_wait3A_165 : memref<1x125xi32, #tpu.memory_space<hbm>> -> memref<125xi32, #tpu.memory_space<hbm>>
        %dma_wait3A_167 = arith.constant 0 : i32
        %dma_wait3A_168 = arith.constant 0 : i32
        %dma_wait3A_169 = tpu.memref_slice %arg4[%add3A, %dma_wait3A_167, %dma_wait3A_168] : memref<32x80x125xi32, #tpu.memory_space<hbm>> -> memref<1x80x125xi32, #tpu.memory_space<hbm>>
        %dma_wait3A_170 = tpu.memref_squeeze %dma_wait3A_169 : memref<1x80x125xi32, #tpu.memory_space<hbm>> -> memref<80x125xi32, #tpu.memory_space<hbm>>
        %dma_wait3A_171 = arith.constant 0 : i32
        %dma_wait3A_172 = tpu.memref_slice %dma_wait3A_170[%add3A_159, %dma_wait3A_171] : memref<80x125xi32, #tpu.memory_space<hbm>> -> memref<1x125xi32, #tpu.memory_space<hbm>>
        %dma_wait3A_173 = tpu.memref_squeeze %dma_wait3A_172 : memref<1x125xi32, #tpu.memory_space<hbm>> -> memref<125xi32, #tpu.memory_space<hbm>>
        tpu.wait_dma2 semaphore(%arg18 : memref<!tpu.dma_semaphore, #tpu.memory_space<semaphore_mem>>) src(%dma_wait3A_173 : memref<125xi32, #tpu.memory_space<hbm>>) dst(%arg12 : memref<125xi32, #tpu.memory_space<vmem>>)
        %dma_start3A_174 = arith.constant 0 : i32
        %dma_start3A_175 = arith.constant 0 : i32
        %dma_start3A_176 = tpu.memref_slice %arg2[%dma_start3A_174, %dma_start3A_175] : memref<10000x128xf32, #tpu.memory_space<hbm>> -> memref<10000x128xf32, #tpu.memory_space<hbm>>
        tpu.enqueue_indirect_dma source(%dma_start3A_176 : memref<10000x128xf32, #tpu.memory_space<hbm>>) target(%arg16 : memref<125x128xf32, #tpu.memory_space<vmem>>) offsets(%arg8 : memref<125xi32, #tpu.memory_space<vmem>>) semaphore(%arg19 : memref<!tpu.dma_semaphore, #tpu.memory_space<semaphore_mem>>)
        %add3A_177 = arith.constant 3 : i32
        %add3A_178 = arith.addi %add3A_82, %add3A_177 : i32
        %lt3A_179 = arith.constant 80 : i32
        %lt3A_180 = arith.cmpi slt, %add3A_178, %lt3A_179 : i32
        %convert_element_type3A_181 = arith.extui %lt3A_180 : i1 to i32
        %cond3A_182 = arith.constant 0 : i32
        %cond3A_183 = arith.cmpi ne, %convert_element_type3A_181, %cond3A_182 : i32
        scf.if %cond3A_183 {
          %add3A_184 = arith.constant 3 : i32
          %add3A_185 = arith.addi %add3A_82, %add3A_184 : i32
          %dma_start3A_186 = arith.constant 0 : i32
          %dma_start3A_187 = arith.constant 0 : i32
          %dma_start3A_188 = tpu.memref_slice %arg3[%add3A, %dma_start3A_186, %dma_start3A_187] : memref<32x80x125xi32, #tpu.memory_space<hbm>> -> memref<1x80x125xi32, #tpu.memory_space<hbm>>
          %dma_start3A_189 = tpu.memref_squeeze %dma_start3A_188 : memref<1x80x125xi32, #tpu.memory_space<hbm>> -> memref<80x125xi32, #tpu.memory_space<hbm>>
          %dma_start3A_190 = arith.constant 0 : i32
          %dma_start3A_191 = tpu.memref_slice %dma_start3A_189[%add3A_185, %dma_start3A_190] : memref<80x125xi32, #tpu.memory_space<hbm>> -> memref<1x125xi32, #tpu.memory_space<hbm>>
          %dma_start3A_192 = tpu.memref_squeeze %dma_start3A_191 : memref<1x125xi32, #tpu.memory_space<hbm>> -> memref<125xi32, #tpu.memory_space<hbm>>
          %dma_start3A_193 = arith.constant 0 : i32
          %dma_start3A_194 = arith.constant 0 : i32
          %dma_start3A_195 = tpu.memref_slice %arg3[%add3A, %dma_start3A_193, %dma_start3A_194] : memref<32x80x125xi32, #tpu.memory_space<hbm>> -> memref<1x80x125xi32, #tpu.memory_space<hbm>>
          %dma_start3A_196 = tpu.memref_squeeze %dma_start3A_195 : memref<1x80x125xi32, #tpu.memory_space<hbm>> -> memref<80x125xi32, #tpu.memory_space<hbm>>
          %dma_start3A_197 = arith.constant 0 : i32
          %dma_start3A_198 = tpu.memref_slice %dma_start3A_196[%add3A_185, %dma_start3A_197] : memref<80x125xi32, #tpu.memory_space<hbm>> -> memref<1x125xi32, #tpu.memory_space<hbm>>
          %dma_start3A_199 = tpu.memref_squeeze %dma_start3A_198 : memref<1x125xi32, #tpu.memory_space<hbm>> -> memref<125xi32, #tpu.memory_space<hbm>>
          tpu.enqueue_dma source(%dma_start3A_199 : memref<125xi32, #tpu.memory_space<hbm>>) target(%arg10 : memref<125xi32, #tpu.memory_space<vmem>>) target_semaphore(%arg18 : memref<!tpu.dma_semaphore, #tpu.memory_space<semaphore_mem>>)
          %add3A_200 = arith.constant 3 : i32
          %add3A_201 = arith.addi %add3A_82, %add3A_200 : i32
          %dma_start3A_202 = arith.constant 0 : i32
          %dma_start3A_203 = arith.constant 0 : i32
          %dma_start3A_204 = tpu.memref_slice %arg4[%add3A, %dma_start3A_202, %dma_start3A_203] : memref<32x80x125xi32, #tpu.memory_space<hbm>> -> memref<1x80x125xi32, #tpu.memory_space<hbm>>
          %dma_start3A_205 = tpu.memref_squeeze %dma_start3A_204 : memref<1x80x125xi32, #tpu.memory_space<hbm>> -> memref<80x125xi32, #tpu.memory_space<hbm>>
          %dma_start3A_206 = arith.constant 0 : i32
          %dma_start3A_207 = tpu.memref_slice %dma_start3A_205[%add3A_201, %dma_start3A_206] : memref<80x125xi32, #tpu.memory_space<hbm>> -> memref<1x125xi32, #tpu.memory_space<hbm>>
          %dma_start3A_208 = tpu.memref_squeeze %dma_start3A_207 : memref<1x125xi32, #tpu.memory_space<hbm>> -> memref<125xi32, #tpu.memory_space<hbm>>
          %dma_start3A_209 = arith.constant 0 : i32
          %dma_start3A_210 = arith.constant 0 : i32
          %dma_start3A_211 = tpu.memref_slice %arg4[%add3A, %dma_start3A_209, %dma_start3A_210] : memref<32x80x125xi32, #tpu.memory_space<hbm>> -> memref<1x80x125xi32, #tpu.memory_space<hbm>>
          %dma_start3A_212 = tpu.memref_squeeze %dma_start3A_211 : memref<1x80x125xi32, #tpu.memory_space<hbm>> -> memref<80x125xi32, #tpu.memory_space<hbm>>
          %dma_start3A_213 = arith.constant 0 : i32
          %dma_start3A_214 = tpu.memref_slice %dma_start3A_212[%add3A_201, %dma_start3A_213] : memref<80x125xi32, #tpu.memory_space<hbm>> -> memref<1x125xi32, #tpu.memory_space<hbm>>
          %dma_start3A_215 = tpu.memref_squeeze %dma_start3A_214 : memref<1x125xi32, #tpu.memory_space<hbm>> -> memref<125xi32, #tpu.memory_space<hbm>>
          tpu.enqueue_dma source(%dma_start3A_215 : memref<125xi32, #tpu.memory_space<hbm>>) target(%arg14 : memref<125xi32, #tpu.memory_space<vmem>>) target_semaphore(%arg18 : memref<!tpu.dma_semaphore, #tpu.memory_space<semaphore_mem>>)
        } else {
        }
      } else {
      }
      %dma_wait3A_87 = arith.constant 0 : i32
      %dma_wait3A_88 = arith.constant 0 : i32
      %dma_wait3A_89 = tpu.memref_slice %arg2[%dma_wait3A_87, %dma_wait3A_88] : memref<10000x128xf32, #tpu.memory_space<hbm>> -> memref<10000x128xf32, #tpu.memory_space<hbm>>
      tpu.wait_indirect_dma semaphore(%arg19 : memref<!tpu.dma_semaphore, #tpu.memory_space<semaphore_mem>>) src(%dma_wait3A_89 : memref<10000x128xf32, #tpu.memory_space<hbm>>) dst(%arg15 : memref<125x128xf32, #tpu.memory_space<vmem>>)
      %dma_start3A_90 = arith.constant 0 : i32
      %dma_start3A_91 = arith.constant 0 : i32
      %dma_start3A_92 = tpu.memref_slice %arg17[%dma_start3A_90, %dma_start3A_91] : memref<10240x128xf32, #tpu.memory_space<vmem_shared>> -> memref<10240x128xf32, #tpu.memory_space<vmem_shared>>
      tpu.enqueue_indirect_dma source(%arg15 : memref<125x128xf32, #tpu.memory_space<vmem>>) target(%dma_start3A_92 : memref<10240x128xf32, #tpu.memory_space<vmem_shared>>) offsets(%arg11 : memref<125xi32, #tpu.memory_space<vmem>>) semaphore(%arg20 : memref<!tpu.dma_semaphore, #tpu.memory_space<semaphore_mem>>) {add = true}
      %add3A_93 = arith.constant 1 : i32
      %add3A_94 = arith.addi %add3A_80, %add3A_93 : i32
      %add3A_95 = arith.constant 1 : i32
      %add3A_96 = arith.addi %add3A_94, %add3A_95 : i32
      %lt3A_97 = arith.constant 80 : i32
      %lt3A_98 = arith.cmpi slt, %add3A_96, %lt3A_97 : i32
      %convert_element_type3A_99 = arith.extui %lt3A_98 : i1 to i32
      %cond3A_100 = arith.constant 0 : i32
      %cond3A_101 = arith.cmpi ne, %convert_element_type3A_99, %cond3A_100 : i32
      scf.if %cond3A_101 {
        %ge3A = arith.constant 1 : i32
        %ge3A_138 = arith.cmpi sge, %add3A_94, %ge3A : i32
        %convert_element_type3A_139 = arith.extui %ge3A_138 : i1 to i32
        %cond3A_140 = arith.constant 0 : i32
        %cond3A_141 = arith.cmpi ne, %convert_element_type3A_139, %cond3A_140 : i32
        scf.if %cond3A_141 {
          %dma_wait3A_184 = arith.constant 0 : i32
          %dma_wait3A_185 = arith.constant 0 : i32
          %dma_wait3A_186 = tpu.memref_slice %arg17[%dma_wait3A_184, %dma_wait3A_185] : memref<10240x128xf32, #tpu.memory_space<vmem_shared>> -> memref<10240x128xf32, #tpu.memory_space<vmem_shared>>
          tpu.wait_indirect_dma semaphore(%arg20 : memref<!tpu.dma_semaphore, #tpu.memory_space<semaphore_mem>>) src(%arg15 : memref<125x128xf32, #tpu.memory_space<vmem>>) dst(%dma_wait3A_186 : memref<10240x128xf32, #tpu.memory_space<vmem_shared>>)
        } else {
        }
        %add3A_142 = arith.constant 1 : i32
        %add3A_143 = arith.addi %add3A_94, %add3A_142 : i32
        %dma_wait3A_144 = arith.constant 0 : i32
        %dma_wait3A_145 = arith.constant 0 : i32
        %dma_wait3A_146 = tpu.memref_slice %arg3[%add3A, %dma_wait3A_144, %dma_wait3A_145] : memref<32x80x125xi32, #tpu.memory_space<hbm>> -> memref<1x80x125xi32, #tpu.memory_space<hbm>>
        %dma_wait3A_147 = tpu.memref_squeeze %dma_wait3A_146 : memref<1x80x125xi32, #tpu.memory_space<hbm>> -> memref<80x125xi32, #tpu.memory_space<hbm>>
        %dma_wait3A_148 = arith.constant 0 : i32
        %dma_wait3A_149 = tpu.memref_slice %dma_wait3A_147[%add3A_143, %dma_wait3A_148] : memref<80x125xi32, #tpu.memory_space<hbm>> -> memref<1x125xi32, #tpu.memory_space<hbm>>
        %dma_wait3A_150 = tpu.memref_squeeze %dma_wait3A_149 : memref<1x125xi32, #tpu.memory_space<hbm>> -> memref<125xi32, #tpu.memory_space<hbm>>
        %dma_wait3A_151 = arith.constant 0 : i32
        %dma_wait3A_152 = arith.constant 0 : i32
        %dma_wait3A_153 = tpu.memref_slice %arg3[%add3A, %dma_wait3A_151, %dma_wait3A_152] : memref<32x80x125xi32, #tpu.memory_space<hbm>> -> memref<1x80x125xi32, #tpu.memory_space<hbm>>
        %dma_wait3A_154 = tpu.memref_squeeze %dma_wait3A_153 : memref<1x80x125xi32, #tpu.memory_space<hbm>> -> memref<80x125xi32, #tpu.memory_space<hbm>>
        %dma_wait3A_155 = arith.constant 0 : i32
        %dma_wait3A_156 = tpu.memref_slice %dma_wait3A_154[%add3A_143, %dma_wait3A_155] : memref<80x125xi32, #tpu.memory_space<hbm>> -> memref<1x125xi32, #tpu.memory_space<hbm>>
        %dma_wait3A_157 = tpu.memref_squeeze %dma_wait3A_156 : memref<1x125xi32, #tpu.memory_space<hbm>> -> memref<125xi32, #tpu.memory_space<hbm>>
        tpu.wait_dma2 semaphore(%arg18 : memref<!tpu.dma_semaphore, #tpu.memory_space<semaphore_mem>>) src(%dma_wait3A_157 : memref<125xi32, #tpu.memory_space<hbm>>) dst(%arg9 : memref<125xi32, #tpu.memory_space<vmem>>)
        %add3A_158 = arith.constant 1 : i32
        %add3A_159 = arith.addi %add3A_94, %add3A_158 : i32
        %dma_wait3A_160 = arith.constant 0 : i32
        %dma_wait3A_161 = arith.constant 0 : i32
        %dma_wait3A_162 = tpu.memref_slice %arg4[%add3A, %dma_wait3A_160, %dma_wait3A_161] : memref<32x80x125xi32, #tpu.memory_space<hbm>> -> memref<1x80x125xi32, #tpu.memory_space<hbm>>
        %dma_wait3A_163 = tpu.memref_squeeze %dma_wait3A_162 : memref<1x80x125xi32, #tpu.memory_space<hbm>> -> memref<80x125xi32, #tpu.memory_space<hbm>>
        %dma_wait3A_164 = arith.constant 0 : i32
        %dma_wait3A_165 = tpu.memref_slice %dma_wait3A_163[%add3A_159, %dma_wait3A_164] : memref<80x125xi32, #tpu.memory_space<hbm>> -> memref<1x125xi32, #tpu.memory_space<hbm>>
        %dma_wait3A_166 = tpu.memref_squeeze %dma_wait3A_165 : memref<1x125xi32, #tpu.memory_space<hbm>> -> memref<125xi32, #tpu.memory_space<hbm>>
        %dma_wait3A_167 = arith.constant 0 : i32
        %dma_wait3A_168 = arith.constant 0 : i32
        %dma_wait3A_169 = tpu.memref_slice %arg4[%add3A, %dma_wait3A_167, %dma_wait3A_168] : memref<32x80x125xi32, #tpu.memory_space<hbm>> -> memref<1x80x125xi32, #tpu.memory_space<hbm>>
        %dma_wait3A_170 = tpu.memref_squeeze %dma_wait3A_169 : memref<1x80x125xi32, #tpu.memory_space<hbm>> -> memref<80x125xi32, #tpu.memory_space<hbm>>
        %dma_wait3A_171 = arith.constant 0 : i32
        %dma_wait3A_172 = tpu.memref_slice %dma_wait3A_170[%add3A_159, %dma_wait3A_171] : memref<80x125xi32, #tpu.memory_space<hbm>> -> memref<1x125xi32, #tpu.memory_space<hbm>>
        %dma_wait3A_173 = tpu.memref_squeeze %dma_wait3A_172 : memref<1x125xi32, #tpu.memory_space<hbm>> -> memref<125xi32, #tpu.memory_space<hbm>>
        tpu.wait_dma2 semaphore(%arg18 : memref<!tpu.dma_semaphore, #tpu.memory_space<semaphore_mem>>) src(%dma_wait3A_173 : memref<125xi32, #tpu.memory_space<hbm>>) dst(%arg13 : memref<125xi32, #tpu.memory_space<vmem>>)
        %dma_start3A_174 = arith.constant 0 : i32
        %dma_start3A_175 = arith.constant 0 : i32
        %dma_start3A_176 = tpu.memref_slice %arg2[%dma_start3A_174, %dma_start3A_175] : memref<10000x128xf32, #tpu.memory_space<hbm>> -> memref<10000x128xf32, #tpu.memory_space<hbm>>
        tpu.enqueue_indirect_dma source(%dma_start3A_176 : memref<10000x128xf32, #tpu.memory_space<hbm>>) target(%arg15 : memref<125x128xf32, #tpu.memory_space<vmem>>) offsets(%arg9 : memref<125xi32, #tpu.memory_space<vmem>>) semaphore(%arg19 : memref<!tpu.dma_semaphore, #tpu.memory_space<semaphore_mem>>)
        %add3A_177 = arith.constant 3 : i32
        %add3A_178 = arith.addi %add3A_94, %add3A_177 : i32
        %lt3A_179 = arith.constant 80 : i32
        %lt3A_180 = arith.cmpi slt, %add3A_178, %lt3A_179 : i32
        %convert_element_type3A_181 = arith.extui %lt3A_180 : i1 to i32
        %cond3A_182 = arith.constant 0 : i32
        %cond3A_183 = arith.cmpi ne, %convert_element_type3A_181, %cond3A_182 : i32
        scf.if %cond3A_183 {
          %add3A_184 = arith.constant 3 : i32
          %add3A_185 = arith.addi %add3A_94, %add3A_184 : i32
          %dma_start3A_186 = arith.constant 0 : i32
          %dma_start3A_187 = arith.constant 0 : i32
          %dma_start3A_188 = tpu.memref_slice %arg3[%add3A, %dma_start3A_186, %dma_start3A_187] : memref<32x80x125xi32, #tpu.memory_space<hbm>> -> memref<1x80x125xi32, #tpu.memory_space<hbm>>
          %dma_start3A_189 = tpu.memref_squeeze %dma_start3A_188 : memref<1x80x125xi32, #tpu.memory_space<hbm>> -> memref<80x125xi32, #tpu.memory_space<hbm>>
          %dma_start3A_190 = arith.constant 0 : i32
          %dma_start3A_191 = tpu.memref_slice %dma_start3A_189[%add3A_185, %dma_start3A_190] : memref<80x125xi32, #tpu.memory_space<hbm>> -> memref<1x125xi32, #tpu.memory_space<hbm>>
          %dma_start3A_192 = tpu.memref_squeeze %dma_start3A_191 : memref<1x125xi32, #tpu.memory_space<hbm>> -> memref<125xi32, #tpu.memory_space<hbm>>
          %dma_start3A_193 = arith.constant 0 : i32
          %dma_start3A_194 = arith.constant 0 : i32
          %dma_start3A_195 = tpu.memref_slice %arg3[%add3A, %dma_start3A_193, %dma_start3A_194] : memref<32x80x125xi32, #tpu.memory_space<hbm>> -> memref<1x80x125xi32, #tpu.memory_space<hbm>>
          %dma_start3A_196 = tpu.memref_squeeze %dma_start3A_195 : memref<1x80x125xi32, #tpu.memory_space<hbm>> -> memref<80x125xi32, #tpu.memory_space<hbm>>
          %dma_start3A_197 = arith.constant 0 : i32
          %dma_start3A_198 = tpu.memref_slice %dma_start3A_196[%add3A_185, %dma_start3A_197] : memref<80x125xi32, #tpu.memory_space<hbm>> -> memref<1x125xi32, #tpu.memory_space<hbm>>
          %dma_start3A_199 = tpu.memref_squeeze %dma_start3A_198 : memref<1x125xi32, #tpu.memory_space<hbm>> -> memref<125xi32, #tpu.memory_space<hbm>>
          tpu.enqueue_dma source(%dma_start3A_199 : memref<125xi32, #tpu.memory_space<hbm>>) target(%arg7 : memref<125xi32, #tpu.memory_space<vmem>>) target_semaphore(%arg18 : memref<!tpu.dma_semaphore, #tpu.memory_space<semaphore_mem>>)
          %add3A_200 = arith.constant 3 : i32
          %add3A_201 = arith.addi %add3A_94, %add3A_200 : i32
          %dma_start3A_202 = arith.constant 0 : i32
          %dma_start3A_203 = arith.constant 0 : i32
          %dma_start3A_204 = tpu.memref_slice %arg4[%add3A, %dma_start3A_202, %dma_start3A_203] : memref<32x80x125xi32, #tpu.memory_space<hbm>> -> memref<1x80x125xi32, #tpu.memory_space<hbm>>
          %dma_start3A_205 = tpu.memref_squeeze %dma_start3A_204 : memref<1x80x125xi32, #tpu.memory_space<hbm>> -> memref<80x125xi32, #tpu.memory_space<hbm>>
          %dma_start3A_206 = arith.constant 0 : i32
          %dma_start3A_207 = tpu.memref_slice %dma_start3A_205[%add3A_201, %dma_start3A_206] : memref<80x125xi32, #tpu.memory_space<hbm>> -> memref<1x125xi32, #tpu.memory_space<hbm>>
          %dma_start3A_208 = tpu.memref_squeeze %dma_start3A_207 : memref<1x125xi32, #tpu.memory_space<hbm>> -> memref<125xi32, #tpu.memory_space<hbm>>
          %dma_start3A_209 = arith.constant 0 : i32
          %dma_start3A_210 = arith.constant 0 : i32
          %dma_start3A_211 = tpu.memref_slice %arg4[%add3A, %dma_start3A_209, %dma_start3A_210] : memref<32x80x125xi32, #tpu.memory_space<hbm>> -> memref<1x80x125xi32, #tpu.memory_space<hbm>>
          %dma_start3A_212 = tpu.memref_squeeze %dma_start3A_211 : memref<1x80x125xi32, #tpu.memory_space<hbm>> -> memref<80x125xi32, #tpu.memory_space<hbm>>
          %dma_start3A_213 = arith.constant 0 : i32
          %dma_start3A_214 = tpu.memref_slice %dma_start3A_212[%add3A_201, %dma_start3A_213] : memref<80x125xi32, #tpu.memory_space<hbm>> -> memref<1x125xi32, #tpu.memory_space<hbm>>
          %dma_start3A_215 = tpu.memref_squeeze %dma_start3A_214 : memref<1x125xi32, #tpu.memory_space<hbm>> -> memref<125xi32, #tpu.memory_space<hbm>>
          tpu.enqueue_dma source(%dma_start3A_215 : memref<125xi32, #tpu.memory_space<hbm>>) target(%arg11 : memref<125xi32, #tpu.memory_space<vmem>>) target_semaphore(%arg18 : memref<!tpu.dma_semaphore, #tpu.memory_space<semaphore_mem>>)
        } else {
        }
      } else {
      }
      %dma_wait3A_102 = arith.constant 0 : i32
      %dma_wait3A_103 = arith.constant 0 : i32
      %dma_wait3A_104 = tpu.memref_slice %arg2[%dma_wait3A_102, %dma_wait3A_103] : memref<10000x128xf32, #tpu.memory_space<hbm>> -> memref<10000x128xf32, #tpu.memory_space<hbm>>
      tpu.wait_indirect_dma semaphore(%arg19 : memref<!tpu.dma_semaphore, #tpu.memory_space<semaphore_mem>>) src(%dma_wait3A_104 : memref<10000x128xf32, #tpu.memory_space<hbm>>) dst(%arg16 : memref<125x128xf32, #tpu.memory_space<vmem>>)
      %dma_start3A_105 = arith.constant 0 : i32
      %dma_start3A_106 = arith.constant 0 : i32
      %dma_start3A_107 = tpu.memref_slice %arg17[%dma_start3A_105, %dma_start3A_106] : memref<10240x128xf32, #tpu.memory_space<vmem_shared>> -> memref<10240x128xf32, #tpu.memory_space<vmem_shared>>
      tpu.enqueue_indirect_dma source(%arg16 : memref<125x128xf32, #tpu.memory_space<vmem>>) target(%dma_start3A_107 : memref<10240x128xf32, #tpu.memory_space<vmem_shared>>) offsets(%arg12 : memref<125xi32, #tpu.memory_space<vmem>>) semaphore(%arg21 : memref<!tpu.dma_semaphore, #tpu.memory_space<semaphore_mem>>) {add = true}
      %add3A_108 = arith.constant 2 : i32
      %add3A_109 = arith.addi %add3A_80, %add3A_108 : i32
      %add3A_110 = arith.constant 1 : i32
      %add3A_111 = arith.addi %add3A_109, %add3A_110 : i32
      %lt3A_112 = arith.constant 80 : i32
      %lt3A_113 = arith.cmpi slt, %add3A_111, %lt3A_112 : i32
      %convert_element_type3A_114 = arith.extui %lt3A_113 : i1 to i32
      %cond3A_115 = arith.constant 0 : i32
      %cond3A_116 = arith.cmpi ne, %convert_element_type3A_114, %cond3A_115 : i32
      scf.if %cond3A_116 {
        %ge3A = arith.constant 1 : i32
        %ge3A_138 = arith.cmpi sge, %add3A_109, %ge3A : i32
        %convert_element_type3A_139 = arith.extui %ge3A_138 : i1 to i32
        %cond3A_140 = arith.constant 0 : i32
        %cond3A_141 = arith.cmpi ne, %convert_element_type3A_139, %cond3A_140 : i32
        scf.if %cond3A_141 {
          %dma_wait3A_184 = arith.constant 0 : i32
          %dma_wait3A_185 = arith.constant 0 : i32
          %dma_wait3A_186 = tpu.memref_slice %arg17[%dma_wait3A_184, %dma_wait3A_185] : memref<10240x128xf32, #tpu.memory_space<vmem_shared>> -> memref<10240x128xf32, #tpu.memory_space<vmem_shared>>
          tpu.wait_indirect_dma semaphore(%arg21 : memref<!tpu.dma_semaphore, #tpu.memory_space<semaphore_mem>>) src(%arg16 : memref<125x128xf32, #tpu.memory_space<vmem>>) dst(%dma_wait3A_186 : memref<10240x128xf32, #tpu.memory_space<vmem_shared>>)
        } else {
        }
        %add3A_142 = arith.constant 1 : i32
        %add3A_143 = arith.addi %add3A_109, %add3A_142 : i32
        %dma_wait3A_144 = arith.constant 0 : i32
        %dma_wait3A_145 = arith.constant 0 : i32
        %dma_wait3A_146 = tpu.memref_slice %arg3[%add3A, %dma_wait3A_144, %dma_wait3A_145] : memref<32x80x125xi32, #tpu.memory_space<hbm>> -> memref<1x80x125xi32, #tpu.memory_space<hbm>>
        %dma_wait3A_147 = tpu.memref_squeeze %dma_wait3A_146 : memref<1x80x125xi32, #tpu.memory_space<hbm>> -> memref<80x125xi32, #tpu.memory_space<hbm>>
        %dma_wait3A_148 = arith.constant 0 : i32
        %dma_wait3A_149 = tpu.memref_slice %dma_wait3A_147[%add3A_143, %dma_wait3A_148] : memref<80x125xi32, #tpu.memory_space<hbm>> -> memref<1x125xi32, #tpu.memory_space<hbm>>
        %dma_wait3A_150 = tpu.memref_squeeze %dma_wait3A_149 : memref<1x125xi32, #tpu.memory_space<hbm>> -> memref<125xi32, #tpu.memory_space<hbm>>
        %dma_wait3A_151 = arith.constant 0 : i32
        %dma_wait3A_152 = arith.constant 0 : i32
        %dma_wait3A_153 = tpu.memref_slice %arg3[%add3A, %dma_wait3A_151, %dma_wait3A_152] : memref<32x80x125xi32, #tpu.memory_space<hbm>> -> memref<1x80x125xi32, #tpu.memory_space<hbm>>
        %dma_wait3A_154 = tpu.memref_squeeze %dma_wait3A_153 : memref<1x80x125xi32, #tpu.memory_space<hbm>> -> memref<80x125xi32, #tpu.memory_space<hbm>>
        %dma_wait3A_155 = arith.constant 0 : i32
        %dma_wait3A_156 = tpu.memref_slice %dma_wait3A_154[%add3A_143, %dma_wait3A_155] : memref<80x125xi32, #tpu.memory_space<hbm>> -> memref<1x125xi32, #tpu.memory_space<hbm>>
        %dma_wait3A_157 = tpu.memref_squeeze %dma_wait3A_156 : memref<1x125xi32, #tpu.memory_space<hbm>> -> memref<125xi32, #tpu.memory_space<hbm>>
        tpu.wait_dma2 semaphore(%arg18 : memref<!tpu.dma_semaphore, #tpu.memory_space<semaphore_mem>>) src(%dma_wait3A_157 : memref<125xi32, #tpu.memory_space<hbm>>) dst(%arg10 : memref<125xi32, #tpu.memory_space<vmem>>)
        %add3A_158 = arith.constant 1 : i32
        %add3A_159 = arith.addi %add3A_109, %add3A_158 : i32
        %dma_wait3A_160 = arith.constant 0 : i32
        %dma_wait3A_161 = arith.constant 0 : i32
        %dma_wait3A_162 = tpu.memref_slice %arg4[%add3A, %dma_wait3A_160, %dma_wait3A_161] : memref<32x80x125xi32, #tpu.memory_space<hbm>> -> memref<1x80x125xi32, #tpu.memory_space<hbm>>
        %dma_wait3A_163 = tpu.memref_squeeze %dma_wait3A_162 : memref<1x80x125xi32, #tpu.memory_space<hbm>> -> memref<80x125xi32, #tpu.memory_space<hbm>>
        %dma_wait3A_164 = arith.constant 0 : i32
        %dma_wait3A_165 = tpu.memref_slice %dma_wait3A_163[%add3A_159, %dma_wait3A_164] : memref<80x125xi32, #tpu.memory_space<hbm>> -> memref<1x125xi32, #tpu.memory_space<hbm>>
        %dma_wait3A_166 = tpu.memref_squeeze %dma_wait3A_165 : memref<1x125xi32, #tpu.memory_space<hbm>> -> memref<125xi32, #tpu.memory_space<hbm>>
        %dma_wait3A_167 = arith.constant 0 : i32
        %dma_wait3A_168 = arith.constant 0 : i32
        %dma_wait3A_169 = tpu.memref_slice %arg4[%add3A, %dma_wait3A_167, %dma_wait3A_168] : memref<32x80x125xi32, #tpu.memory_space<hbm>> -> memref<1x80x125xi32, #tpu.memory_space<hbm>>
        %dma_wait3A_170 = tpu.memref_squeeze %dma_wait3A_169 : memref<1x80x125xi32, #tpu.memory_space<hbm>> -> memref<80x125xi32, #tpu.memory_space<hbm>>
        %dma_wait3A_171 = arith.constant 0 : i32
        %dma_wait3A_172 = tpu.memref_slice %dma_wait3A_170[%add3A_159, %dma_wait3A_171] : memref<80x125xi32, #tpu.memory_space<hbm>> -> memref<1x125xi32, #tpu.memory_space<hbm>>
        %dma_wait3A_173 = tpu.memref_squeeze %dma_wait3A_172 : memref<1x125xi32, #tpu.memory_space<hbm>> -> memref<125xi32, #tpu.memory_space<hbm>>
        tpu.wait_dma2 semaphore(%arg18 : memref<!tpu.dma_semaphore, #tpu.memory_space<semaphore_mem>>) src(%dma_wait3A_173 : memref<125xi32, #tpu.memory_space<hbm>>) dst(%arg14 : memref<125xi32, #tpu.memory_space<vmem>>)
        %dma_start3A_174 = arith.constant 0 : i32
        %dma_start3A_175 = arith.constant 0 : i32
        %dma_start3A_176 = tpu.memref_slice %arg2[%dma_start3A_174, %dma_start3A_175] : memref<10000x128xf32, #tpu.memory_space<hbm>> -> memref<10000x128xf32, #tpu.memory_space<hbm>>
        tpu.enqueue_indirect_dma source(%dma_start3A_176 : memref<10000x128xf32, #tpu.memory_space<hbm>>) target(%arg16 : memref<125x128xf32, #tpu.memory_space<vmem>>) offsets(%arg10 : memref<125xi32, #tpu.memory_space<vmem>>) semaphore(%arg19 : memref<!tpu.dma_semaphore, #tpu.memory_space<semaphore_mem>>)
        %add3A_177 = arith.constant 3 : i32
        %add3A_178 = arith.addi %add3A_109, %add3A_177 : i32
        %lt3A_179 = arith.constant 80 : i32
        %lt3A_180 = arith.cmpi slt, %add3A_178, %lt3A_179 : i32
        %convert_element_type3A_181 = arith.extui %lt3A_180 : i1 to i32
        %cond3A_182 = arith.constant 0 : i32
        %cond3A_183 = arith.cmpi ne, %convert_element_type3A_181, %cond3A_182 : i32
        scf.if %cond3A_183 {
          %add3A_184 = arith.constant 3 : i32
          %add3A_185 = arith.addi %add3A_109, %add3A_184 : i32
          %dma_start3A_186 = arith.constant 0 : i32
          %dma_start3A_187 = arith.constant 0 : i32
          %dma_start3A_188 = tpu.memref_slice %arg3[%add3A, %dma_start3A_186, %dma_start3A_187] : memref<32x80x125xi32, #tpu.memory_space<hbm>> -> memref<1x80x125xi32, #tpu.memory_space<hbm>>
          %dma_start3A_189 = tpu.memref_squeeze %dma_start3A_188 : memref<1x80x125xi32, #tpu.memory_space<hbm>> -> memref<80x125xi32, #tpu.memory_space<hbm>>
          %dma_start3A_190 = arith.constant 0 : i32
          %dma_start3A_191 = tpu.memref_slice %dma_start3A_189[%add3A_185, %dma_start3A_190] : memref<80x125xi32, #tpu.memory_space<hbm>> -> memref<1x125xi32, #tpu.memory_space<hbm>>
          %dma_start3A_192 = tpu.memref_squeeze %dma_start3A_191 : memref<1x125xi32, #tpu.memory_space<hbm>> -> memref<125xi32, #tpu.memory_space<hbm>>
          %dma_start3A_193 = arith.constant 0 : i32
          %dma_start3A_194 = arith.constant 0 : i32
          %dma_start3A_195 = tpu.memref_slice %arg3[%add3A, %dma_start3A_193, %dma_start3A_194] : memref<32x80x125xi32, #tpu.memory_space<hbm>> -> memref<1x80x125xi32, #tpu.memory_space<hbm>>
          %dma_start3A_196 = tpu.memref_squeeze %dma_start3A_195 : memref<1x80x125xi32, #tpu.memory_space<hbm>> -> memref<80x125xi32, #tpu.memory_space<hbm>>
          %dma_start3A_197 = arith.constant 0 : i32
          %dma_start3A_198 = tpu.memref_slice %dma_start3A_196[%add3A_185, %dma_start3A_197] : memref<80x125xi32, #tpu.memory_space<hbm>> -> memref<1x125xi32, #tpu.memory_space<hbm>>
          %dma_start3A_199 = tpu.memref_squeeze %dma_start3A_198 : memref<1x125xi32, #tpu.memory_space<hbm>> -> memref<125xi32, #tpu.memory_space<hbm>>
          tpu.enqueue_dma source(%dma_start3A_199 : memref<125xi32, #tpu.memory_space<hbm>>) target(%arg8 : memref<125xi32, #tpu.memory_space<vmem>>) target_semaphore(%arg18 : memref<!tpu.dma_semaphore, #tpu.memory_space<semaphore_mem>>)
          %add3A_200 = arith.constant 3 : i32
          %add3A_201 = arith.addi %add3A_109, %add3A_200 : i32
          %dma_start3A_202 = arith.constant 0 : i32
          %dma_start3A_203 = arith.constant 0 : i32
          %dma_start3A_204 = tpu.memref_slice %arg4[%add3A, %dma_start3A_202, %dma_start3A_203] : memref<32x80x125xi32, #tpu.memory_space<hbm>> -> memref<1x80x125xi32, #tpu.memory_space<hbm>>
          %dma_start3A_205 = tpu.memref_squeeze %dma_start3A_204 : memref<1x80x125xi32, #tpu.memory_space<hbm>> -> memref<80x125xi32, #tpu.memory_space<hbm>>
          %dma_start3A_206 = arith.constant 0 : i32
          %dma_start3A_207 = tpu.memref_slice %dma_start3A_205[%add3A_201, %dma_start3A_206] : memref<80x125xi32, #tpu.memory_space<hbm>> -> memref<1x125xi32, #tpu.memory_space<hbm>>
          %dma_start3A_208 = tpu.memref_squeeze %dma_start3A_207 : memref<1x125xi32, #tpu.memory_space<hbm>> -> memref<125xi32, #tpu.memory_space<hbm>>
          %dma_start3A_209 = arith.constant 0 : i32
          %dma_start3A_210 = arith.constant 0 : i32
          %dma_start3A_211 = tpu.memref_slice %arg4[%add3A, %dma_start3A_209, %dma_start3A_210] : memref<32x80x125xi32, #tpu.memory_space<hbm>> -> memref<1x80x125xi32, #tpu.memory_space<hbm>>
          %dma_start3A_212 = tpu.memref_squeeze %dma_start3A_211 : memref<1x80x125xi32, #tpu.memory_space<hbm>> -> memref<80x125xi32, #tpu.memory_space<hbm>>
          %dma_start3A_213 = arith.constant 0 : i32
          %dma_start3A_214 = tpu.memref_slice %dma_start3A_212[%add3A_201, %dma_start3A_213] : memref<80x125xi32, #tpu.memory_space<hbm>> -> memref<1x125xi32, #tpu.memory_space<hbm>>
          %dma_start3A_215 = tpu.memref_squeeze %dma_start3A_214 : memref<1x125xi32, #tpu.memory_space<hbm>> -> memref<125xi32, #tpu.memory_space<hbm>>
          tpu.enqueue_dma source(%dma_start3A_215 : memref<125xi32, #tpu.memory_space<hbm>>) target(%arg12 : memref<125xi32, #tpu.memory_space<vmem>>) target_semaphore(%arg18 : memref<!tpu.dma_semaphore, #tpu.memory_space<semaphore_mem>>)
        } else {
        }
      } else {
      }
      %dma_wait3A_117 = arith.constant 0 : i32
      %dma_wait3A_118 = arith.constant 0 : i32
      %dma_wait3A_119 = tpu.memref_slice %arg2[%dma_wait3A_117, %dma_wait3A_118] : memref<10000x128xf32, #tpu.memory_space<hbm>> -> memref<10000x128xf32, #tpu.memory_space<hbm>>
      tpu.wait_indirect_dma semaphore(%arg19 : memref<!tpu.dma_semaphore, #tpu.memory_space<semaphore_mem>>) src(%dma_wait3A_119 : memref<10000x128xf32, #tpu.memory_space<hbm>>) dst(%arg15 : memref<125x128xf32, #tpu.memory_space<vmem>>)
      %dma_start3A_120 = arith.constant 0 : i32
      %dma_start3A_121 = arith.constant 0 : i32
      %dma_start3A_122 = tpu.memref_slice %arg17[%dma_start3A_120, %dma_start3A_121] : memref<10240x128xf32, #tpu.memory_space<vmem_shared>> -> memref<10240x128xf32, #tpu.memory_space<vmem_shared>>
      tpu.enqueue_indirect_dma source(%arg15 : memref<125x128xf32, #tpu.memory_space<vmem>>) target(%dma_start3A_122 : memref<10240x128xf32, #tpu.memory_space<vmem_shared>>) offsets(%arg13 : memref<125xi32, #tpu.memory_space<vmem>>) semaphore(%arg20 : memref<!tpu.dma_semaphore, #tpu.memory_space<semaphore_mem>>) {add = true}
      %add3A_123 = arith.constant 3 : i32
      %add3A_124 = arith.addi %add3A_80, %add3A_123 : i32
      %add3A_125 = arith.constant 1 : i32
      %add3A_126 = arith.addi %add3A_124, %add3A_125 : i32
      %lt3A_127 = arith.constant 80 : i32
      %lt3A_128 = arith.cmpi slt, %add3A_126, %lt3A_127 : i32
      %convert_element_type3A_129 = arith.extui %lt3A_128 : i1 to i32
      %cond3A_130 = arith.constant 0 : i32
      %cond3A_131 = arith.cmpi ne, %convert_element_type3A_129, %cond3A_130 : i32
      scf.if %cond3A_131 {
        %ge3A = arith.constant 1 : i32
        %ge3A_138 = arith.cmpi sge, %add3A_124, %ge3A : i32
        %convert_element_type3A_139 = arith.extui %ge3A_138 : i1 to i32
        %cond3A_140 = arith.constant 0 : i32
        %cond3A_141 = arith.cmpi ne, %convert_element_type3A_139, %cond3A_140 : i32
        scf.if %cond3A_141 {
          %dma_wait3A_184 = arith.constant 0 : i32
          %dma_wait3A_185 = arith.constant 0 : i32
          %dma_wait3A_186 = tpu.memref_slice %arg17[%dma_wait3A_184, %dma_wait3A_185] : memref<10240x128xf32, #tpu.memory_space<vmem_shared>> -> memref<10240x128xf32, #tpu.memory_space<vmem_shared>>
          tpu.wait_indirect_dma semaphore(%arg20 : memref<!tpu.dma_semaphore, #tpu.memory_space<semaphore_mem>>) src(%arg15 : memref<125x128xf32, #tpu.memory_space<vmem>>) dst(%dma_wait3A_186 : memref<10240x128xf32, #tpu.memory_space<vmem_shared>>)
        } else {
        }
        %add3A_142 = arith.constant 1 : i32
        %add3A_143 = arith.addi %add3A_124, %add3A_142 : i32
        %dma_wait3A_144 = arith.constant 0 : i32
        %dma_wait3A_145 = arith.constant 0 : i32
        %dma_wait3A_146 = tpu.memref_slice %arg3[%add3A, %dma_wait3A_144, %dma_wait3A_145] : memref<32x80x125xi32, #tpu.memory_space<hbm>> -> memref<1x80x125xi32, #tpu.memory_space<hbm>>
        %dma_wait3A_147 = tpu.memref_squeeze %dma_wait3A_146 : memref<1x80x125xi32, #tpu.memory_space<hbm>> -> memref<80x125xi32, #tpu.memory_space<hbm>>
        %dma_wait3A_148 = arith.constant 0 : i32
        %dma_wait3A_149 = tpu.memref_slice %dma_wait3A_147[%add3A_143, %dma_wait3A_148] : memref<80x125xi32, #tpu.memory_space<hbm>> -> memref<1x125xi32, #tpu.memory_space<hbm>>
        %dma_wait3A_150 = tpu.memref_squeeze %dma_wait3A_149 : memref<1x125xi32, #tpu.memory_space<hbm>> -> memref<125xi32, #tpu.memory_space<hbm>>
        %dma_wait3A_151 = arith.constant 0 : i32
        %dma_wait3A_152 = arith.constant 0 : i32
        %dma_wait3A_153 = tpu.memref_slice %arg3[%add3A, %dma_wait3A_151, %dma_wait3A_152] : memref<32x80x125xi32, #tpu.memory_space<hbm>> -> memref<1x80x125xi32, #tpu.memory_space<hbm>>
        %dma_wait3A_154 = tpu.memref_squeeze %dma_wait3A_153 : memref<1x80x125xi32, #tpu.memory_space<hbm>> -> memref<80x125xi32, #tpu.memory_space<hbm>>
        %dma_wait3A_155 = arith.constant 0 : i32
        %dma_wait3A_156 = tpu.memref_slice %dma_wait3A_154[%add3A_143, %dma_wait3A_155] : memref<80x125xi32, #tpu.memory_space<hbm>> -> memref<1x125xi32, #tpu.memory_space<hbm>>
        %dma_wait3A_157 = tpu.memref_squeeze %dma_wait3A_156 : memref<1x125xi32, #tpu.memory_space<hbm>> -> memref<125xi32, #tpu.memory_space<hbm>>
        tpu.wait_dma2 semaphore(%arg18 : memref<!tpu.dma_semaphore, #tpu.memory_space<semaphore_mem>>) src(%dma_wait3A_157 : memref<125xi32, #tpu.memory_space<hbm>>) dst(%arg7 : memref<125xi32, #tpu.memory_space<vmem>>)
        %add3A_158 = arith.constant 1 : i32
        %add3A_159 = arith.addi %add3A_124, %add3A_158 : i32
        %dma_wait3A_160 = arith.constant 0 : i32
        %dma_wait3A_161 = arith.constant 0 : i32
        %dma_wait3A_162 = tpu.memref_slice %arg4[%add3A, %dma_wait3A_160, %dma_wait3A_161] : memref<32x80x125xi32, #tpu.memory_space<hbm>> -> memref<1x80x125xi32, #tpu.memory_space<hbm>>
        %dma_wait3A_163 = tpu.memref_squeeze %dma_wait3A_162 : memref<1x80x125xi32, #tpu.memory_space<hbm>> -> memref<80x125xi32, #tpu.memory_space<hbm>>
        %dma_wait3A_164 = arith.constant 0 : i32
        %dma_wait3A_165 = tpu.memref_slice %dma_wait3A_163[%add3A_159, %dma_wait3A_164] : memref<80x125xi32, #tpu.memory_space<hbm>> -> memref<1x125xi32, #tpu.memory_space<hbm>>
        %dma_wait3A_166 = tpu.memref_squeeze %dma_wait3A_165 : memref<1x125xi32, #tpu.memory_space<hbm>> -> memref<125xi32, #tpu.memory_space<hbm>>
        %dma_wait3A_167 = arith.constant 0 : i32
        %dma_wait3A_168 = arith.constant 0 : i32
        %dma_wait3A_169 = tpu.memref_slice %arg4[%add3A, %dma_wait3A_167, %dma_wait3A_168] : memref<32x80x125xi32, #tpu.memory_space<hbm>> -> memref<1x80x125xi32, #tpu.memory_space<hbm>>
        %dma_wait3A_170 = tpu.memref_squeeze %dma_wait3A_169 : memref<1x80x125xi32, #tpu.memory_space<hbm>> -> memref<80x125xi32, #tpu.memory_space<hbm>>
        %dma_wait3A_171 = arith.constant 0 : i32
        %dma_wait3A_172 = tpu.memref_slice %dma_wait3A_170[%add3A_159, %dma_wait3A_171] : memref<80x125xi32, #tpu.memory_space<hbm>> -> memref<1x125xi32, #tpu.memory_space<hbm>>
        %dma_wait3A_173 = tpu.memref_squeeze %dma_wait3A_172 : memref<1x125xi32, #tpu.memory_space<hbm>> -> memref<125xi32, #tpu.memory_space<hbm>>
        tpu.wait_dma2 semaphore(%arg18 : memref<!tpu.dma_semaphore, #tpu.memory_space<semaphore_mem>>) src(%dma_wait3A_173 : memref<125xi32, #tpu.memory_space<hbm>>) dst(%arg11 : memref<125xi32, #tpu.memory_space<vmem>>)
        %dma_start3A_174 = arith.constant 0 : i32
        %dma_start3A_175 = arith.constant 0 : i32
        %dma_start3A_176 = tpu.memref_slice %arg2[%dma_start3A_174, %dma_start3A_175] : memref<10000x128xf32, #tpu.memory_space<hbm>> -> memref<10000x128xf32, #tpu.memory_space<hbm>>
        tpu.enqueue_indirect_dma source(%dma_start3A_176 : memref<10000x128xf32, #tpu.memory_space<hbm>>) target(%arg15 : memref<125x128xf32, #tpu.memory_space<vmem>>) offsets(%arg7 : memref<125xi32, #tpu.memory_space<vmem>>) semaphore(%arg19 : memref<!tpu.dma_semaphore, #tpu.memory_space<semaphore_mem>>)
        %add3A_177 = arith.constant 3 : i32
        %add3A_178 = arith.addi %add3A_124, %add3A_177 : i32
        %lt3A_179 = arith.constant 80 : i32
        %lt3A_180 = arith.cmpi slt, %add3A_178, %lt3A_179 : i32
        %convert_element_type3A_181 = arith.extui %lt3A_180 : i1 to i32
        %cond3A_182 = arith.constant 0 : i32
        %cond3A_183 = arith.cmpi ne, %convert_element_type3A_181, %cond3A_182 : i32
        scf.if %cond3A_183 {
          %add3A_184 = arith.constant 3 : i32
          %add3A_185 = arith.addi %add3A_124, %add3A_184 : i32
          %dma_start3A_186 = arith.constant 0 : i32
          %dma_start3A_187 = arith.constant 0 : i32
          %dma_start3A_188 = tpu.memref_slice %arg3[%add3A, %dma_start3A_186, %dma_start3A_187] : memref<32x80x125xi32, #tpu.memory_space<hbm>> -> memref<1x80x125xi32, #tpu.memory_space<hbm>>
          %dma_start3A_189 = tpu.memref_squeeze %dma_start3A_188 : memref<1x80x125xi32, #tpu.memory_space<hbm>> -> memref<80x125xi32, #tpu.memory_space<hbm>>
          %dma_start3A_190 = arith.constant 0 : i32
          %dma_start3A_191 = tpu.memref_slice %dma_start3A_189[%add3A_185, %dma_start3A_190] : memref<80x125xi32, #tpu.memory_space<hbm>> -> memref<1x125xi32, #tpu.memory_space<hbm>>
          %dma_start3A_192 = tpu.memref_squeeze %dma_start3A_191 : memref<1x125xi32, #tpu.memory_space<hbm>> -> memref<125xi32, #tpu.memory_space<hbm>>
          %dma_start3A_193 = arith.constant 0 : i32
          %dma_start3A_194 = arith.constant 0 : i32
          %dma_start3A_195 = tpu.memref_slice %arg3[%add3A, %dma_start3A_193, %dma_start3A_194] : memref<32x80x125xi32, #tpu.memory_space<hbm>> -> memref<1x80x125xi32, #tpu.memory_space<hbm>>
          %dma_start3A_196 = tpu.memref_squeeze %dma_start3A_195 : memref<1x80x125xi32, #tpu.memory_space<hbm>> -> memref<80x125xi32, #tpu.memory_space<hbm>>
          %dma_start3A_197 = arith.constant 0 : i32
          %dma_start3A_198 = tpu.memref_slice %dma_start3A_196[%add3A_185, %dma_start3A_197] : memref<80x125xi32, #tpu.memory_space<hbm>> -> memref<1x125xi32, #tpu.memory_space<hbm>>
          %dma_start3A_199 = tpu.memref_squeeze %dma_start3A_198 : memref<1x125xi32, #tpu.memory_space<hbm>> -> memref<125xi32, #tpu.memory_space<hbm>>
          tpu.enqueue_dma source(%dma_start3A_199 : memref<125xi32, #tpu.memory_space<hbm>>) target(%arg9 : memref<125xi32, #tpu.memory_space<vmem>>) target_semaphore(%arg18 : memref<!tpu.dma_semaphore, #tpu.memory_space<semaphore_mem>>)
          %add3A_200 = arith.constant 3 : i32
          %add3A_201 = arith.addi %add3A_124, %add3A_200 : i32
          %dma_start3A_202 = arith.constant 0 : i32
          %dma_start3A_203 = arith.constant 0 : i32
          %dma_start3A_204 = tpu.memref_slice %arg4[%add3A, %dma_start3A_202, %dma_start3A_203] : memref<32x80x125xi32, #tpu.memory_space<hbm>> -> memref<1x80x125xi32, #tpu.memory_space<hbm>>
          %dma_start3A_205 = tpu.memref_squeeze %dma_start3A_204 : memref<1x80x125xi32, #tpu.memory_space<hbm>> -> memref<80x125xi32, #tpu.memory_space<hbm>>
          %dma_start3A_206 = arith.constant 0 : i32
          %dma_start3A_207 = tpu.memref_slice %dma_start3A_205[%add3A_201, %dma_start3A_206] : memref<80x125xi32, #tpu.memory_space<hbm>> -> memref<1x125xi32, #tpu.memory_space<hbm>>
          %dma_start3A_208 = tpu.memref_squeeze %dma_start3A_207 : memref<1x125xi32, #tpu.memory_space<hbm>> -> memref<125xi32, #tpu.memory_space<hbm>>
          %dma_start3A_209 = arith.constant 0 : i32
          %dma_start3A_210 = arith.constant 0 : i32
          %dma_start3A_211 = tpu.memref_slice %arg4[%add3A, %dma_start3A_209, %dma_start3A_210] : memref<32x80x125xi32, #tpu.memory_space<hbm>> -> memref<1x80x125xi32, #tpu.memory_space<hbm>>
          %dma_start3A_212 = tpu.memref_squeeze %dma_start3A_211 : memref<1x80x125xi32, #tpu.memory_space<hbm>> -> memref<80x125xi32, #tpu.memory_space<hbm>>
          %dma_start3A_213 = arith.constant 0 : i32
          %dma_start3A_214 = tpu.memref_slice %dma_start3A_212[%add3A_201, %dma_start3A_213] : memref<80x125xi32, #tpu.memory_space<hbm>> -> memref<1x125xi32, #tpu.memory_space<hbm>>
          %dma_start3A_215 = tpu.memref_squeeze %dma_start3A_214 : memref<1x125xi32, #tpu.memory_space<hbm>> -> memref<125xi32, #tpu.memory_space<hbm>>
          tpu.enqueue_dma source(%dma_start3A_215 : memref<125xi32, #tpu.memory_space<hbm>>) target(%arg13 : memref<125xi32, #tpu.memory_space<vmem>>) target_semaphore(%arg18 : memref<!tpu.dma_semaphore, #tpu.memory_space<semaphore_mem>>)
        } else {
        }
      } else {
      }
      %dma_wait3A_132 = arith.constant 0 : i32
      %dma_wait3A_133 = arith.constant 0 : i32
      %dma_wait3A_134 = tpu.memref_slice %arg2[%dma_wait3A_132, %dma_wait3A_133] : memref<10000x128xf32, #tpu.memory_space<hbm>> -> memref<10000x128xf32, #tpu.memory_space<hbm>>
      tpu.wait_indirect_dma semaphore(%arg19 : memref<!tpu.dma_semaphore, #tpu.memory_space<semaphore_mem>>) src(%dma_wait3A_134 : memref<10000x128xf32, #tpu.memory_space<hbm>>) dst(%arg16 : memref<125x128xf32, #tpu.memory_space<vmem>>)
      %dma_start3A_135 = arith.constant 0 : i32
      %dma_start3A_136 = arith.constant 0 : i32
      %dma_start3A_137 = tpu.memref_slice %arg17[%dma_start3A_135, %dma_start3A_136] : memref<10240x128xf32, #tpu.memory_space<vmem_shared>> -> memref<10240x128xf32, #tpu.memory_space<vmem_shared>>
      tpu.enqueue_indirect_dma source(%arg16 : memref<125x128xf32, #tpu.memory_space<vmem>>) target(%dma_start3A_137 : memref<10240x128xf32, #tpu.memory_space<vmem_shared>>) offsets(%arg14 : memref<125xi32, #tpu.memory_space<vmem>>) semaphore(%arg21 : memref<!tpu.dma_semaphore, #tpu.memory_space<semaphore_mem>>) {add = true}
    }
    %scan3A_69 = arith.constant 20 : i32
    %dma_wait3A = arith.constant 0 : i32
    %dma_wait3A_70 = arith.constant 0 : i32
    %dma_wait3A_71 = tpu.memref_slice %arg17[%dma_wait3A, %dma_wait3A_70] : memref<10240x128xf32, #tpu.memory_space<vmem_shared>> -> memref<10240x128xf32, #tpu.memory_space<vmem_shared>>
    tpu.wait_indirect_dma semaphore(%arg20 : memref<!tpu.dma_semaphore, #tpu.memory_space<semaphore_mem>>) src(%arg15 : memref<125x128xf32, #tpu.memory_space<vmem>>) dst(%dma_wait3A_71 : memref<10240x128xf32, #tpu.memory_space<vmem_shared>>)
    %dma_wait3A_72 = arith.constant 0 : i32
    %dma_wait3A_73 = arith.constant 0 : i32
    %dma_wait3A_74 = tpu.memref_slice %arg17[%dma_wait3A_72, %dma_wait3A_73] : memref<10240x128xf32, #tpu.memory_space<vmem_shared>> -> memref<10240x128xf32, #tpu.memory_space<vmem_shared>>
    tpu.wait_indirect_dma semaphore(%arg21 : memref<!tpu.dma_semaphore, #tpu.memory_space<semaphore_mem>>) src(%arg16 : memref<125x128xf32, #tpu.memory_space<vmem>>) dst(%dma_wait3A_74 : memref<10240x128xf32, #tpu.memory_space<vmem_shared>>)
    %barrier3A_75 = arith.constant 0 : index
    tpu.barrier barrier_id(%barrier3A_75)
    "tpu.region"() ({
      %run_scoped3A_76 = tpu.sem_alloc : memref<!tpu.dma_semaphore, #tpu.memory_space<semaphore_mem>>
      %dma_start3A_77 = arith.constant 0 : i32
      %dma_start3A_78 = arith.constant 0 : i32
      %dma_start3A_79 = tpu.memref_slice %arg6[%arg0, %dma_start3A_77, %dma_start3A_78] : memref<2x10240x128xf32, #tpu.memory_space<hbm>> -> memref<1x10240x128xf32, #tpu.memory_space<hbm>>
      %dma_start3A_80 = tpu.memref_squeeze %dma_start3A_79 : memref<1x10240x128xf32, #tpu.memory_space<hbm>> -> memref<10240x128xf32, #tpu.memory_space<hbm>>
      %dma_start3A_81 = arith.constant 0 : i32
      %dma_start3A_82 = tpu.memref_slice %dma_start3A_80[%mul3A_65, %dma_start3A_81] : memref<10240x128xf32, #tpu.memory_space<hbm>> -> memref<640x128xf32, #tpu.memory_space<hbm>>
      %dma_start3A_83 = arith.constant 0 : i32
      %dma_start3A_84 = tpu.memref_slice %arg17[%mul3A_65, %dma_start3A_83] : memref<10240x128xf32, #tpu.memory_space<vmem_shared>> -> memref<640x128xf32, #tpu.memory_space<vmem_shared>>
      tpu.enqueue_dma source(%dma_start3A_84 : memref<640x128xf32, #tpu.memory_space<vmem_shared>>) target(%dma_start3A_82 : memref<640x128xf32, #tpu.memory_space<hbm>>) target_semaphore(%run_scoped3A_76 : memref<!tpu.dma_semaphore, #tpu.memory_space<semaphore_mem>>)
      %dma_wait3A_85 = arith.constant 0 : i32
      %dma_wait3A_86 = arith.constant 0 : i32
      %dma_wait3A_87 = tpu.memref_slice %arg6[%arg0, %dma_wait3A_85, %dma_wait3A_86] : memref<2x10240x128xf32, #tpu.memory_space<hbm>> -> memref<1x10240x128xf32, #tpu.memory_space<hbm>>
      %dma_wait3A_88 = tpu.memref_squeeze %dma_wait3A_87 : memref<1x10240x128xf32, #tpu.memory_space<hbm>> -> memref<10240x128xf32, #tpu.memory_space<hbm>>
      %dma_wait3A_89 = arith.constant 0 : i32
      %dma_wait3A_90 = tpu.memref_slice %dma_wait3A_88[%mul3A_65, %dma_wait3A_89] : memref<10240x128xf32, #tpu.memory_space<hbm>> -> memref<640x128xf32, #tpu.memory_space<hbm>>
      %dma_wait3A_91 = arith.constant 0 : i32
      %dma_wait3A_92 = tpu.memref_slice %arg17[%mul3A_65, %dma_wait3A_91] : memref<10240x128xf32, #tpu.memory_space<vmem_shared>> -> memref<640x128xf32, #tpu.memory_space<vmem_shared>>
      tpu.wait_dma2 semaphore(%run_scoped3A_76 : memref<!tpu.dma_semaphore, #tpu.memory_space<semaphore_mem>>) src(%dma_wait3A_92 : memref<640x128xf32, #tpu.memory_space<vmem_shared>>) dst(%dma_wait3A_90 : memref<640x128xf32, #tpu.memory_space<hbm>>)
      tpu.yield
    }) : () -> ()
    return
  }
}

#map = affine_map<(d0, d1) -> (0, 0)>
#map1 = affine_map<(d0, d1) -> (0, 0, 0)>
module attributes {stable_mosaic.version = 14 : i64} {
  func.func @_sc_aggregate(%arg0: i32, %arg1: i32, %arg2: memref<10000x128xf32, #tpu.memory_space<hbm>>, %arg3: memref<32x80x125xi32, #tpu.memory_space<hbm>>, %arg4: memref<32x80x125xi32, #tpu.memory_space<hbm>>, %arg5: memref<10240x128xf32, #tpu.memory_space<hbm>>, %arg6: memref<2x10240x128xf32, #tpu.memory_space<hbm>>, %arg7: memref<125xi32, #tpu.memory_space<vmem>>, %arg8: memref<125xi32, #tpu.memory_space<vmem>>, %arg9: memref<125xi32, #tpu.memory_space<vmem>>, %arg10: memref<125xi32, #tpu.memory_space<vmem>>, %arg11: memref<125xi32, #tpu.memory_space<vmem>>, %arg12: memref<125xi32, #tpu.memory_space<vmem>>, %arg13: memref<125xi32, #tpu.memory_space<vmem>>, %arg14: memref<125xi32, #tpu.memory_space<vmem>>, %arg15: memref<125x128xf32, #tpu.memory_space<vmem>>, %arg16: memref<125x128xf32, #tpu.memory_space<vmem>>, %arg17: memref<10240x128xf32, #tpu.memory_space<vmem_shared>>, %arg18: memref<!tpu.dma_semaphore, #tpu.memory_space<semaphore_mem>>, %arg19: memref<!tpu.dma_semaphore, #tpu.memory_space<semaphore_mem>>, %arg20: memref<!tpu.dma_semaphore, #tpu.memory_space<semaphore_mem>>, %arg21: memref<!tpu.dma_semaphore, #tpu.memory_space<semaphore_mem>>) attributes {dimension_semantics = [#tpu.dimension_semantics<core_parallel>, #tpu.dimension_semantics<subcore_parallel>], iteration_bounds = array<i64: 2, 16>, scalar_prefetch = 0 : i64, scratch_operands = 15 : i64, tpu.core_type = #tpu.core_type<sc_vector_subcore>, window_params = [{transform_indices = #map}, {transform_indices = #map1}, {transform_indices = #map1}, {transform_indices = #map}, {transform_indices = #map1}]} {
    %mul3A = arith.constant 16 : i32
    %mul3A_0 = arith.muli %arg0, %mul3A : i32
    %add3A = arith.addi %mul3A_0, %arg1 : i32
    %run_scoped3A = arith.constant 0 : i32
    "tpu.region"() ({
      %run_scoped3A_76 = tpu.sem_alloc : memref<!tpu.dma_semaphore, #tpu.memory_space<semaphore_mem>>
      %dma_start3A_77 = arith.constant 0 : i32
      %dma_start3A_78 = arith.constant 0 : i32
      %dma_start3A_79 = tpu.memref_slice %arg3[%add3A, %dma_start3A_77, %dma_start3A_78] : memref<32x80x125xi32, #tpu.memory_space<hbm>> -> memref<1x80x125xi32, #tpu.memory_space<hbm>>
      %dma_start3A_80 = tpu.memref_squeeze %dma_start3A_79 : memref<1x80x125xi32, #tpu.memory_space<hbm>> -> memref<80x125xi32, #tpu.memory_space<hbm>>
      %dma_start3A_81 = arith.constant 0 : i32
      %dma_start3A_82 = tpu.memref_slice %dma_start3A_80[%run_scoped3A, %dma_start3A_81] : memref<80x125xi32, #tpu.memory_space<hbm>> -> memref<1x125xi32, #tpu.memory_space<hbm>>
      %dma_start3A_83 = tpu.memref_squeeze %dma_start3A_82 : memref<1x125xi32, #tpu.memory_space<hbm>> -> memref<125xi32, #tpu.memory_space<hbm>>
      %dma_start3A_84 = arith.constant 0 : i32
      %dma_start3A_85 = arith.constant 0 : i32
      %dma_start3A_86 = tpu.memref_slice %arg3[%add3A, %dma_start3A_84, %dma_start3A_85] : memref<32x80x125xi32, #tpu.memory_space<hbm>> -> memref<1x80x125xi32, #tpu.memory_space<hbm>>
      %dma_start3A_87 = tpu.memref_squeeze %dma_start3A_86 : memref<1x80x125xi32, #tpu.memory_space<hbm>> -> memref<80x125xi32, #tpu.memory_space<hbm>>
      %dma_start3A_88 = arith.constant 0 : i32
      %dma_start3A_89 = tpu.memref_slice %dma_start3A_87[%run_scoped3A, %dma_start3A_88] : memref<80x125xi32, #tpu.memory_space<hbm>> -> memref<1x125xi32, #tpu.memory_space<hbm>>
      %dma_start3A_90 = tpu.memref_squeeze %dma_start3A_89 : memref<1x125xi32, #tpu.memory_space<hbm>> -> memref<125xi32, #tpu.memory_space<hbm>>
      tpu.enqueue_dma source(%dma_start3A_90 : memref<125xi32, #tpu.memory_space<hbm>>) target(%arg7 : memref<125xi32, #tpu.memory_space<vmem>>) target_semaphore(%run_scoped3A_76 : memref<!tpu.dma_semaphore, #tpu.memory_space<semaphore_mem>>)
      %dma_wait3A_91 = arith.constant 0 : i32
      %dma_wait3A_92 = arith.constant 0 : i32
      %dma_wait3A_93 = tpu.memref_slice %arg3[%add3A, %dma_wait3A_91, %dma_wait3A_92] : memref<32x80x125xi32, #tpu.memory_space<hbm>> -> memref<1x80x125xi32, #tpu.memory_space<hbm>>
      %dma_wait3A_94 = tpu.memref_squeeze %dma_wait3A_93 : memref<1x80x125xi32, #tpu.memory_space<hbm>> -> memref<80x125xi32, #tpu.memory_space<hbm>>
      %dma_wait3A_95 = arith.constant 0 : i32
      %dma_wait3A_96 = tpu.memref_slice %dma_wait3A_94[%run_scoped3A, %dma_wait3A_95] : memref<80x125xi32, #tpu.memory_space<hbm>> -> memref<1x125xi32, #tpu.memory_space<hbm>>
      %dma_wait3A_97 = tpu.memref_squeeze %dma_wait3A_96 : memref<1x125xi32, #tpu.memory_space<hbm>> -> memref<125xi32, #tpu.memory_space<hbm>>
      %dma_wait3A_98 = arith.constant 0 : i32
      %dma_wait3A_99 = arith.constant 0 : i32
      %dma_wait3A_100 = tpu.memref_slice %arg3[%add3A, %dma_wait3A_98, %dma_wait3A_99] : memref<32x80x125xi32, #tpu.memory_space<hbm>> -> memref<1x80x125xi32, #tpu.memory_space<hbm>>
      %dma_wait3A_101 = tpu.memref_squeeze %dma_wait3A_100 : memref<1x80x125xi32, #tpu.memory_space<hbm>> -> memref<80x125xi32, #tpu.memory_space<hbm>>
      %dma_wait3A_102 = arith.constant 0 : i32
      %dma_wait3A_103 = tpu.memref_slice %dma_wait3A_101[%run_scoped3A, %dma_wait3A_102] : memref<80x125xi32, #tpu.memory_space<hbm>> -> memref<1x125xi32, #tpu.memory_space<hbm>>
      %dma_wait3A_104 = tpu.memref_squeeze %dma_wait3A_103 : memref<1x125xi32, #tpu.memory_space<hbm>> -> memref<125xi32, #tpu.memory_space<hbm>>
      tpu.wait_dma2 semaphore(%run_scoped3A_76 : memref<!tpu.dma_semaphore, #tpu.memory_space<semaphore_mem>>) src(%dma_wait3A_104 : memref<125xi32, #tpu.memory_space<hbm>>) dst(%arg7 : memref<125xi32, #tpu.memory_space<vmem>>)
      tpu.yield
    }) : () -> ()
    %run_scoped3A_1 = arith.constant 0 : i32
    "tpu.region"() ({
      %run_scoped3A_76 = tpu.sem_alloc : memref<!tpu.dma_semaphore, #tpu.memory_space<semaphore_mem>>
      %dma_start3A_77 = arith.constant 0 : i32
      %dma_start3A_78 = arith.constant 0 : i32
      %dma_start3A_79 = tpu.memref_slice %arg4[%add3A, %dma_start3A_77, %dma_start3A_78] : memref<32x80x125xi32, #tpu.memory_space<hbm>> -> memref<1x80x125xi32, #tpu.memory_space<hbm>>
      %dma_start3A_80 = tpu.memref_squeeze %dma_start3A_79 : memref<1x80x125xi32, #tpu.memory_space<hbm>> -> memref<80x125xi32, #tpu.memory_space<hbm>>
      %dma_start3A_81 = arith.constant 0 : i32
      %dma_start3A_82 = tpu.memref_slice %dma_start3A_80[%run_scoped3A_1, %dma_start3A_81] : memref<80x125xi32, #tpu.memory_space<hbm>> -> memref<1x125xi32, #tpu.memory_space<hbm>>
      %dma_start3A_83 = tpu.memref_squeeze %dma_start3A_82 : memref<1x125xi32, #tpu.memory_space<hbm>> -> memref<125xi32, #tpu.memory_space<hbm>>
      %dma_start3A_84 = arith.constant 0 : i32
      %dma_start3A_85 = arith.constant 0 : i32
      %dma_start3A_86 = tpu.memref_slice %arg4[%add3A, %dma_start3A_84, %dma_start3A_85] : memref<32x80x125xi32, #tpu.memory_space<hbm>> -> memref<1x80x125xi32, #tpu.memory_space<hbm>>
      %dma_start3A_87 = tpu.memref_squeeze %dma_start3A_86 : memref<1x80x125xi32, #tpu.memory_space<hbm>> -> memref<80x125xi32, #tpu.memory_space<hbm>>
      %dma_start3A_88 = arith.constant 0 : i32
      %dma_start3A_89 = tpu.memref_slice %dma_start3A_87[%run_scoped3A_1, %dma_start3A_88] : memref<80x125xi32, #tpu.memory_space<hbm>> -> memref<1x125xi32, #tpu.memory_space<hbm>>
      %dma_start3A_90 = tpu.memref_squeeze %dma_start3A_89 : memref<1x125xi32, #tpu.memory_space<hbm>> -> memref<125xi32, #tpu.memory_space<hbm>>
      tpu.enqueue_dma source(%dma_start3A_90 : memref<125xi32, #tpu.memory_space<hbm>>) target(%arg11 : memref<125xi32, #tpu.memory_space<vmem>>) target_semaphore(%run_scoped3A_76 : memref<!tpu.dma_semaphore, #tpu.memory_space<semaphore_mem>>)
      %dma_wait3A_91 = arith.constant 0 : i32
      %dma_wait3A_92 = arith.constant 0 : i32
      %dma_wait3A_93 = tpu.memref_slice %arg4[%add3A, %dma_wait3A_91, %dma_wait3A_92] : memref<32x80x125xi32, #tpu.memory_space<hbm>> -> memref<1x80x125xi32, #tpu.memory_space<hbm>>
      %dma_wait3A_94 = tpu.memref_squeeze %dma_wait3A_93 : memref<1x80x125xi32, #tpu.memory_space<hbm>> -> memref<80x125xi32, #tpu.memory_space<hbm>>
      %dma_wait3A_95 = arith.constant 0 : i32
      %dma_wait3A_96 = tpu.memref_slice %dma_wait3A_94[%run_scoped3A_1, %dma_wait3A_95] : memref<80x125xi32, #tpu.memory_space<hbm>> -> memref<1x125xi32, #tpu.memory_space<hbm>>
      %dma_wait3A_97 = tpu.memref_squeeze %dma_wait3A_96 : memref<1x125xi32, #tpu.memory_space<hbm>> -> memref<125xi32, #tpu.memory_space<hbm>>
      %dma_wait3A_98 = arith.constant 0 : i32
      %dma_wait3A_99 = arith.constant 0 : i32
      %dma_wait3A_100 = tpu.memref_slice %arg4[%add3A, %dma_wait3A_98, %dma_wait3A_99] : memref<32x80x125xi32, #tpu.memory_space<hbm>> -> memref<1x80x125xi32, #tpu.memory_space<hbm>>
      %dma_wait3A_101 = tpu.memref_squeeze %dma_wait3A_100 : memref<1x80x125xi32, #tpu.memory_space<hbm>> -> memref<80x125xi32, #tpu.memory_space<hbm>>
      %dma_wait3A_102 = arith.constant 0 : i32
      %dma_wait3A_103 = tpu.memref_slice %dma_wait3A_101[%run_scoped3A_1, %dma_wait3A_102] : memref<80x125xi32, #tpu.memory_space<hbm>> -> memref<1x125xi32, #tpu.memory_space<hbm>>
      %dma_wait3A_104 = tpu.memref_squeeze %dma_wait3A_103 : memref<1x125xi32, #tpu.memory_space<hbm>> -> memref<125xi32, #tpu.memory_space<hbm>>
      tpu.wait_dma2 semaphore(%run_scoped3A_76 : memref<!tpu.dma_semaphore, #tpu.memory_space<semaphore_mem>>) src(%dma_wait3A_104 : memref<125xi32, #tpu.memory_space<hbm>>) dst(%arg11 : memref<125xi32, #tpu.memory_space<vmem>>)
      tpu.yield
    }) : () -> ()
    %dma_start3A = arith.constant 0 : i32
    %dma_start3A_2 = arith.constant 0 : i32
    %dma_start3A_3 = tpu.memref_slice %arg2[%dma_start3A, %dma_start3A_2] : memref<10000x128xf32, #tpu.memory_space<hbm>> -> memref<10000x128xf32, #tpu.memory_space<hbm>>
    tpu.enqueue_indirect_dma source(%dma_start3A_3 : memref<10000x128xf32, #tpu.memory_space<hbm>>) target(%arg15 : memref<125x128xf32, #tpu.memory_space<vmem>>) offsets(%arg7 : memref<125xi32, #tpu.memory_space<vmem>>) semaphore(%arg19 : memref<!tpu.dma_semaphore, #tpu.memory_space<semaphore_mem>>)
    %dma_start3A_4 = arith.constant 1 : i32
    %dma_start3A_5 = arith.constant 0 : i32
    %dma_start3A_6 = arith.constant 0 : i32
    %dma_start3A_7 = tpu.memref_slice %arg3[%add3A, %dma_start3A_5, %dma_start3A_6] : memref<32x80x125xi32, #tpu.memory_space<hbm>> -> memref<1x80x125xi32, #tpu.memory_space<hbm>>
    %dma_start3A_8 = tpu.memref_squeeze %dma_start3A_7 : memref<1x80x125xi32, #tpu.memory_space<hbm>> -> memref<80x125xi32, #tpu.memory_space<hbm>>
    %dma_start3A_9 = arith.constant 0 : i32
    %dma_start3A_10 = tpu.memref_slice %dma_start3A_8[%dma_start3A_4, %dma_start3A_9] : memref<80x125xi32, #tpu.memory_space<hbm>> -> memref<1x125xi32, #tpu.memory_space<hbm>>
    %dma_start3A_11 = tpu.memref_squeeze %dma_start3A_10 : memref<1x125xi32, #tpu.memory_space<hbm>> -> memref<125xi32, #tpu.memory_space<hbm>>
    %dma_start3A_12 = arith.constant 0 : i32
    %dma_start3A_13 = arith.constant 0 : i32
    %dma_start3A_14 = tpu.memref_slice %arg3[%add3A, %dma_start3A_12, %dma_start3A_13] : memref<32x80x125xi32, #tpu.memory_space<hbm>> -> memref<1x80x125xi32, #tpu.memory_space<hbm>>
    %dma_start3A_15 = tpu.memref_squeeze %dma_start3A_14 : memref<1x80x125xi32, #tpu.memory_space<hbm>> -> memref<80x125xi32, #tpu.memory_space<hbm>>
    %dma_start3A_16 = arith.constant 0 : i32
    %dma_start3A_17 = tpu.memref_slice %dma_start3A_15[%dma_start3A_4, %dma_start3A_16] : memref<80x125xi32, #tpu.memory_space<hbm>> -> memref<1x125xi32, #tpu.memory_space<hbm>>
    %dma_start3A_18 = tpu.memref_squeeze %dma_start3A_17 : memref<1x125xi32, #tpu.memory_space<hbm>> -> memref<125xi32, #tpu.memory_space<hbm>>
    tpu.enqueue_dma source(%dma_start3A_18 : memref<125xi32, #tpu.memory_space<hbm>>) target(%arg8 : memref<125xi32, #tpu.memory_space<vmem>>) target_semaphore(%arg18 : memref<!tpu.dma_semaphore, #tpu.memory_space<semaphore_mem>>)
    %dma_start3A_19 = arith.constant 1 : i32
    %dma_start3A_20 = arith.constant 0 : i32
    %dma_start3A_21 = arith.constant 0 : i32
    %dma_start3A_22 = tpu.memref_slice %arg4[%add3A, %dma_start3A_20, %dma_start3A_21] : memref<32x80x125xi32, #tpu.memory_space<hbm>> -> memref<1x80x125xi32, #tpu.memory_space<hbm>>
    %dma_start3A_23 = tpu.memref_squeeze %dma_start3A_22 : memref<1x80x125xi32, #tpu.memory_space<hbm>> -> memref<80x125xi32, #tpu.memory_space<hbm>>
    %dma_start3A_24 = arith.constant 0 : i32
    %dma_start3A_25 = tpu.memref_slice %dma_start3A_23[%dma_start3A_19, %dma_start3A_24] : memref<80x125xi32, #tpu.memory_space<hbm>> -> memref<1x125xi32, #tpu.memory_space<hbm>>
    %dma_start3A_26 = tpu.memref_squeeze %dma_start3A_25 : memref<1x125xi32, #tpu.memory_space<hbm>> -> memref<125xi32, #tpu.memory_space<hbm>>
    %dma_start3A_27 = arith.constant 0 : i32
    %dma_start3A_28 = arith.constant 0 : i32
    %dma_start3A_29 = tpu.memref_slice %arg4[%add3A, %dma_start3A_27, %dma_start3A_28] : memref<32x80x125xi32, #tpu.memory_space<hbm>> -> memref<1x80x125xi32, #tpu.memory_space<hbm>>
    %dma_start3A_30 = tpu.memref_squeeze %dma_start3A_29 : memref<1x80x125xi32, #tpu.memory_space<hbm>> -> memref<80x125xi32, #tpu.memory_space<hbm>>
    %dma_start3A_31 = arith.constant 0 : i32
    %dma_start3A_32 = tpu.memref_slice %dma_start3A_30[%dma_start3A_19, %dma_start3A_31] : memref<80x125xi32, #tpu.memory_space<hbm>> -> memref<1x125xi32, #tpu.memory_space<hbm>>
    %dma_start3A_33 = tpu.memref_squeeze %dma_start3A_32 : memref<1x125xi32, #tpu.memory_space<hbm>> -> memref<125xi32, #tpu.memory_space<hbm>>
    tpu.enqueue_dma source(%dma_start3A_33 : memref<125xi32, #tpu.memory_space<hbm>>) target(%arg12 : memref<125xi32, #tpu.memory_space<vmem>>) target_semaphore(%arg18 : memref<!tpu.dma_semaphore, #tpu.memory_space<semaphore_mem>>)
    %dma_start3A_34 = arith.constant 2 : i32
    %dma_start3A_35 = arith.constant 0 : i32
    %dma_start3A_36 = arith.constant 0 : i32
    %dma_start3A_37 = tpu.memref_slice %arg3[%add3A, %dma_start3A_35, %dma_start3A_36] : memref<32x80x125xi32, #tpu.memory_space<hbm>> -> memref<1x80x125xi32, #tpu.memory_space<hbm>>
    %dma_start3A_38 = tpu.memref_squeeze %dma_start3A_37 : memref<1x80x125xi32, #tpu.memory_space<hbm>> -> memref<80x125xi32, #tpu.memory_space<hbm>>
    %dma_start3A_39 = arith.constant 0 : i32
    %dma_start3A_40 = tpu.memref_slice %dma_start3A_38[%dma_start3A_34, %dma_start3A_39] : memref<80x125xi32, #tpu.memory_space<hbm>> -> memref<1x125xi32, #tpu.memory_space<hbm>>
    %dma_start3A_41 = tpu.memref_squeeze %dma_start3A_40 : memref<1x125xi32, #tpu.memory_space<hbm>> -> memref<125xi32, #tpu.memory_space<hbm>>
    %dma_start3A_42 = arith.constant 0 : i32
    %dma_start3A_43 = arith.constant 0 : i32
    %dma_start3A_44 = tpu.memref_slice %arg3[%add3A, %dma_start3A_42, %dma_start3A_43] : memref<32x80x125xi32, #tpu.memory_space<hbm>> -> memref<1x80x125xi32, #tpu.memory_space<hbm>>
    %dma_start3A_45 = tpu.memref_squeeze %dma_start3A_44 : memref<1x80x125xi32, #tpu.memory_space<hbm>> -> memref<80x125xi32, #tpu.memory_space<hbm>>
    %dma_start3A_46 = arith.constant 0 : i32
    %dma_start3A_47 = tpu.memref_slice %dma_start3A_45[%dma_start3A_34, %dma_start3A_46] : memref<80x125xi32, #tpu.memory_space<hbm>> -> memref<1x125xi32, #tpu.memory_space<hbm>>
    %dma_start3A_48 = tpu.memref_squeeze %dma_start3A_47 : memref<1x125xi32, #tpu.memory_space<hbm>> -> memref<125xi32, #tpu.memory_space<hbm>>
    tpu.enqueue_dma source(%dma_start3A_48 : memref<125xi32, #tpu.memory_space<hbm>>) target(%arg9 : memref<125xi32, #tpu.memory_space<vmem>>) target_semaphore(%arg18 : memref<!tpu.dma_semaphore, #tpu.memory_space<semaphore_mem>>)
    %dma_start3A_49 = arith.constant 2 : i32
    %dma_start3A_50 = arith.constant 0 : i32
    %dma_start3A_51 = arith.constant 0 : i32
    %dma_start3A_52 = tpu.memref_slice %arg4[%add3A, %dma_start3A_50, %dma_start3A_51] : memref<32x80x125xi32, #tpu.memory_space<hbm>> -> memref<1x80x125xi32, #tpu.memory_space<hbm>>
    %dma_start3A_53 = tpu.memref_squeeze %dma_start3A_52 : memref<1x80x125xi32, #tpu.memory_space<hbm>> -> memref<80x125xi32, #tpu.memory_space<hbm>>
    %dma_start3A_54 = arith.constant 0 : i32
    %dma_start3A_55 = tpu.memref_slice %dma_start3A_53[%dma_start3A_49, %dma_start3A_54] : memref<80x125xi32, #tpu.memory_space<hbm>> -> memref<1x125xi32, #tpu.memory_space<hbm>>
    %dma_start3A_56 = tpu.memref_squeeze %dma_start3A_55 : memref<1x125xi32, #tpu.memory_space<hbm>> -> memref<125xi32, #tpu.memory_space<hbm>>
    %dma_start3A_57 = arith.constant 0 : i32
    %dma_start3A_58 = arith.constant 0 : i32
    %dma_start3A_59 = tpu.memref_slice %arg4[%add3A, %dma_start3A_57, %dma_start3A_58] : memref<32x80x125xi32, #tpu.memory_space<hbm>> -> memref<1x80x125xi32, #tpu.memory_space<hbm>>
    %dma_start3A_60 = tpu.memref_squeeze %dma_start3A_59 : memref<1x80x125xi32, #tpu.memory_space<hbm>> -> memref<80x125xi32, #tpu.memory_space<hbm>>
    %dma_start3A_61 = arith.constant 0 : i32
    %dma_start3A_62 = tpu.memref_slice %dma_start3A_60[%dma_start3A_49, %dma_start3A_61] : memref<80x125xi32, #tpu.memory_space<hbm>> -> memref<1x125xi32, #tpu.memory_space<hbm>>
    %dma_start3A_63 = tpu.memref_squeeze %dma_start3A_62 : memref<1x125xi32, #tpu.memory_space<hbm>> -> memref<125xi32, #tpu.memory_space<hbm>>
    tpu.enqueue_dma source(%dma_start3A_63 : memref<125xi32, #tpu.memory_space<hbm>>) target(%arg13 : memref<125xi32, #tpu.memory_space<vmem>>) target_semaphore(%arg18 : memref<!tpu.dma_semaphore, #tpu.memory_space<semaphore_mem>>)
    %mul3A_64 = arith.constant 640 : i32
    %mul3A_65 = arith.muli %arg1, %mul3A_64 : i32
    "tpu.region"() ({
      %run_scoped3A_76 = tpu.sem_alloc : memref<!tpu.dma_semaphore, #tpu.memory_space<semaphore_mem>>
      %dma_start3A_77 = arith.constant 0 : i32
      %dma_start3A_78 = tpu.memref_slice %arg17[%mul3A_65, %dma_start3A_77] : memref<10240x128xf32, #tpu.memory_space<vmem_shared>> -> memref<640x128xf32, #tpu.memory_space<vmem_shared>>
      %dma_start3A_79 = arith.constant 0 : i32
      %dma_start3A_80 = tpu.memref_slice %arg5[%mul3A_65, %dma_start3A_79] : memref<10240x128xf32, #tpu.memory_space<hbm>> -> memref<640x128xf32, #tpu.memory_space<hbm>>
      tpu.enqueue_dma source(%dma_start3A_80 : memref<640x128xf32, #tpu.memory_space<hbm>>) target(%dma_start3A_78 : memref<640x128xf32, #tpu.memory_space<vmem_shared>>) target_semaphore(%run_scoped3A_76 : memref<!tpu.dma_semaphore, #tpu.memory_space<semaphore_mem>>)
      %dma_wait3A_81 = arith.constant 0 : i32
      %dma_wait3A_82 = tpu.memref_slice %arg17[%mul3A_65, %dma_wait3A_81] : memref<10240x128xf32, #tpu.memory_space<vmem_shared>> -> memref<640x128xf32, #tpu.memory_space<vmem_shared>>
      %dma_wait3A_83 = arith.constant 0 : i32
      %dma_wait3A_84 = tpu.memref_slice %arg5[%mul3A_65, %dma_wait3A_83] : memref<10240x128xf32, #tpu.memory_space<hbm>> -> memref<640x128xf32, #tpu.memory_space<hbm>>
      tpu.wait_dma2 semaphore(%run_scoped3A_76 : memref<!tpu.dma_semaphore, #tpu.memory_space<semaphore_mem>>) src(%dma_wait3A_84 : memref<640x128xf32, #tpu.memory_space<hbm>>) dst(%dma_wait3A_82 : memref<640x128xf32, #tpu.memory_space<vmem_shared>>)
      tpu.yield
    }) : () -> ()
    %barrier3A = arith.constant 0 : index
    tpu.barrier barrier_id(%barrier3A)
    %scan3A = arith.constant 0 : i32
    %scan3A_66 = arith.constant 20 : i32
    %scan3A_67 = arith.addi %scan3A, %scan3A_66 : i32
    %scan3A_68 = arith.constant 1 : i32
    scf.for %scan3A_76 = %scan3A to %scan3A_67 step %scan3A_68  : i32 {
      %mul3A_77 = arith.constant 4 : i32
      %mul3A_78 = arith.muli %scan3A_76, %mul3A_77 : i32
      %add3A_79 = arith.constant 0 : i32
      %add3A_80 = arith.addi %add3A_79, %mul3A_78 : i32
      %add3A_81 = arith.constant 0 : i32
      %add3A_82 = arith.addi %add3A_80, %add3A_81 : i32
      %add3A_83 = arith.constant 1 : i32
      %add3A_84 = arith.addi %add3A_82, %add3A_83 : i32
      %lt3A = arith.constant 80 : i32
      %lt3A_85 = arith.cmpi slt, %add3A_84, %lt3A : i32
      %convert_element_type3A = arith.extui %lt3A_85 : i1 to i32
      %cond3A = arith.constant 0 : i32
      %cond3A_86 = arith.cmpi ne, %convert_element_type3A, %cond3A : i32
      scf.if %cond3A_86 {
        %ge3A = arith.constant 1 : i32
        %ge3A_138 = arith.cmpi sge, %add3A_82, %ge3A : i32
        %convert_element_type3A_139 = arith.extui %ge3A_138 : i1 to i32
        %cond3A_140 = arith.constant 0 : i32
        %cond3A_141 = arith.cmpi ne, %convert_element_type3A_139, %cond3A_140 : i32
        scf.if %cond3A_141 {
          %dma_wait3A_184 = arith.constant 0 : i32
          %dma_wait3A_185 = arith.constant 0 : i32
          %dma_wait3A_186 = tpu.memref_slice %arg17[%dma_wait3A_184, %dma_wait3A_185] : memref<10240x128xf32, #tpu.memory_space<vmem_shared>> -> memref<10240x128xf32, #tpu.memory_space<vmem_shared>>
          tpu.wait_indirect_dma semaphore(%arg21 : memref<!tpu.dma_semaphore, #tpu.memory_space<semaphore_mem>>) src(%arg16 : memref<125x128xf32, #tpu.memory_space<vmem>>) dst(%dma_wait3A_186 : memref<10240x128xf32, #tpu.memory_space<vmem_shared>>)
        } else {
        }
        %add3A_142 = arith.constant 1 : i32
        %add3A_143 = arith.addi %add3A_82, %add3A_142 : i32
        %dma_wait3A_144 = arith.constant 0 : i32
        %dma_wait3A_145 = arith.constant 0 : i32
        %dma_wait3A_146 = tpu.memref_slice %arg3[%add3A, %dma_wait3A_144, %dma_wait3A_145] : memref<32x80x125xi32, #tpu.memory_space<hbm>> -> memref<1x80x125xi32, #tpu.memory_space<hbm>>
        %dma_wait3A_147 = tpu.memref_squeeze %dma_wait3A_146 : memref<1x80x125xi32, #tpu.memory_space<hbm>> -> memref<80x125xi32, #tpu.memory_space<hbm>>
        %dma_wait3A_148 = arith.constant 0 : i32
        %dma_wait3A_149 = tpu.memref_slice %dma_wait3A_147[%add3A_143, %dma_wait3A_148] : memref<80x125xi32, #tpu.memory_space<hbm>> -> memref<1x125xi32, #tpu.memory_space<hbm>>
        %dma_wait3A_150 = tpu.memref_squeeze %dma_wait3A_149 : memref<1x125xi32, #tpu.memory_space<hbm>> -> memref<125xi32, #tpu.memory_space<hbm>>
        %dma_wait3A_151 = arith.constant 0 : i32
        %dma_wait3A_152 = arith.constant 0 : i32
        %dma_wait3A_153 = tpu.memref_slice %arg3[%add3A, %dma_wait3A_151, %dma_wait3A_152] : memref<32x80x125xi32, #tpu.memory_space<hbm>> -> memref<1x80x125xi32, #tpu.memory_space<hbm>>
        %dma_wait3A_154 = tpu.memref_squeeze %dma_wait3A_153 : memref<1x80x125xi32, #tpu.memory_space<hbm>> -> memref<80x125xi32, #tpu.memory_space<hbm>>
        %dma_wait3A_155 = arith.constant 0 : i32
        %dma_wait3A_156 = tpu.memref_slice %dma_wait3A_154[%add3A_143, %dma_wait3A_155] : memref<80x125xi32, #tpu.memory_space<hbm>> -> memref<1x125xi32, #tpu.memory_space<hbm>>
        %dma_wait3A_157 = tpu.memref_squeeze %dma_wait3A_156 : memref<1x125xi32, #tpu.memory_space<hbm>> -> memref<125xi32, #tpu.memory_space<hbm>>
        tpu.wait_dma2 semaphore(%arg18 : memref<!tpu.dma_semaphore, #tpu.memory_space<semaphore_mem>>) src(%dma_wait3A_157 : memref<125xi32, #tpu.memory_space<hbm>>) dst(%arg8 : memref<125xi32, #tpu.memory_space<vmem>>)
        %add3A_158 = arith.constant 1 : i32
        %add3A_159 = arith.addi %add3A_82, %add3A_158 : i32
        %dma_wait3A_160 = arith.constant 0 : i32
        %dma_wait3A_161 = arith.constant 0 : i32
        %dma_wait3A_162 = tpu.memref_slice %arg4[%add3A, %dma_wait3A_160, %dma_wait3A_161] : memref<32x80x125xi32, #tpu.memory_space<hbm>> -> memref<1x80x125xi32, #tpu.memory_space<hbm>>
        %dma_wait3A_163 = tpu.memref_squeeze %dma_wait3A_162 : memref<1x80x125xi32, #tpu.memory_space<hbm>> -> memref<80x125xi32, #tpu.memory_space<hbm>>
        %dma_wait3A_164 = arith.constant 0 : i32
        %dma_wait3A_165 = tpu.memref_slice %dma_wait3A_163[%add3A_159, %dma_wait3A_164] : memref<80x125xi32, #tpu.memory_space<hbm>> -> memref<1x125xi32, #tpu.memory_space<hbm>>
        %dma_wait3A_166 = tpu.memref_squeeze %dma_wait3A_165 : memref<1x125xi32, #tpu.memory_space<hbm>> -> memref<125xi32, #tpu.memory_space<hbm>>
        %dma_wait3A_167 = arith.constant 0 : i32
        %dma_wait3A_168 = arith.constant 0 : i32
        %dma_wait3A_169 = tpu.memref_slice %arg4[%add3A, %dma_wait3A_167, %dma_wait3A_168] : memref<32x80x125xi32, #tpu.memory_space<hbm>> -> memref<1x80x125xi32, #tpu.memory_space<hbm>>
        %dma_wait3A_170 = tpu.memref_squeeze %dma_wait3A_169 : memref<1x80x125xi32, #tpu.memory_space<hbm>> -> memref<80x125xi32, #tpu.memory_space<hbm>>
        %dma_wait3A_171 = arith.constant 0 : i32
        %dma_wait3A_172 = tpu.memref_slice %dma_wait3A_170[%add3A_159, %dma_wait3A_171] : memref<80x125xi32, #tpu.memory_space<hbm>> -> memref<1x125xi32, #tpu.memory_space<hbm>>
        %dma_wait3A_173 = tpu.memref_squeeze %dma_wait3A_172 : memref<1x125xi32, #tpu.memory_space<hbm>> -> memref<125xi32, #tpu.memory_space<hbm>>
        tpu.wait_dma2 semaphore(%arg18 : memref<!tpu.dma_semaphore, #tpu.memory_space<semaphore_mem>>) src(%dma_wait3A_173 : memref<125xi32, #tpu.memory_space<hbm>>) dst(%arg12 : memref<125xi32, #tpu.memory_space<vmem>>)
        %dma_start3A_174 = arith.constant 0 : i32
        %dma_start3A_175 = arith.constant 0 : i32
        %dma_start3A_176 = tpu.memref_slice %arg2[%dma_start3A_174, %dma_start3A_175] : memref<10000x128xf32, #tpu.memory_space<hbm>> -> memref<10000x128xf32, #tpu.memory_space<hbm>>
        tpu.enqueue_indirect_dma source(%dma_start3A_176 : memref<10000x128xf32, #tpu.memory_space<hbm>>) target(%arg16 : memref<125x128xf32, #tpu.memory_space<vmem>>) offsets(%arg8 : memref<125xi32, #tpu.memory_space<vmem>>) semaphore(%arg19 : memref<!tpu.dma_semaphore, #tpu.memory_space<semaphore_mem>>)
        %add3A_177 = arith.constant 3 : i32
        %add3A_178 = arith.addi %add3A_82, %add3A_177 : i32
        %lt3A_179 = arith.constant 80 : i32
        %lt3A_180 = arith.cmpi slt, %add3A_178, %lt3A_179 : i32
        %convert_element_type3A_181 = arith.extui %lt3A_180 : i1 to i32
        %cond3A_182 = arith.constant 0 : i32
        %cond3A_183 = arith.cmpi ne, %convert_element_type3A_181, %cond3A_182 : i32
        scf.if %cond3A_183 {
          %add3A_184 = arith.constant 3 : i32
          %add3A_185 = arith.addi %add3A_82, %add3A_184 : i32
          %dma_start3A_186 = arith.constant 0 : i32
          %dma_start3A_187 = arith.constant 0 : i32
          %dma_start3A_188 = tpu.memref_slice %arg3[%add3A, %dma_start3A_186, %dma_start3A_187] : memref<32x80x125xi32, #tpu.memory_space<hbm>> -> memref<1x80x125xi32, #tpu.memory_space<hbm>>
          %dma_start3A_189 = tpu.memref_squeeze %dma_start3A_188 : memref<1x80x125xi32, #tpu.memory_space<hbm>> -> memref<80x125xi32, #tpu.memory_space<hbm>>
          %dma_start3A_190 = arith.constant 0 : i32
          %dma_start3A_191 = tpu.memref_slice %dma_start3A_189[%add3A_185, %dma_start3A_190] : memref<80x125xi32, #tpu.memory_space<hbm>> -> memref<1x125xi32, #tpu.memory_space<hbm>>
          %dma_start3A_192 = tpu.memref_squeeze %dma_start3A_191 : memref<1x125xi32, #tpu.memory_space<hbm>> -> memref<125xi32, #tpu.memory_space<hbm>>
          %dma_start3A_193 = arith.constant 0 : i32
          %dma_start3A_194 = arith.constant 0 : i32
          %dma_start3A_195 = tpu.memref_slice %arg3[%add3A, %dma_start3A_193, %dma_start3A_194] : memref<32x80x125xi32, #tpu.memory_space<hbm>> -> memref<1x80x125xi32, #tpu.memory_space<hbm>>
          %dma_start3A_196 = tpu.memref_squeeze %dma_start3A_195 : memref<1x80x125xi32, #tpu.memory_space<hbm>> -> memref<80x125xi32, #tpu.memory_space<hbm>>
          %dma_start3A_197 = arith.constant 0 : i32
          %dma_start3A_198 = tpu.memref_slice %dma_start3A_196[%add3A_185, %dma_start3A_197] : memref<80x125xi32, #tpu.memory_space<hbm>> -> memref<1x125xi32, #tpu.memory_space<hbm>>
          %dma_start3A_199 = tpu.memref_squeeze %dma_start3A_198 : memref<1x125xi32, #tpu.memory_space<hbm>> -> memref<125xi32, #tpu.memory_space<hbm>>
          tpu.enqueue_dma source(%dma_start3A_199 : memref<125xi32, #tpu.memory_space<hbm>>) target(%arg10 : memref<125xi32, #tpu.memory_space<vmem>>) target_semaphore(%arg18 : memref<!tpu.dma_semaphore, #tpu.memory_space<semaphore_mem>>)
          %add3A_200 = arith.constant 3 : i32
          %add3A_201 = arith.addi %add3A_82, %add3A_200 : i32
          %dma_start3A_202 = arith.constant 0 : i32
          %dma_start3A_203 = arith.constant 0 : i32
          %dma_start3A_204 = tpu.memref_slice %arg4[%add3A, %dma_start3A_202, %dma_start3A_203] : memref<32x80x125xi32, #tpu.memory_space<hbm>> -> memref<1x80x125xi32, #tpu.memory_space<hbm>>
          %dma_start3A_205 = tpu.memref_squeeze %dma_start3A_204 : memref<1x80x125xi32, #tpu.memory_space<hbm>> -> memref<80x125xi32, #tpu.memory_space<hbm>>
          %dma_start3A_206 = arith.constant 0 : i32
          %dma_start3A_207 = tpu.memref_slice %dma_start3A_205[%add3A_201, %dma_start3A_206] : memref<80x125xi32, #tpu.memory_space<hbm>> -> memref<1x125xi32, #tpu.memory_space<hbm>>
          %dma_start3A_208 = tpu.memref_squeeze %dma_start3A_207 : memref<1x125xi32, #tpu.memory_space<hbm>> -> memref<125xi32, #tpu.memory_space<hbm>>
          %dma_start3A_209 = arith.constant 0 : i32
          %dma_start3A_210 = arith.constant 0 : i32
          %dma_start3A_211 = tpu.memref_slice %arg4[%add3A, %dma_start3A_209, %dma_start3A_210] : memref<32x80x125xi32, #tpu.memory_space<hbm>> -> memref<1x80x125xi32, #tpu.memory_space<hbm>>
          %dma_start3A_212 = tpu.memref_squeeze %dma_start3A_211 : memref<1x80x125xi32, #tpu.memory_space<hbm>> -> memref<80x125xi32, #tpu.memory_space<hbm>>
          %dma_start3A_213 = arith.constant 0 : i32
          %dma_start3A_214 = tpu.memref_slice %dma_start3A_212[%add3A_201, %dma_start3A_213] : memref<80x125xi32, #tpu.memory_space<hbm>> -> memref<1x125xi32, #tpu.memory_space<hbm>>
          %dma_start3A_215 = tpu.memref_squeeze %dma_start3A_214 : memref<1x125xi32, #tpu.memory_space<hbm>> -> memref<125xi32, #tpu.memory_space<hbm>>
          tpu.enqueue_dma source(%dma_start3A_215 : memref<125xi32, #tpu.memory_space<hbm>>) target(%arg14 : memref<125xi32, #tpu.memory_space<vmem>>) target_semaphore(%arg18 : memref<!tpu.dma_semaphore, #tpu.memory_space<semaphore_mem>>)
        } else {
        }
      } else {
      }
      %dma_wait3A_87 = arith.constant 0 : i32
      %dma_wait3A_88 = arith.constant 0 : i32
      %dma_wait3A_89 = tpu.memref_slice %arg2[%dma_wait3A_87, %dma_wait3A_88] : memref<10000x128xf32, #tpu.memory_space<hbm>> -> memref<10000x128xf32, #tpu.memory_space<hbm>>
      tpu.wait_indirect_dma semaphore(%arg19 : memref<!tpu.dma_semaphore, #tpu.memory_space<semaphore_mem>>) src(%dma_wait3A_89 : memref<10000x128xf32, #tpu.memory_space<hbm>>) dst(%arg15 : memref<125x128xf32, #tpu.memory_space<vmem>>)
      %dma_start3A_90 = arith.constant 0 : i32
      %dma_start3A_91 = arith.constant 0 : i32
      %dma_start3A_92 = tpu.memref_slice %arg17[%dma_start3A_90, %dma_start3A_91] : memref<10240x128xf32, #tpu.memory_space<vmem_shared>> -> memref<10240x128xf32, #tpu.memory_space<vmem_shared>>
      tpu.enqueue_indirect_dma source(%arg15 : memref<125x128xf32, #tpu.memory_space<vmem>>) target(%dma_start3A_92 : memref<10240x128xf32, #tpu.memory_space<vmem_shared>>) offsets(%arg11 : memref<125xi32, #tpu.memory_space<vmem>>) semaphore(%arg20 : memref<!tpu.dma_semaphore, #tpu.memory_space<semaphore_mem>>) {add = true}
      %add3A_93 = arith.constant 1 : i32
      %add3A_94 = arith.addi %add3A_80, %add3A_93 : i32
      %add3A_95 = arith.constant 1 : i32
      %add3A_96 = arith.addi %add3A_94, %add3A_95 : i32
      %lt3A_97 = arith.constant 80 : i32
      %lt3A_98 = arith.cmpi slt, %add3A_96, %lt3A_97 : i32
      %convert_element_type3A_99 = arith.extui %lt3A_98 : i1 to i32
      %cond3A_100 = arith.constant 0 : i32
      %cond3A_101 = arith.cmpi ne, %convert_element_type3A_99, %cond3A_100 : i32
      scf.if %cond3A_101 {
        %ge3A = arith.constant 1 : i32
        %ge3A_138 = arith.cmpi sge, %add3A_94, %ge3A : i32
        %convert_element_type3A_139 = arith.extui %ge3A_138 : i1 to i32
        %cond3A_140 = arith.constant 0 : i32
        %cond3A_141 = arith.cmpi ne, %convert_element_type3A_139, %cond3A_140 : i32
        scf.if %cond3A_141 {
          %dma_wait3A_184 = arith.constant 0 : i32
          %dma_wait3A_185 = arith.constant 0 : i32
          %dma_wait3A_186 = tpu.memref_slice %arg17[%dma_wait3A_184, %dma_wait3A_185] : memref<10240x128xf32, #tpu.memory_space<vmem_shared>> -> memref<10240x128xf32, #tpu.memory_space<vmem_shared>>
          tpu.wait_indirect_dma semaphore(%arg20 : memref<!tpu.dma_semaphore, #tpu.memory_space<semaphore_mem>>) src(%arg15 : memref<125x128xf32, #tpu.memory_space<vmem>>) dst(%dma_wait3A_186 : memref<10240x128xf32, #tpu.memory_space<vmem_shared>>)
        } else {
        }
        %add3A_142 = arith.constant 1 : i32
        %add3A_143 = arith.addi %add3A_94, %add3A_142 : i32
        %dma_wait3A_144 = arith.constant 0 : i32
        %dma_wait3A_145 = arith.constant 0 : i32
        %dma_wait3A_146 = tpu.memref_slice %arg3[%add3A, %dma_wait3A_144, %dma_wait3A_145] : memref<32x80x125xi32, #tpu.memory_space<hbm>> -> memref<1x80x125xi32, #tpu.memory_space<hbm>>
        %dma_wait3A_147 = tpu.memref_squeeze %dma_wait3A_146 : memref<1x80x125xi32, #tpu.memory_space<hbm>> -> memref<80x125xi32, #tpu.memory_space<hbm>>
        %dma_wait3A_148 = arith.constant 0 : i32
        %dma_wait3A_149 = tpu.memref_slice %dma_wait3A_147[%add3A_143, %dma_wait3A_148] : memref<80x125xi32, #tpu.memory_space<hbm>> -> memref<1x125xi32, #tpu.memory_space<hbm>>
        %dma_wait3A_150 = tpu.memref_squeeze %dma_wait3A_149 : memref<1x125xi32, #tpu.memory_space<hbm>> -> memref<125xi32, #tpu.memory_space<hbm>>
        %dma_wait3A_151 = arith.constant 0 : i32
        %dma_wait3A_152 = arith.constant 0 : i32
        %dma_wait3A_153 = tpu.memref_slice %arg3[%add3A, %dma_wait3A_151, %dma_wait3A_152] : memref<32x80x125xi32, #tpu.memory_space<hbm>> -> memref<1x80x125xi32, #tpu.memory_space<hbm>>
        %dma_wait3A_154 = tpu.memref_squeeze %dma_wait3A_153 : memref<1x80x125xi32, #tpu.memory_space<hbm>> -> memref<80x125xi32, #tpu.memory_space<hbm>>
        %dma_wait3A_155 = arith.constant 0 : i32
        %dma_wait3A_156 = tpu.memref_slice %dma_wait3A_154[%add3A_143, %dma_wait3A_155] : memref<80x125xi32, #tpu.memory_space<hbm>> -> memref<1x125xi32, #tpu.memory_space<hbm>>
        %dma_wait3A_157 = tpu.memref_squeeze %dma_wait3A_156 : memref<1x125xi32, #tpu.memory_space<hbm>> -> memref<125xi32, #tpu.memory_space<hbm>>
        tpu.wait_dma2 semaphore(%arg18 : memref<!tpu.dma_semaphore, #tpu.memory_space<semaphore_mem>>) src(%dma_wait3A_157 : memref<125xi32, #tpu.memory_space<hbm>>) dst(%arg9 : memref<125xi32, #tpu.memory_space<vmem>>)
        %add3A_158 = arith.constant 1 : i32
        %add3A_159 = arith.addi %add3A_94, %add3A_158 : i32
        %dma_wait3A_160 = arith.constant 0 : i32
        %dma_wait3A_161 = arith.constant 0 : i32
        %dma_wait3A_162 = tpu.memref_slice %arg4[%add3A, %dma_wait3A_160, %dma_wait3A_161] : memref<32x80x125xi32, #tpu.memory_space<hbm>> -> memref<1x80x125xi32, #tpu.memory_space<hbm>>
        %dma_wait3A_163 = tpu.memref_squeeze %dma_wait3A_162 : memref<1x80x125xi32, #tpu.memory_space<hbm>> -> memref<80x125xi32, #tpu.memory_space<hbm>>
        %dma_wait3A_164 = arith.constant 0 : i32
        %dma_wait3A_165 = tpu.memref_slice %dma_wait3A_163[%add3A_159, %dma_wait3A_164] : memref<80x125xi32, #tpu.memory_space<hbm>> -> memref<1x125xi32, #tpu.memory_space<hbm>>
        %dma_wait3A_166 = tpu.memref_squeeze %dma_wait3A_165 : memref<1x125xi32, #tpu.memory_space<hbm>> -> memref<125xi32, #tpu.memory_space<hbm>>
        %dma_wait3A_167 = arith.constant 0 : i32
        %dma_wait3A_168 = arith.constant 0 : i32
        %dma_wait3A_169 = tpu.memref_slice %arg4[%add3A, %dma_wait3A_167, %dma_wait3A_168] : memref<32x80x125xi32, #tpu.memory_space<hbm>> -> memref<1x80x125xi32, #tpu.memory_space<hbm>>
        %dma_wait3A_170 = tpu.memref_squeeze %dma_wait3A_169 : memref<1x80x125xi32, #tpu.memory_space<hbm>> -> memref<80x125xi32, #tpu.memory_space<hbm>>
        %dma_wait3A_171 = arith.constant 0 : i32
        %dma_wait3A_172 = tpu.memref_slice %dma_wait3A_170[%add3A_159, %dma_wait3A_171] : memref<80x125xi32, #tpu.memory_space<hbm>> -> memref<1x125xi32, #tpu.memory_space<hbm>>
        %dma_wait3A_173 = tpu.memref_squeeze %dma_wait3A_172 : memref<1x125xi32, #tpu.memory_space<hbm>> -> memref<125xi32, #tpu.memory_space<hbm>>
        tpu.wait_dma2 semaphore(%arg18 : memref<!tpu.dma_semaphore, #tpu.memory_space<semaphore_mem>>) src(%dma_wait3A_173 : memref<125xi32, #tpu.memory_space<hbm>>) dst(%arg13 : memref<125xi32, #tpu.memory_space<vmem>>)
        %dma_start3A_174 = arith.constant 0 : i32
        %dma_start3A_175 = arith.constant 0 : i32
        %dma_start3A_176 = tpu.memref_slice %arg2[%dma_start3A_174, %dma_start3A_175] : memref<10000x128xf32, #tpu.memory_space<hbm>> -> memref<10000x128xf32, #tpu.memory_space<hbm>>
        tpu.enqueue_indirect_dma source(%dma_start3A_176 : memref<10000x128xf32, #tpu.memory_space<hbm>>) target(%arg15 : memref<125x128xf32, #tpu.memory_space<vmem>>) offsets(%arg9 : memref<125xi32, #tpu.memory_space<vmem>>) semaphore(%arg19 : memref<!tpu.dma_semaphore, #tpu.memory_space<semaphore_mem>>)
        %add3A_177 = arith.constant 3 : i32
        %add3A_178 = arith.addi %add3A_94, %add3A_177 : i32
        %lt3A_179 = arith.constant 80 : i32
        %lt3A_180 = arith.cmpi slt, %add3A_178, %lt3A_179 : i32
        %convert_element_type3A_181 = arith.extui %lt3A_180 : i1 to i32
        %cond3A_182 = arith.constant 0 : i32
        %cond3A_183 = arith.cmpi ne, %convert_element_type3A_181, %cond3A_182 : i32
        scf.if %cond3A_183 {
          %add3A_184 = arith.constant 3 : i32
          %add3A_185 = arith.addi %add3A_94, %add3A_184 : i32
          %dma_start3A_186 = arith.constant 0 : i32
          %dma_start3A_187 = arith.constant 0 : i32
          %dma_start3A_188 = tpu.memref_slice %arg3[%add3A, %dma_start3A_186, %dma_start3A_187] : memref<32x80x125xi32, #tpu.memory_space<hbm>> -> memref<1x80x125xi32, #tpu.memory_space<hbm>>
          %dma_start3A_189 = tpu.memref_squeeze %dma_start3A_188 : memref<1x80x125xi32, #tpu.memory_space<hbm>> -> memref<80x125xi32, #tpu.memory_space<hbm>>
          %dma_start3A_190 = arith.constant 0 : i32
          %dma_start3A_191 = tpu.memref_slice %dma_start3A_189[%add3A_185, %dma_start3A_190] : memref<80x125xi32, #tpu.memory_space<hbm>> -> memref<1x125xi32, #tpu.memory_space<hbm>>
          %dma_start3A_192 = tpu.memref_squeeze %dma_start3A_191 : memref<1x125xi32, #tpu.memory_space<hbm>> -> memref<125xi32, #tpu.memory_space<hbm>>
          %dma_start3A_193 = arith.constant 0 : i32
          %dma_start3A_194 = arith.constant 0 : i32
          %dma_start3A_195 = tpu.memref_slice %arg3[%add3A, %dma_start3A_193, %dma_start3A_194] : memref<32x80x125xi32, #tpu.memory_space<hbm>> -> memref<1x80x125xi32, #tpu.memory_space<hbm>>
          %dma_start3A_196 = tpu.memref_squeeze %dma_start3A_195 : memref<1x80x125xi32, #tpu.memory_space<hbm>> -> memref<80x125xi32, #tpu.memory_space<hbm>>
          %dma_start3A_197 = arith.constant 0 : i32
          %dma_start3A_198 = tpu.memref_slice %dma_start3A_196[%add3A_185, %dma_start3A_197] : memref<80x125xi32, #tpu.memory_space<hbm>> -> memref<1x125xi32, #tpu.memory_space<hbm>>
          %dma_start3A_199 = tpu.memref_squeeze %dma_start3A_198 : memref<1x125xi32, #tpu.memory_space<hbm>> -> memref<125xi32, #tpu.memory_space<hbm>>
          tpu.enqueue_dma source(%dma_start3A_199 : memref<125xi32, #tpu.memory_space<hbm>>) target(%arg7 : memref<125xi32, #tpu.memory_space<vmem>>) target_semaphore(%arg18 : memref<!tpu.dma_semaphore, #tpu.memory_space<semaphore_mem>>)
          %add3A_200 = arith.constant 3 : i32
          %add3A_201 = arith.addi %add3A_94, %add3A_200 : i32
          %dma_start3A_202 = arith.constant 0 : i32
          %dma_start3A_203 = arith.constant 0 : i32
          %dma_start3A_204 = tpu.memref_slice %arg4[%add3A, %dma_start3A_202, %dma_start3A_203] : memref<32x80x125xi32, #tpu.memory_space<hbm>> -> memref<1x80x125xi32, #tpu.memory_space<hbm>>
          %dma_start3A_205 = tpu.memref_squeeze %dma_start3A_204 : memref<1x80x125xi32, #tpu.memory_space<hbm>> -> memref<80x125xi32, #tpu.memory_space<hbm>>
          %dma_start3A_206 = arith.constant 0 : i32
          %dma_start3A_207 = tpu.memref_slice %dma_start3A_205[%add3A_201, %dma_start3A_206] : memref<80x125xi32, #tpu.memory_space<hbm>> -> memref<1x125xi32, #tpu.memory_space<hbm>>
          %dma_start3A_208 = tpu.memref_squeeze %dma_start3A_207 : memref<1x125xi32, #tpu.memory_space<hbm>> -> memref<125xi32, #tpu.memory_space<hbm>>
          %dma_start3A_209 = arith.constant 0 : i32
          %dma_start3A_210 = arith.constant 0 : i32
          %dma_start3A_211 = tpu.memref_slice %arg4[%add3A, %dma_start3A_209, %dma_start3A_210] : memref<32x80x125xi32, #tpu.memory_space<hbm>> -> memref<1x80x125xi32, #tpu.memory_space<hbm>>
          %dma_start3A_212 = tpu.memref_squeeze %dma_start3A_211 : memref<1x80x125xi32, #tpu.memory_space<hbm>> -> memref<80x125xi32, #tpu.memory_space<hbm>>
          %dma_start3A_213 = arith.constant 0 : i32
          %dma_start3A_214 = tpu.memref_slice %dma_start3A_212[%add3A_201, %dma_start3A_213] : memref<80x125xi32, #tpu.memory_space<hbm>> -> memref<1x125xi32, #tpu.memory_space<hbm>>
          %dma_start3A_215 = tpu.memref_squeeze %dma_start3A_214 : memref<1x125xi32, #tpu.memory_space<hbm>> -> memref<125xi32, #tpu.memory_space<hbm>>
          tpu.enqueue_dma source(%dma_start3A_215 : memref<125xi32, #tpu.memory_space<hbm>>) target(%arg11 : memref<125xi32, #tpu.memory_space<vmem>>) target_semaphore(%arg18 : memref<!tpu.dma_semaphore, #tpu.memory_space<semaphore_mem>>)
        } else {
        }
      } else {
      }
      %dma_wait3A_102 = arith.constant 0 : i32
      %dma_wait3A_103 = arith.constant 0 : i32
      %dma_wait3A_104 = tpu.memref_slice %arg2[%dma_wait3A_102, %dma_wait3A_103] : memref<10000x128xf32, #tpu.memory_space<hbm>> -> memref<10000x128xf32, #tpu.memory_space<hbm>>
      tpu.wait_indirect_dma semaphore(%arg19 : memref<!tpu.dma_semaphore, #tpu.memory_space<semaphore_mem>>) src(%dma_wait3A_104 : memref<10000x128xf32, #tpu.memory_space<hbm>>) dst(%arg16 : memref<125x128xf32, #tpu.memory_space<vmem>>)
      %dma_start3A_105 = arith.constant 0 : i32
      %dma_start3A_106 = arith.constant 0 : i32
      %dma_start3A_107 = tpu.memref_slice %arg17[%dma_start3A_105, %dma_start3A_106] : memref<10240x128xf32, #tpu.memory_space<vmem_shared>> -> memref<10240x128xf32, #tpu.memory_space<vmem_shared>>
      tpu.enqueue_indirect_dma source(%arg16 : memref<125x128xf32, #tpu.memory_space<vmem>>) target(%dma_start3A_107 : memref<10240x128xf32, #tpu.memory_space<vmem_shared>>) offsets(%arg12 : memref<125xi32, #tpu.memory_space<vmem>>) semaphore(%arg21 : memref<!tpu.dma_semaphore, #tpu.memory_space<semaphore_mem>>) {add = true}
      %add3A_108 = arith.constant 2 : i32
      %add3A_109 = arith.addi %add3A_80, %add3A_108 : i32
      %add3A_110 = arith.constant 1 : i32
      %add3A_111 = arith.addi %add3A_109, %add3A_110 : i32
      %lt3A_112 = arith.constant 80 : i32
      %lt3A_113 = arith.cmpi slt, %add3A_111, %lt3A_112 : i32
      %convert_element_type3A_114 = arith.extui %lt3A_113 : i1 to i32
      %cond3A_115 = arith.constant 0 : i32
      %cond3A_116 = arith.cmpi ne, %convert_element_type3A_114, %cond3A_115 : i32
      scf.if %cond3A_116 {
        %ge3A = arith.constant 1 : i32
        %ge3A_138 = arith.cmpi sge, %add3A_109, %ge3A : i32
        %convert_element_type3A_139 = arith.extui %ge3A_138 : i1 to i32
        %cond3A_140 = arith.constant 0 : i32
        %cond3A_141 = arith.cmpi ne, %convert_element_type3A_139, %cond3A_140 : i32
        scf.if %cond3A_141 {
          %dma_wait3A_184 = arith.constant 0 : i32
          %dma_wait3A_185 = arith.constant 0 : i32
          %dma_wait3A_186 = tpu.memref_slice %arg17[%dma_wait3A_184, %dma_wait3A_185] : memref<10240x128xf32, #tpu.memory_space<vmem_shared>> -> memref<10240x128xf32, #tpu.memory_space<vmem_shared>>
          tpu.wait_indirect_dma semaphore(%arg21 : memref<!tpu.dma_semaphore, #tpu.memory_space<semaphore_mem>>) src(%arg16 : memref<125x128xf32, #tpu.memory_space<vmem>>) dst(%dma_wait3A_186 : memref<10240x128xf32, #tpu.memory_space<vmem_shared>>)
        } else {
        }
        %add3A_142 = arith.constant 1 : i32
        %add3A_143 = arith.addi %add3A_109, %add3A_142 : i32
        %dma_wait3A_144 = arith.constant 0 : i32
        %dma_wait3A_145 = arith.constant 0 : i32
        %dma_wait3A_146 = tpu.memref_slice %arg3[%add3A, %dma_wait3A_144, %dma_wait3A_145] : memref<32x80x125xi32, #tpu.memory_space<hbm>> -> memref<1x80x125xi32, #tpu.memory_space<hbm>>
        %dma_wait3A_147 = tpu.memref_squeeze %dma_wait3A_146 : memref<1x80x125xi32, #tpu.memory_space<hbm>> -> memref<80x125xi32, #tpu.memory_space<hbm>>
        %dma_wait3A_148 = arith.constant 0 : i32
        %dma_wait3A_149 = tpu.memref_slice %dma_wait3A_147[%add3A_143, %dma_wait3A_148] : memref<80x125xi32, #tpu.memory_space<hbm>> -> memref<1x125xi32, #tpu.memory_space<hbm>>
        %dma_wait3A_150 = tpu.memref_squeeze %dma_wait3A_149 : memref<1x125xi32, #tpu.memory_space<hbm>> -> memref<125xi32, #tpu.memory_space<hbm>>
        %dma_wait3A_151 = arith.constant 0 : i32
        %dma_wait3A_152 = arith.constant 0 : i32
        %dma_wait3A_153 = tpu.memref_slice %arg3[%add3A, %dma_wait3A_151, %dma_wait3A_152] : memref<32x80x125xi32, #tpu.memory_space<hbm>> -> memref<1x80x125xi32, #tpu.memory_space<hbm>>
        %dma_wait3A_154 = tpu.memref_squeeze %dma_wait3A_153 : memref<1x80x125xi32, #tpu.memory_space<hbm>> -> memref<80x125xi32, #tpu.memory_space<hbm>>
        %dma_wait3A_155 = arith.constant 0 : i32
        %dma_wait3A_156 = tpu.memref_slice %dma_wait3A_154[%add3A_143, %dma_wait3A_155] : memref<80x125xi32, #tpu.memory_space<hbm>> -> memref<1x125xi32, #tpu.memory_space<hbm>>
        %dma_wait3A_157 = tpu.memref_squeeze %dma_wait3A_156 : memref<1x125xi32, #tpu.memory_space<hbm>> -> memref<125xi32, #tpu.memory_space<hbm>>
        tpu.wait_dma2 semaphore(%arg18 : memref<!tpu.dma_semaphore, #tpu.memory_space<semaphore_mem>>) src(%dma_wait3A_157 : memref<125xi32, #tpu.memory_space<hbm>>) dst(%arg10 : memref<125xi32, #tpu.memory_space<vmem>>)
        %add3A_158 = arith.constant 1 : i32
        %add3A_159 = arith.addi %add3A_109, %add3A_158 : i32
        %dma_wait3A_160 = arith.constant 0 : i32
        %dma_wait3A_161 = arith.constant 0 : i32
        %dma_wait3A_162 = tpu.memref_slice %arg4[%add3A, %dma_wait3A_160, %dma_wait3A_161] : memref<32x80x125xi32, #tpu.memory_space<hbm>> -> memref<1x80x125xi32, #tpu.memory_space<hbm>>
        %dma_wait3A_163 = tpu.memref_squeeze %dma_wait3A_162 : memref<1x80x125xi32, #tpu.memory_space<hbm>> -> memref<80x125xi32, #tpu.memory_space<hbm>>
        %dma_wait3A_164 = arith.constant 0 : i32
        %dma_wait3A_165 = tpu.memref_slice %dma_wait3A_163[%add3A_159, %dma_wait3A_164] : memref<80x125xi32, #tpu.memory_space<hbm>> -> memref<1x125xi32, #tpu.memory_space<hbm>>
        %dma_wait3A_166 = tpu.memref_squeeze %dma_wait3A_165 : memref<1x125xi32, #tpu.memory_space<hbm>> -> memref<125xi32, #tpu.memory_space<hbm>>
        %dma_wait3A_167 = arith.constant 0 : i32
        %dma_wait3A_168 = arith.constant 0 : i32
        %dma_wait3A_169 = tpu.memref_slice %arg4[%add3A, %dma_wait3A_167, %dma_wait3A_168] : memref<32x80x125xi32, #tpu.memory_space<hbm>> -> memref<1x80x125xi32, #tpu.memory_space<hbm>>
        %dma_wait3A_170 = tpu.memref_squeeze %dma_wait3A_169 : memref<1x80x125xi32, #tpu.memory_space<hbm>> -> memref<80x125xi32, #tpu.memory_space<hbm>>
        %dma_wait3A_171 = arith.constant 0 : i32
        %dma_wait3A_172 = tpu.memref_slice %dma_wait3A_170[%add3A_159, %dma_wait3A_171] : memref<80x125xi32, #tpu.memory_space<hbm>> -> memref<1x125xi32, #tpu.memory_space<hbm>>
        %dma_wait3A_173 = tpu.memref_squeeze %dma_wait3A_172 : memref<1x125xi32, #tpu.memory_space<hbm>> -> memref<125xi32, #tpu.memory_space<hbm>>
        tpu.wait_dma2 semaphore(%arg18 : memref<!tpu.dma_semaphore, #tpu.memory_space<semaphore_mem>>) src(%dma_wait3A_173 : memref<125xi32, #tpu.memory_space<hbm>>) dst(%arg14 : memref<125xi32, #tpu.memory_space<vmem>>)
        %dma_start3A_174 = arith.constant 0 : i32
        %dma_start3A_175 = arith.constant 0 : i32
        %dma_start3A_176 = tpu.memref_slice %arg2[%dma_start3A_174, %dma_start3A_175] : memref<10000x128xf32, #tpu.memory_space<hbm>> -> memref<10000x128xf32, #tpu.memory_space<hbm>>
        tpu.enqueue_indirect_dma source(%dma_start3A_176 : memref<10000x128xf32, #tpu.memory_space<hbm>>) target(%arg16 : memref<125x128xf32, #tpu.memory_space<vmem>>) offsets(%arg10 : memref<125xi32, #tpu.memory_space<vmem>>) semaphore(%arg19 : memref<!tpu.dma_semaphore, #tpu.memory_space<semaphore_mem>>)
        %add3A_177 = arith.constant 3 : i32
        %add3A_178 = arith.addi %add3A_109, %add3A_177 : i32
        %lt3A_179 = arith.constant 80 : i32
        %lt3A_180 = arith.cmpi slt, %add3A_178, %lt3A_179 : i32
        %convert_element_type3A_181 = arith.extui %lt3A_180 : i1 to i32
        %cond3A_182 = arith.constant 0 : i32
        %cond3A_183 = arith.cmpi ne, %convert_element_type3A_181, %cond3A_182 : i32
        scf.if %cond3A_183 {
          %add3A_184 = arith.constant 3 : i32
          %add3A_185 = arith.addi %add3A_109, %add3A_184 : i32
          %dma_start3A_186 = arith.constant 0 : i32
          %dma_start3A_187 = arith.constant 0 : i32
          %dma_start3A_188 = tpu.memref_slice %arg3[%add3A, %dma_start3A_186, %dma_start3A_187] : memref<32x80x125xi32, #tpu.memory_space<hbm>> -> memref<1x80x125xi32, #tpu.memory_space<hbm>>
          %dma_start3A_189 = tpu.memref_squeeze %dma_start3A_188 : memref<1x80x125xi32, #tpu.memory_space<hbm>> -> memref<80x125xi32, #tpu.memory_space<hbm>>
          %dma_start3A_190 = arith.constant 0 : i32
          %dma_start3A_191 = tpu.memref_slice %dma_start3A_189[%add3A_185, %dma_start3A_190] : memref<80x125xi32, #tpu.memory_space<hbm>> -> memref<1x125xi32, #tpu.memory_space<hbm>>
          %dma_start3A_192 = tpu.memref_squeeze %dma_start3A_191 : memref<1x125xi32, #tpu.memory_space<hbm>> -> memref<125xi32, #tpu.memory_space<hbm>>
          %dma_start3A_193 = arith.constant 0 : i32
          %dma_start3A_194 = arith.constant 0 : i32
          %dma_start3A_195 = tpu.memref_slice %arg3[%add3A, %dma_start3A_193, %dma_start3A_194] : memref<32x80x125xi32, #tpu.memory_space<hbm>> -> memref<1x80x125xi32, #tpu.memory_space<hbm>>
          %dma_start3A_196 = tpu.memref_squeeze %dma_start3A_195 : memref<1x80x125xi32, #tpu.memory_space<hbm>> -> memref<80x125xi32, #tpu.memory_space<hbm>>
          %dma_start3A_197 = arith.constant 0 : i32
          %dma_start3A_198 = tpu.memref_slice %dma_start3A_196[%add3A_185, %dma_start3A_197] : memref<80x125xi32, #tpu.memory_space<hbm>> -> memref<1x125xi32, #tpu.memory_space<hbm>>
          %dma_start3A_199 = tpu.memref_squeeze %dma_start3A_198 : memref<1x125xi32, #tpu.memory_space<hbm>> -> memref<125xi32, #tpu.memory_space<hbm>>
          tpu.enqueue_dma source(%dma_start3A_199 : memref<125xi32, #tpu.memory_space<hbm>>) target(%arg8 : memref<125xi32, #tpu.memory_space<vmem>>) target_semaphore(%arg18 : memref<!tpu.dma_semaphore, #tpu.memory_space<semaphore_mem>>)
          %add3A_200 = arith.constant 3 : i32
          %add3A_201 = arith.addi %add3A_109, %add3A_200 : i32
          %dma_start3A_202 = arith.constant 0 : i32
          %dma_start3A_203 = arith.constant 0 : i32
          %dma_start3A_204 = tpu.memref_slice %arg4[%add3A, %dma_start3A_202, %dma_start3A_203] : memref<32x80x125xi32, #tpu.memory_space<hbm>> -> memref<1x80x125xi32, #tpu.memory_space<hbm>>
          %dma_start3A_205 = tpu.memref_squeeze %dma_start3A_204 : memref<1x80x125xi32, #tpu.memory_space<hbm>> -> memref<80x125xi32, #tpu.memory_space<hbm>>
          %dma_start3A_206 = arith.constant 0 : i32
          %dma_start3A_207 = tpu.memref_slice %dma_start3A_205[%add3A_201, %dma_start3A_206] : memref<80x125xi32, #tpu.memory_space<hbm>> -> memref<1x125xi32, #tpu.memory_space<hbm>>
          %dma_start3A_208 = tpu.memref_squeeze %dma_start3A_207 : memref<1x125xi32, #tpu.memory_space<hbm>> -> memref<125xi32, #tpu.memory_space<hbm>>
          %dma_start3A_209 = arith.constant 0 : i32
          %dma_start3A_210 = arith.constant 0 : i32
          %dma_start3A_211 = tpu.memref_slice %arg4[%add3A, %dma_start3A_209, %dma_start3A_210] : memref<32x80x125xi32, #tpu.memory_space<hbm>> -> memref<1x80x125xi32, #tpu.memory_space<hbm>>
          %dma_start3A_212 = tpu.memref_squeeze %dma_start3A_211 : memref<1x80x125xi32, #tpu.memory_space<hbm>> -> memref<80x125xi32, #tpu.memory_space<hbm>>
          %dma_start3A_213 = arith.constant 0 : i32
          %dma_start3A_214 = tpu.memref_slice %dma_start3A_212[%add3A_201, %dma_start3A_213] : memref<80x125xi32, #tpu.memory_space<hbm>> -> memref<1x125xi32, #tpu.memory_space<hbm>>
          %dma_start3A_215 = tpu.memref_squeeze %dma_start3A_214 : memref<1x125xi32, #tpu.memory_space<hbm>> -> memref<125xi32, #tpu.memory_space<hbm>>
          tpu.enqueue_dma source(%dma_start3A_215 : memref<125xi32, #tpu.memory_space<hbm>>) target(%arg12 : memref<125xi32, #tpu.memory_space<vmem>>) target_semaphore(%arg18 : memref<!tpu.dma_semaphore, #tpu.memory_space<semaphore_mem>>)
        } else {
        }
      } else {
      }
      %dma_wait3A_117 = arith.constant 0 : i32
      %dma_wait3A_118 = arith.constant 0 : i32
      %dma_wait3A_119 = tpu.memref_slice %arg2[%dma_wait3A_117, %dma_wait3A_118] : memref<10000x128xf32, #tpu.memory_space<hbm>> -> memref<10000x128xf32, #tpu.memory_space<hbm>>
      tpu.wait_indirect_dma semaphore(%arg19 : memref<!tpu.dma_semaphore, #tpu.memory_space<semaphore_mem>>) src(%dma_wait3A_119 : memref<10000x128xf32, #tpu.memory_space<hbm>>) dst(%arg15 : memref<125x128xf32, #tpu.memory_space<vmem>>)
      %dma_start3A_120 = arith.constant 0 : i32
      %dma_start3A_121 = arith.constant 0 : i32
      %dma_start3A_122 = tpu.memref_slice %arg17[%dma_start3A_120, %dma_start3A_121] : memref<10240x128xf32, #tpu.memory_space<vmem_shared>> -> memref<10240x128xf32, #tpu.memory_space<vmem_shared>>
      tpu.enqueue_indirect_dma source(%arg15 : memref<125x128xf32, #tpu.memory_space<vmem>>) target(%dma_start3A_122 : memref<10240x128xf32, #tpu.memory_space<vmem_shared>>) offsets(%arg13 : memref<125xi32, #tpu.memory_space<vmem>>) semaphore(%arg20 : memref<!tpu.dma_semaphore, #tpu.memory_space<semaphore_mem>>) {add = true}
      %add3A_123 = arith.constant 3 : i32
      %add3A_124 = arith.addi %add3A_80, %add3A_123 : i32
      %add3A_125 = arith.constant 1 : i32
      %add3A_126 = arith.addi %add3A_124, %add3A_125 : i32
      %lt3A_127 = arith.constant 80 : i32
      %lt3A_128 = arith.cmpi slt, %add3A_126, %lt3A_127 : i32
      %convert_element_type3A_129 = arith.extui %lt3A_128 : i1 to i32
      %cond3A_130 = arith.constant 0 : i32
      %cond3A_131 = arith.cmpi ne, %convert_element_type3A_129, %cond3A_130 : i32
      scf.if %cond3A_131 {
        %ge3A = arith.constant 1 : i32
        %ge3A_138 = arith.cmpi sge, %add3A_124, %ge3A : i32
        %convert_element_type3A_139 = arith.extui %ge3A_138 : i1 to i32
        %cond3A_140 = arith.constant 0 : i32
        %cond3A_141 = arith.cmpi ne, %convert_element_type3A_139, %cond3A_140 : i32
        scf.if %cond3A_141 {
          %dma_wait3A_184 = arith.constant 0 : i32
          %dma_wait3A_185 = arith.constant 0 : i32
          %dma_wait3A_186 = tpu.memref_slice %arg17[%dma_wait3A_184, %dma_wait3A_185] : memref<10240x128xf32, #tpu.memory_space<vmem_shared>> -> memref<10240x128xf32, #tpu.memory_space<vmem_shared>>
          tpu.wait_indirect_dma semaphore(%arg20 : memref<!tpu.dma_semaphore, #tpu.memory_space<semaphore_mem>>) src(%arg15 : memref<125x128xf32, #tpu.memory_space<vmem>>) dst(%dma_wait3A_186 : memref<10240x128xf32, #tpu.memory_space<vmem_shared>>)
        } else {
        }
        %add3A_142 = arith.constant 1 : i32
        %add3A_143 = arith.addi %add3A_124, %add3A_142 : i32
        %dma_wait3A_144 = arith.constant 0 : i32
        %dma_wait3A_145 = arith.constant 0 : i32
        %dma_wait3A_146 = tpu.memref_slice %arg3[%add3A, %dma_wait3A_144, %dma_wait3A_145] : memref<32x80x125xi32, #tpu.memory_space<hbm>> -> memref<1x80x125xi32, #tpu.memory_space<hbm>>
        %dma_wait3A_147 = tpu.memref_squeeze %dma_wait3A_146 : memref<1x80x125xi32, #tpu.memory_space<hbm>> -> memref<80x125xi32, #tpu.memory_space<hbm>>
        %dma_wait3A_148 = arith.constant 0 : i32
        %dma_wait3A_149 = tpu.memref_slice %dma_wait3A_147[%add3A_143, %dma_wait3A_148] : memref<80x125xi32, #tpu.memory_space<hbm>> -> memref<1x125xi32, #tpu.memory_space<hbm>>
        %dma_wait3A_150 = tpu.memref_squeeze %dma_wait3A_149 : memref<1x125xi32, #tpu.memory_space<hbm>> -> memref<125xi32, #tpu.memory_space<hbm>>
        %dma_wait3A_151 = arith.constant 0 : i32
        %dma_wait3A_152 = arith.constant 0 : i32
        %dma_wait3A_153 = tpu.memref_slice %arg3[%add3A, %dma_wait3A_151, %dma_wait3A_152] : memref<32x80x125xi32, #tpu.memory_space<hbm>> -> memref<1x80x125xi32, #tpu.memory_space<hbm>>
        %dma_wait3A_154 = tpu.memref_squeeze %dma_wait3A_153 : memref<1x80x125xi32, #tpu.memory_space<hbm>> -> memref<80x125xi32, #tpu.memory_space<hbm>>
        %dma_wait3A_155 = arith.constant 0 : i32
        %dma_wait3A_156 = tpu.memref_slice %dma_wait3A_154[%add3A_143, %dma_wait3A_155] : memref<80x125xi32, #tpu.memory_space<hbm>> -> memref<1x125xi32, #tpu.memory_space<hbm>>
        %dma_wait3A_157 = tpu.memref_squeeze %dma_wait3A_156 : memref<1x125xi32, #tpu.memory_space<hbm>> -> memref<125xi32, #tpu.memory_space<hbm>>
        tpu.wait_dma2 semaphore(%arg18 : memref<!tpu.dma_semaphore, #tpu.memory_space<semaphore_mem>>) src(%dma_wait3A_157 : memref<125xi32, #tpu.memory_space<hbm>>) dst(%arg7 : memref<125xi32, #tpu.memory_space<vmem>>)
        %add3A_158 = arith.constant 1 : i32
        %add3A_159 = arith.addi %add3A_124, %add3A_158 : i32
        %dma_wait3A_160 = arith.constant 0 : i32
        %dma_wait3A_161 = arith.constant 0 : i32
        %dma_wait3A_162 = tpu.memref_slice %arg4[%add3A, %dma_wait3A_160, %dma_wait3A_161] : memref<32x80x125xi32, #tpu.memory_space<hbm>> -> memref<1x80x125xi32, #tpu.memory_space<hbm>>
        %dma_wait3A_163 = tpu.memref_squeeze %dma_wait3A_162 : memref<1x80x125xi32, #tpu.memory_space<hbm>> -> memref<80x125xi32, #tpu.memory_space<hbm>>
        %dma_wait3A_164 = arith.constant 0 : i32
        %dma_wait3A_165 = tpu.memref_slice %dma_wait3A_163[%add3A_159, %dma_wait3A_164] : memref<80x125xi32, #tpu.memory_space<hbm>> -> memref<1x125xi32, #tpu.memory_space<hbm>>
        %dma_wait3A_166 = tpu.memref_squeeze %dma_wait3A_165 : memref<1x125xi32, #tpu.memory_space<hbm>> -> memref<125xi32, #tpu.memory_space<hbm>>
        %dma_wait3A_167 = arith.constant 0 : i32
        %dma_wait3A_168 = arith.constant 0 : i32
        %dma_wait3A_169 = tpu.memref_slice %arg4[%add3A, %dma_wait3A_167, %dma_wait3A_168] : memref<32x80x125xi32, #tpu.memory_space<hbm>> -> memref<1x80x125xi32, #tpu.memory_space<hbm>>
        %dma_wait3A_170 = tpu.memref_squeeze %dma_wait3A_169 : memref<1x80x125xi32, #tpu.memory_space<hbm>> -> memref<80x125xi32, #tpu.memory_space<hbm>>
        %dma_wait3A_171 = arith.constant 0 : i32
        %dma_wait3A_172 = tpu.memref_slice %dma_wait3A_170[%add3A_159, %dma_wait3A_171] : memref<80x125xi32, #tpu.memory_space<hbm>> -> memref<1x125xi32, #tpu.memory_space<hbm>>
        %dma_wait3A_173 = tpu.memref_squeeze %dma_wait3A_172 : memref<1x125xi32, #tpu.memory_space<hbm>> -> memref<125xi32, #tpu.memory_space<hbm>>
        tpu.wait_dma2 semaphore(%arg18 : memref<!tpu.dma_semaphore, #tpu.memory_space<semaphore_mem>>) src(%dma_wait3A_173 : memref<125xi32, #tpu.memory_space<hbm>>) dst(%arg11 : memref<125xi32, #tpu.memory_space<vmem>>)
        %dma_start3A_174 = arith.constant 0 : i32
        %dma_start3A_175 = arith.constant 0 : i32
        %dma_start3A_176 = tpu.memref_slice %arg2[%dma_start3A_174, %dma_start3A_175] : memref<10000x128xf32, #tpu.memory_space<hbm>> -> memref<10000x128xf32, #tpu.memory_space<hbm>>
        tpu.enqueue_indirect_dma source(%dma_start3A_176 : memref<10000x128xf32, #tpu.memory_space<hbm>>) target(%arg15 : memref<125x128xf32, #tpu.memory_space<vmem>>) offsets(%arg7 : memref<125xi32, #tpu.memory_space<vmem>>) semaphore(%arg19 : memref<!tpu.dma_semaphore, #tpu.memory_space<semaphore_mem>>)
        %add3A_177 = arith.constant 3 : i32
        %add3A_178 = arith.addi %add3A_124, %add3A_177 : i32
        %lt3A_179 = arith.constant 80 : i32
        %lt3A_180 = arith.cmpi slt, %add3A_178, %lt3A_179 : i32
        %convert_element_type3A_181 = arith.extui %lt3A_180 : i1 to i32
        %cond3A_182 = arith.constant 0 : i32
        %cond3A_183 = arith.cmpi ne, %convert_element_type3A_181, %cond3A_182 : i32
        scf.if %cond3A_183 {
          %add3A_184 = arith.constant 3 : i32
          %add3A_185 = arith.addi %add3A_124, %add3A_184 : i32
          %dma_start3A_186 = arith.constant 0 : i32
          %dma_start3A_187 = arith.constant 0 : i32
          %dma_start3A_188 = tpu.memref_slice %arg3[%add3A, %dma_start3A_186, %dma_start3A_187] : memref<32x80x125xi32, #tpu.memory_space<hbm>> -> memref<1x80x125xi32, #tpu.memory_space<hbm>>
          %dma_start3A_189 = tpu.memref_squeeze %dma_start3A_188 : memref<1x80x125xi32, #tpu.memory_space<hbm>> -> memref<80x125xi32, #tpu.memory_space<hbm>>
          %dma_start3A_190 = arith.constant 0 : i32
          %dma_start3A_191 = tpu.memref_slice %dma_start3A_189[%add3A_185, %dma_start3A_190] : memref<80x125xi32, #tpu.memory_space<hbm>> -> memref<1x125xi32, #tpu.memory_space<hbm>>
          %dma_start3A_192 = tpu.memref_squeeze %dma_start3A_191 : memref<1x125xi32, #tpu.memory_space<hbm>> -> memref<125xi32, #tpu.memory_space<hbm>>
          %dma_start3A_193 = arith.constant 0 : i32
          %dma_start3A_194 = arith.constant 0 : i32
          %dma_start3A_195 = tpu.memref_slice %arg3[%add3A, %dma_start3A_193, %dma_start3A_194] : memref<32x80x125xi32, #tpu.memory_space<hbm>> -> memref<1x80x125xi32, #tpu.memory_space<hbm>>
          %dma_start3A_196 = tpu.memref_squeeze %dma_start3A_195 : memref<1x80x125xi32, #tpu.memory_space<hbm>> -> memref<80x125xi32, #tpu.memory_space<hbm>>
          %dma_start3A_197 = arith.constant 0 : i32
          %dma_start3A_198 = tpu.memref_slice %dma_start3A_196[%add3A_185, %dma_start3A_197] : memref<80x125xi32, #tpu.memory_space<hbm>> -> memref<1x125xi32, #tpu.memory_space<hbm>>
          %dma_start3A_199 = tpu.memref_squeeze %dma_start3A_198 : memref<1x125xi32, #tpu.memory_space<hbm>> -> memref<125xi32, #tpu.memory_space<hbm>>
          tpu.enqueue_dma source(%dma_start3A_199 : memref<125xi32, #tpu.memory_space<hbm>>) target(%arg9 : memref<125xi32, #tpu.memory_space<vmem>>) target_semaphore(%arg18 : memref<!tpu.dma_semaphore, #tpu.memory_space<semaphore_mem>>)
          %add3A_200 = arith.constant 3 : i32
          %add3A_201 = arith.addi %add3A_124, %add3A_200 : i32
          %dma_start3A_202 = arith.constant 0 : i32
          %dma_start3A_203 = arith.constant 0 : i32
          %dma_start3A_204 = tpu.memref_slice %arg4[%add3A, %dma_start3A_202, %dma_start3A_203] : memref<32x80x125xi32, #tpu.memory_space<hbm>> -> memref<1x80x125xi32, #tpu.memory_space<hbm>>
          %dma_start3A_205 = tpu.memref_squeeze %dma_start3A_204 : memref<1x80x125xi32, #tpu.memory_space<hbm>> -> memref<80x125xi32, #tpu.memory_space<hbm>>
          %dma_start3A_206 = arith.constant 0 : i32
          %dma_start3A_207 = tpu.memref_slice %dma_start3A_205[%add3A_201, %dma_start3A_206] : memref<80x125xi32, #tpu.memory_space<hbm>> -> memref<1x125xi32, #tpu.memory_space<hbm>>
          %dma_start3A_208 = tpu.memref_squeeze %dma_start3A_207 : memref<1x125xi32, #tpu.memory_space<hbm>> -> memref<125xi32, #tpu.memory_space<hbm>>
          %dma_start3A_209 = arith.constant 0 : i32
          %dma_start3A_210 = arith.constant 0 : i32
          %dma_start3A_211 = tpu.memref_slice %arg4[%add3A, %dma_start3A_209, %dma_start3A_210] : memref<32x80x125xi32, #tpu.memory_space<hbm>> -> memref<1x80x125xi32, #tpu.memory_space<hbm>>
          %dma_start3A_212 = tpu.memref_squeeze %dma_start3A_211 : memref<1x80x125xi32, #tpu.memory_space<hbm>> -> memref<80x125xi32, #tpu.memory_space<hbm>>
          %dma_start3A_213 = arith.constant 0 : i32
          %dma_start3A_214 = tpu.memref_slice %dma_start3A_212[%add3A_201, %dma_start3A_213] : memref<80x125xi32, #tpu.memory_space<hbm>> -> memref<1x125xi32, #tpu.memory_space<hbm>>
          %dma_start3A_215 = tpu.memref_squeeze %dma_start3A_214 : memref<1x125xi32, #tpu.memory_space<hbm>> -> memref<125xi32, #tpu.memory_space<hbm>>
          tpu.enqueue_dma source(%dma_start3A_215 : memref<125xi32, #tpu.memory_space<hbm>>) target(%arg13 : memref<125xi32, #tpu.memory_space<vmem>>) target_semaphore(%arg18 : memref<!tpu.dma_semaphore, #tpu.memory_space<semaphore_mem>>)
        } else {
        }
      } else {
      }
      %dma_wait3A_132 = arith.constant 0 : i32
      %dma_wait3A_133 = arith.constant 0 : i32
      %dma_wait3A_134 = tpu.memref_slice %arg2[%dma_wait3A_132, %dma_wait3A_133] : memref<10000x128xf32, #tpu.memory_space<hbm>> -> memref<10000x128xf32, #tpu.memory_space<hbm>>
      tpu.wait_indirect_dma semaphore(%arg19 : memref<!tpu.dma_semaphore, #tpu.memory_space<semaphore_mem>>) src(%dma_wait3A_134 : memref<10000x128xf32, #tpu.memory_space<hbm>>) dst(%arg16 : memref<125x128xf32, #tpu.memory_space<vmem>>)
      %dma_start3A_135 = arith.constant 0 : i32
      %dma_start3A_136 = arith.constant 0 : i32
      %dma_start3A_137 = tpu.memref_slice %arg17[%dma_start3A_135, %dma_start3A_136] : memref<10240x128xf32, #tpu.memory_space<vmem_shared>> -> memref<10240x128xf32, #tpu.memory_space<vmem_shared>>
      tpu.enqueue_indirect_dma source(%arg16 : memref<125x128xf32, #tpu.memory_space<vmem>>) target(%dma_start3A_137 : memref<10240x128xf32, #tpu.memory_space<vmem_shared>>) offsets(%arg14 : memref<125xi32, #tpu.memory_space<vmem>>) semaphore(%arg21 : memref<!tpu.dma_semaphore, #tpu.memory_space<semaphore_mem>>) {add = true}
    }
    %scan3A_69 = arith.constant 20 : i32
    %dma_wait3A = arith.constant 0 : i32
    %dma_wait3A_70 = arith.constant 0 : i32
    %dma_wait3A_71 = tpu.memref_slice %arg17[%dma_wait3A, %dma_wait3A_70] : memref<10240x128xf32, #tpu.memory_space<vmem_shared>> -> memref<10240x128xf32, #tpu.memory_space<vmem_shared>>
    tpu.wait_indirect_dma semaphore(%arg20 : memref<!tpu.dma_semaphore, #tpu.memory_space<semaphore_mem>>) src(%arg15 : memref<125x128xf32, #tpu.memory_space<vmem>>) dst(%dma_wait3A_71 : memref<10240x128xf32, #tpu.memory_space<vmem_shared>>)
    %dma_wait3A_72 = arith.constant 0 : i32
    %dma_wait3A_73 = arith.constant 0 : i32
    %dma_wait3A_74 = tpu.memref_slice %arg17[%dma_wait3A_72, %dma_wait3A_73] : memref<10240x128xf32, #tpu.memory_space<vmem_shared>> -> memref<10240x128xf32, #tpu.memory_space<vmem_shared>>
    tpu.wait_indirect_dma semaphore(%arg21 : memref<!tpu.dma_semaphore, #tpu.memory_space<semaphore_mem>>) src(%arg16 : memref<125x128xf32, #tpu.memory_space<vmem>>) dst(%dma_wait3A_74 : memref<10240x128xf32, #tpu.memory_space<vmem_shared>>)
    %barrier3A_75 = arith.constant 0 : index
    tpu.barrier barrier_id(%barrier3A_75)
    "tpu.region"() ({
      %run_scoped3A_76 = tpu.sem_alloc : memref<!tpu.dma_semaphore, #tpu.memory_space<semaphore_mem>>
      %dma_start3A_77 = arith.constant 0 : i32
      %dma_start3A_78 = arith.constant 0 : i32
      %dma_start3A_79 = tpu.memref_slice %arg6[%arg0, %dma_start3A_77, %dma_start3A_78] : memref<2x10240x128xf32, #tpu.memory_space<hbm>> -> memref<1x10240x128xf32, #tpu.memory_space<hbm>>
      %dma_start3A_80 = tpu.memref_squeeze %dma_start3A_79 : memref<1x10240x128xf32, #tpu.memory_space<hbm>> -> memref<10240x128xf32, #tpu.memory_space<hbm>>
      %dma_start3A_81 = arith.constant 0 : i32
      %dma_start3A_82 = tpu.memref_slice %dma_start3A_80[%mul3A_65, %dma_start3A_81] : memref<10240x128xf32, #tpu.memory_space<hbm>> -> memref<640x128xf32, #tpu.memory_space<hbm>>
      %dma_start3A_83 = arith.constant 0 : i32
      %dma_start3A_84 = tpu.memref_slice %arg17[%mul3A_65, %dma_start3A_83] : memref<10240x128xf32, #tpu.memory_space<vmem_shared>> -> memref<640x128xf32, #tpu.memory_space<vmem_shared>>
      tpu.enqueue_dma source(%dma_start3A_84 : memref<640x128xf32, #tpu.memory_space<vmem_shared>>) target(%dma_start3A_82 : memref<640x128xf32, #tpu.memory_space<hbm>>) target_semaphore(%run_scoped3A_76 : memref<!tpu.dma_semaphore, #tpu.memory_space<semaphore_mem>>)
      %dma_wait3A_85 = arith.constant 0 : i32
      %dma_wait3A_86 = arith.constant 0 : i32
      %dma_wait3A_87 = tpu.memref_slice %arg6[%arg0, %dma_wait3A_85, %dma_wait3A_86] : memref<2x10240x128xf32, #tpu.memory_space<hbm>> -> memref<1x10240x128xf32, #tpu.memory_space<hbm>>
      %dma_wait3A_88 = tpu.memref_squeeze %dma_wait3A_87 : memref<1x10240x128xf32, #tpu.memory_space<hbm>> -> memref<10240x128xf32, #tpu.memory_space<hbm>>
      %dma_wait3A_89 = arith.constant 0 : i32
      %dma_wait3A_90 = tpu.memref_slice %dma_wait3A_88[%mul3A_65, %dma_wait3A_89] : memref<10240x128xf32, #tpu.memory_space<hbm>> -> memref<640x128xf32, #tpu.memory_space<hbm>>
      %dma_wait3A_91 = arith.constant 0 : i32
      %dma_wait3A_92 = tpu.memref_slice %arg17[%mul3A_65, %dma_wait3A_91] : memref<10240x128xf32, #tpu.memory_space<vmem_shared>> -> memref<640x128xf32, #tpu.memory_space<vmem_shared>>
      tpu.wait_dma2 semaphore(%run_scoped3A_76 : memref<!tpu.dma_semaphore, #tpu.memory_space<semaphore_mem>>) src(%dma_wait3A_92 : memref<640x128xf32, #tpu.memory_space<vmem_shared>>) dst(%dma_wait3A_90 : memref<640x128xf32, #tpu.memory_space<hbm>>)
      tpu.yield
    }) : () -> ()
    return
  }
}

module attributes {stable_mosaic.version = 14 : i64} {
  func.func @_tc_in_body(%arg0: i32, %arg1: memref<2000x128xf32, #tpu.memory_space<vmem>>, %arg2: memref<128x128xf32, #tpu.memory_space<vmem>>, %arg3: memref<1x128xf32, #tpu.memory_space<vmem>>, %arg4: memref<2000x128xf32, #tpu.memory_space<vmem>>) attributes {dimension_semantics = [#tpu.dimension_semantics<arbitrary>], iteration_bounds = array<i64: 5>, scalar_prefetch = 0 : i64, scratch_operands = 0 : i64, tpu.core_type = #tpu.core_type<tc>, window_params = [{transform_indices = @transform_0, window_bounds = array<i64: 2000, 128>}, {pipeline_mode = #tpu.pipeline_mode<synchronous>, transform_indices = @transform_1, window_bounds = array<i64: 128, 128>}, {pipeline_mode = #tpu.pipeline_mode<synchronous>, transform_indices = @transform_2, window_bounds = array<i64: 1, 128>}, {transform_indices = @transform_3, window_bounds = array<i64: 2000, 128>}]} {
    %get3A = arith.constant 0 : index
    %get3A_0 = arith.constant 0 : index
    %get3A_1 = vector.load %arg1[%get3A, %get3A_0] : memref<2000x128xf32, #tpu.memory_space<vmem>>, vector<2000x128xf32>
    %get3A_2 = arith.constant 0 : index
    %get3A_3 = arith.constant 0 : index
    %get3A_4 = vector.load %arg2[%get3A_2, %get3A_3] : memref<128x128xf32, #tpu.memory_space<vmem>>, vector<128x128xf32>
    %dot_general3A = arith.constant dense<0.000000e+00> : vector<2000x128xf32>
    %dot_general3A_5 = tpu.matmul %get3A_1, %get3A_4, %dot_general3A {dimension_numbers = #tpu.dot_dimension_numbers<[1], [0], [0], [1], [0, 0, 1, 1], [], []>, transpose_lhs_hint = false} : vector<2000x128xf32>, vector<128x128xf32>, vector<2000x128xf32> -> vector<2000x128xf32>
    %get3A_6 = arith.constant 0 : index
    %get3A_7 = arith.constant 0 : index
    %get3A_8 = vector.load %arg3[%get3A_6, %get3A_7] : memref<1x128xf32, #tpu.memory_space<vmem>>, vector<1x128xf32>
    %add3A = vector.broadcast %get3A_8 : vector<1x128xf32> to vector<2000x128xf32>
    %add3A_9 = arith.addf %dot_general3A_5, %add3A : vector<2000x128xf32>
    %tanh3A = math.tanh %add3A_9 : vector<2000x128xf32>
    %swap3A = arith.constant 0 : index
    %swap3A_10 = arith.constant 0 : index
    %swap3A_11 = vector.load %arg4[%swap3A, %swap3A_10] : memref<2000x128xf32, #tpu.memory_space<vmem>>, vector<2000x128xf32>
    tpu.vector_store %arg4[%swap3A, %swap3A_10], %tanh3A {strides = array<i32>} : memref<2000x128xf32, #tpu.memory_space<vmem>>, vector<2000x128xf32>,
    return
  }
  func.func @transform_0(%arg0: i32) -> (i32, i32) {
    %c0_i32 = arith.constant 0 : i32
    %c0_i32_0 = arith.constant 0 : i32
    return %arg0, %c0_i32 : i32, i32
  }
  func.func @transform_1(%arg0: i32) -> (i32, i32) {
    %c0_i32 = arith.constant 0 : i32
    %c0_i32_0 = arith.constant 0 : i32
    %c0_i32_1 = arith.constant 0 : i32
    return %c0_i32, %c0_i32_0 : i32, i32
  }
  func.func @transform_2(%arg0: i32) -> (i32, i32) {
    %c0_i32 = arith.constant 0 : i32
    %c0_i32_0 = arith.constant 0 : i32
    %c0_i32_1 = arith.constant 0 : i32
    return %c0_i32, %c0_i32_0 : i32, i32
  }
  func.func @transform_3(%arg0: i32) -> (i32, i32) {
    %c0_i32 = arith.constant 0 : i32
    %c0_i32_0 = arith.constant 0 : i32
    return %arg0, %c0_i32 : i32, i32
  }
}

module attributes {stable_mosaic.version = 14 : i64} {
  func.func @_tc_step_body(%arg0: i32, %arg1: memref<2000x128xf32, #tpu.memory_space<vmem>>, %arg2: memref<2000x128xf32, #tpu.memory_space<vmem>>, %arg3: memref<2000x128xf32, #tpu.memory_space<vmem>>, %arg4: memref<2000x128xf32, #tpu.memory_space<vmem>>, %arg5: memref<2000x128xf32, #tpu.memory_space<vmem>>, %arg6: memref<128x256xf32, #tpu.memory_space<vmem>>, %arg7: memref<1x256xf32, #tpu.memory_space<vmem>>, %arg8: memref<256x128xf32, #tpu.memory_space<vmem>>, %arg9: memref<1x128xf32, #tpu.memory_space<vmem>>, %arg10: memref<1x1xf32, #tpu.memory_space<vmem>>, %arg11: memref<2000x128xf32, #tpu.memory_space<vmem>>) attributes {dimension_semantics = [#tpu.dimension_semantics<arbitrary>], iteration_bounds = array<i64: 5>, scalar_prefetch = 0 : i64, scratch_operands = 0 : i64, tpu.core_type = #tpu.core_type<tc>, window_params = [{transform_indices = @transform_0, window_bounds = array<i64: 2000, 128>}, {transform_indices = @transform_1, window_bounds = array<i64: 2000, 128>}, {transform_indices = @transform_2, window_bounds = array<i64: 2000, 128>}, {transform_indices = @transform_3, window_bounds = array<i64: 2000, 128>}, {transform_indices = @transform_4, window_bounds = array<i64: 2000, 128>}, {pipeline_mode = #tpu.pipeline_mode<synchronous>, transform_indices = @transform_5, window_bounds = array<i64: 128, 256>}, {pipeline_mode = #tpu.pipeline_mode<synchronous>, transform_indices = @transform_6, window_bounds = array<i64: 1, 256>}, {pipeline_mode = #tpu.pipeline_mode<synchronous>, transform_indices = @transform_7, window_bounds = array<i64: 256, 128>}, {pipeline_mode = #tpu.pipeline_mode<synchronous>, transform_indices = @transform_8, window_bounds = array<i64: 1, 128>}, {pipeline_mode = #tpu.pipeline_mode<synchronous>, transform_indices = @transform_9, window_bounds = array<i64: 1, 1>}, {transform_indices = @transform_10, window_bounds = array<i64: 2000, 128>}]} {
    %get3A = arith.constant 0 : index
    %get3A_0 = arith.constant 0 : index
    %get3A_1 = vector.load %arg3[%get3A, %get3A_0] : memref<2000x128xf32, #tpu.memory_space<vmem>>, vector<2000x1xf32>
    %get3A_2 = arith.constant 0 : index
    %get3A_3 = arith.constant 0 : index
    %get3A_4 = vector.load %arg4[%get3A_2, %get3A_3] : memref<2000x128xf32, #tpu.memory_space<vmem>>, vector<2000x1xf32>
    %add3A = arith.addf %get3A_1, %get3A_4 : vector<2000x1xf32>
    %max3A = arith.constant 1.000000e+00 : f32
    %max3A_5 = vector.broadcast %max3A : f32 to vector<2000x1xf32>
    %max3A_6 = arith.maximumf %add3A, %max3A_5 : vector<2000x1xf32>
    %get3A_7 = arith.constant 0 : index
    %get3A_8 = arith.constant 0 : index
    %get3A_9 = vector.load %arg1[%get3A_7, %get3A_8] : memref<2000x128xf32, #tpu.memory_space<vmem>>, vector<2000x128xf32>
    %get3A_10 = arith.constant 0 : index
    %get3A_11 = arith.constant 0 : index
    %get3A_12 = vector.load %arg2[%get3A_10, %get3A_11] : memref<2000x128xf32, #tpu.memory_space<vmem>>, vector<2000x128xf32>
    %add3A_13 = arith.addf %get3A_9, %get3A_12 : vector<2000x128xf32>
    %div3A = vector.broadcast %max3A_6 : vector<2000x1xf32> to vector<2000x128xf32>
    %div3A_14 = arith.divf %add3A_13, %div3A : vector<2000x128xf32>
    %get3A_15 = arith.constant 0 : index
    %get3A_16 = arith.constant 0 : index
    %get3A_17 = vector.load %arg6[%get3A_15, %get3A_16] : memref<128x256xf32, #tpu.memory_space<vmem>>, vector<128x256xf32>
    %dot_general3A = arith.constant dense<0.000000e+00> : vector<2000x256xf32>
    %dot_general3A_18 = tpu.matmul %div3A_14, %get3A_17, %dot_general3A {dimension_numbers = #tpu.dot_dimension_numbers<[1], [0], [0], [1], [0, 0, 1, 1], [], []>, transpose_lhs_hint = false} : vector<2000x128xf32>, vector<128x256xf32>, vector<2000x256xf32> -> vector<2000x256xf32>
    %get3A_19 = arith.constant 0 : index
    %get3A_20 = arith.constant 0 : index
    %get3A_21 = vector.load %arg7[%get3A_19, %get3A_20] : memref<1x256xf32, #tpu.memory_space<vmem>>, vector<1x256xf32>
    %add3A_22 = vector.broadcast %get3A_21 : vector<1x256xf32> to vector<2000x256xf32>
    %add3A_23 = arith.addf %dot_general3A_18, %add3A_22 : vector<2000x256xf32>
    %mul3A = arith.constant 5.000000e-01 : f32
    %mul3A_24 = vector.broadcast %mul3A : f32 to vector<2000x256xf32>
    %mul3A_25 = arith.mulf %mul3A_24, %add3A_23 : vector<2000x256xf32>
    %mul3A_26 = arith.constant 0.707106769 : f32
    %mul3A_27 = vector.broadcast %mul3A_26 : f32 to vector<2000x256xf32>
    %mul3A_28 = arith.mulf %add3A_23, %mul3A_27 : vector<2000x256xf32>
    %erf3A = math.erf %mul3A_28 : vector<2000x256xf32>
    %add3A_29 = arith.constant 1.000000e+00 : f32
    %add3A_30 = vector.broadcast %add3A_29 : f32 to vector<2000x256xf32>
    %add3A_31 = arith.addf %add3A_30, %erf3A : vector<2000x256xf32>
    %mul3A_32 = arith.mulf %mul3A_25, %add3A_31 : vector<2000x256xf32>
    %get3A_33 = arith.constant 0 : index
    %get3A_34 = arith.constant 0 : index
    %get3A_35 = vector.load %arg8[%get3A_33, %get3A_34] : memref<256x128xf32, #tpu.memory_space<vmem>>, vector<256x128xf32>
    %dot_general3A_36 = arith.constant dense<0.000000e+00> : vector<2000x128xf32>
    %dot_general3A_37 = tpu.matmul %mul3A_32, %get3A_35, %dot_general3A_36 {dimension_numbers = #tpu.dot_dimension_numbers<[1], [0], [0], [1], [0, 0, 1, 1], [], []>, transpose_lhs_hint = false} : vector<2000x256xf32>, vector<256x128xf32>, vector<2000x128xf32> -> vector<2000x128xf32>
    %get3A_38 = arith.constant 0 : index
    %get3A_39 = arith.constant 0 : index
    %get3A_40 = vector.load %arg9[%get3A_38, %get3A_39] : memref<1x128xf32, #tpu.memory_space<vmem>>, vector<1x128xf32>
    %add3A_41 = vector.broadcast %get3A_40 : vector<1x128xf32> to vector<2000x128xf32>
    %add3A_42 = arith.addf %dot_general3A_37, %add3A_41 : vector<2000x128xf32>
    %tanh3A = math.tanh %add3A_42 : vector<2000x128xf32>
    %get3A_43 = arith.constant 0 : index
    %get3A_44 = arith.constant 0 : index
    %get3A_45 = vector.load %arg10[%get3A_43, %get3A_44] : memref<1x1xf32, #tpu.memory_space<vmem>>, vector<1x1xf32>
    %get3A_46 = vector.extract %get3A_45[0, 0] : f32 from vector<1x1xf32>
    %max3A_47 = arith.constant 0.000000e+00 : f32
    %max3A_48 = arith.maximumf %get3A_46, %max3A_47 : f32
    %get3A_49 = arith.constant 0 : index
    %get3A_50 = arith.constant 0 : index
    %get3A_51 = vector.load %arg5[%get3A_49, %get3A_50] : memref<2000x128xf32, #tpu.memory_space<vmem>>, vector<2000x128xf32>
    %mul3A_52 = arith.constant 5.000000e-01 : f32
    %mul3A_53 = arith.mulf %max3A_48, %mul3A_52 : f32
    %sub3A = arith.constant 1.000000e+00 : f32
    %sub3A_54 = arith.subf %sub3A, %mul3A_53 : f32
    %mul3A_55 = vector.broadcast %sub3A_54 : f32 to vector<2000x128xf32>
    %mul3A_56 = arith.mulf %get3A_51, %mul3A_55 : vector<2000x128xf32>
    %mul3A_57 = arith.constant 5.000000e-01 : f32
    %mul3A_58 = vector.broadcast %mul3A_57 : f32 to vector<2000x128xf32>
    %mul3A_59 = arith.mulf %tanh3A, %mul3A_58 : vector<2000x128xf32>
    %add3A_60 = arith.addf %mul3A_56, %mul3A_59 : vector<2000x128xf32>
    %swap3A = arith.constant 0 : index
    %swap3A_61 = arith.constant 0 : index
    %swap3A_62 = vector.load %arg11[%swap3A, %swap3A_61] : memref<2000x128xf32, #tpu.memory_space<vmem>>, vector<2000x128xf32>
    tpu.vector_store %arg11[%swap3A, %swap3A_61], %add3A_60 {strides = array<i32>} : memref<2000x128xf32, #tpu.memory_space<vmem>>, vector<2000x128xf32>,
    return
  }
  func.func @transform_0(%arg0: i32) -> (i32, i32) {
    %c0_i32 = arith.constant 0 : i32
    %c0_i32_0 = arith.constant 0 : i32
    return %arg0, %c0_i32 : i32, i32
  }
  func.func @transform_1(%arg0: i32) -> (i32, i32) {
    %c0_i32 = arith.constant 0 : i32
    %c0_i32_0 = arith.constant 0 : i32
    return %arg0, %c0_i32 : i32, i32
  }
  func.func @transform_2(%arg0: i32) -> (i32, i32) {
    %c0_i32 = arith.constant 0 : i32
    %c0_i32_0 = arith.constant 0 : i32
    return %arg0, %c0_i32 : i32, i32
  }
  func.func @transform_3(%arg0: i32) -> (i32, i32) {
    %c0_i32 = arith.constant 0 : i32
    %c0_i32_0 = arith.constant 0 : i32
    return %arg0, %c0_i32 : i32, i32
  }
  func.func @transform_4(%arg0: i32) -> (i32, i32) {
    %c0_i32 = arith.constant 0 : i32
    %c0_i32_0 = arith.constant 0 : i32
    return %arg0, %c0_i32 : i32, i32
  }
  func.func @transform_5(%arg0: i32) -> (i32, i32) {
    %c0_i32 = arith.constant 0 : i32
    %c0_i32_0 = arith.constant 0 : i32
    %c0_i32_1 = arith.constant 0 : i32
    return %c0_i32, %c0_i32_0 : i32, i32
  }
  func.func @transform_6(%arg0: i32) -> (i32, i32) {
    %c0_i32 = arith.constant 0 : i32
    %c0_i32_0 = arith.constant 0 : i32
    %c0_i32_1 = arith.constant 0 : i32
    return %c0_i32, %c0_i32_0 : i32, i32
  }
  func.func @transform_7(%arg0: i32) -> (i32, i32) {
    %c0_i32 = arith.constant 0 : i32
    %c0_i32_0 = arith.constant 0 : i32
    %c0_i32_1 = arith.constant 0 : i32
    return %c0_i32, %c0_i32_0 : i32, i32
  }
  func.func @transform_8(%arg0: i32) -> (i32, i32) {
    %c0_i32 = arith.constant 0 : i32
    %c0_i32_0 = arith.constant 0 : i32
    %c0_i32_1 = arith.constant 0 : i32
    return %c0_i32, %c0_i32_0 : i32, i32
  }
  func.func @transform_9(%arg0: i32) -> (i32, i32) {
    %c0_i32 = arith.constant 0 : i32
    %c0_i32_0 = arith.constant 0 : i32
    %c0_i32_1 = arith.constant 0 : i32
    return %c0_i32, %c0_i32_0 : i32, i32
  }
  func.func @transform_10(%arg0: i32) -> (i32, i32) {
    %c0_i32 = arith.constant 0 : i32
    %c0_i32_0 = arith.constant 0 : i32
    return %arg0, %c0_i32 : i32, i32
  }
}

</mosaic_0001>

<sc_bundles>
// kernel: closed_call.9.cloned.1.call-start
scs
__scs_entry_jumppad:
0x0: {  	(pc) =	sbr.rel $0x88, $3  }
0x1: {  	(tag) =	ssettag $0x0;
	lr =	simm.s32 $0x1  }
0x2: {  	[smem:$0x3F98] =	sst lr;
	_ =	strace $0xD0000000  }
0x3: {  	_ = 	snop  }
0x4: {  	_ = 	snop  }
0x5: {  	_ = 	snop  }
0x6: {  	_ = 	snop  }
0x7: {  	_ = 	snop  }
__scs_overlays_trampoline_lowered:
0x8: {  	[smem:$0x3FA7] =	sst s0  }
0x9: {  	[smem:$0x3FA8] =	sst s1  }
0xa: {  	[smem:$0x3FA9] =	sst s2  }
0xb: {  	[smem:$0x3FAA] =	sst s3  }
0xc: {  	[smem:$0x3FAB] =	sst s4  }
0xd: {  	[smem:$0x3FAC] =	sst s5  }
0xe: {  	[smem:$0x3FAD] =	sst s6  }
0xf: {  	[smem:$0x3FAE] =	sst s7  }
0x10: {  	[smem:$0x3FAF] =	sst s8  }
0x11: {  	[smem:$0x3FB0] =	sst s9;
	s0 =	simm.s32 @!p0 $0x0  }
0x12: {  	s1 =	sld [smem:$0x3F96];
	s0 =	simm.s32 @p0 $0x1  }
0x13: {  	[smem:$0x3FB1] =	sst s0;
	s0 =	simm.s32 @!p1 $0x0  }
0x14: {  	s2 =	sld [smem:$0x3F95];
	s0 =	simm.s32 @p1 $0x1  }
0x15: {  	[smem:$0x3FB2] =	sst s0;
	s0 =	simm.s32 @!p2 $0x0  }
0x16: {  	s3 =	sld [smem:$0x3FDB];
	s0 =	simm.s32 @p2 $0x1  }
0x17: {  	s4 =	simm.s32 $0x1BF5;
	[smem:$0x3FB4] =	sst s0  }
0x18: {  	s0 =	sld [smem:$0x3F97];
	_ =	swait.ge [sflag:s4], $0x0  }
0x19: {  	s7 =	sld [smem:$0x3F98]  }
0x1a: {  	s8 =	sadd.s32 $0xFFFFE003, lr  }
0x1b: {  	s9 =	sadd.s32 $0xFFFFFEF7, lr;
	s5 =	simm.s32 $0xFFFFFFFF;
	p2 =	slt.u32 s8, $0xFFFFF086  }
0x1c: {  	p1 =	slt.u32 s9, $0xF7A;
	s5 =	simm.s32 @!p2 $0x0  }
0x1d: {  	s5 =	simm.s32 @p1 $0x1;
	p0 =	seq.s32 s7, s2  }
0x1e: {  	s7 =	smul.u32 @!p0 $0xF7A, s2;
	p2 =	seq.s32 @!p0 s5, $0x0  }
0x1f: {  	s9 =	smul.u32 $0xF7A, s1;
	s8 =	simm.s32 @!p0 $0x1BF5;
	p2 =	por !p2, p0  }
0x20: {  	[sflag:s8] =	ssyncset.s32 @!p0 $0xFFFFF086;
	s6 =	sadd.s32 @!p0 s3, s7;
	s7 =	simm.s32 @!p0 $0x108  }
0x21: {  	s3 =	sadd.s32 s3, s9;
	s6 =	sadd.s32 @!p0 $0x88, s6;
	s7 =	simm.s32 @p2 $0x1082  }
0x22: {  	[simem:s7], [sflag:s8] =	dma.local @!p0 [hbm:s6], $0xF7A  }
0x23: {  	s9 =	sor.u32 $0xD0000000, s2;
	s6 =	simm.s32 $0x108;
	_ =	swait.ge @!p0 [sflag:s8], $0x0  }
0x24: {  	s3 =	sadd.s32 $0x88, s3;
	s6 =	simm.s32 @!p1 $0x1082;
	[sflag:s4] =	ssyncset.s32 $0xFFFFF086  }
0x25: {  	[simem:s6], [sflag:s4] =	dma.local [hbm:s3], $0xF7A  }
0x26: {  	[smem:$0x3F98] =	sst s1;
	(tag) =	ssettag s2;
	_ =	strace s9  }
0x27: {  	s1 =	sld [smem:$0x3FA8]  }
0x28: {  	s2 =	sld [smem:$0x3FA9]  }
0x29: {  	s4 =	sld [smem:$0x3FAB]  }
0x2a: {  	p0 =	seq.s32 s5, $0x0;
	s5 =	sld [smem:$0x3FAC]  }
0x2b: {  	s6 =	sld [smem:$0x3FAD]  }
0x2c: {  	s7 =	sld [smem:$0x3FAE]  }
0x2d: {  	s3 =	simm.s32 $0x108;
	s8 =	sld [smem:$0x3FAF]  }
0x2e: {  	s3 =	simm.s32 @!p0 $0x1082;
	s9 =	sld [smem:$0x3FB0]  }
0x2f: {  	lr =	sadd.s32 s0, s3;
	s0 =	sld [smem:$0x3FA7]  }
0x30: {  	s3 =	sld [smem:$0x3FAA]  }
0x31: {  	[smem:$0x3FB3] =	sst s10  }
0x32: {  	s10 =	sld [smem:$0x3FB1];
	_ =	sdelay $0x3  }
0x33: {  	p0 =	seq.s32 s10, $0x1;
	s10 =	sld [smem:$0x3FB3];
	_ =	sdelay $0x3  }
0x34: {  	[smem:$0x3FB3] =	sst s10  }
0x35: {  	s10 =	sld [smem:$0x3FB2];
	_ =	sdelay $0x3  }
0x36: {  	p1 =	seq.s32 s10, $0x1;
	s10 =	sld [smem:$0x3FB3];
	_ =	sdelay $0x3  }
0x37: {  	[smem:$0x3FB3] =	sst s10  }
0x38: {  	s10 =	sld [smem:$0x3FB4]  }
0x39: {  	_ = 	snop;
	(pc) =	sbr.ind lr, $3  }
0x3a: {  	_ = 	snop  }
0x3b: {  	_ = 	snop  }
0x3c: {  	p2 =	seq.s32 s10, $0x1;
	s10 =	sld [smem:$0x3FB3]  }
0x3d: {  	_ =	shalt  }
0x3e: {  	_ =	shalt  }
0x3f: {  	_ =	shalt  }
0x40: {  	_ =	shalt  }
0x41: {  	_ =	shalt  }
0x42: {  	_ =	shalt  }
0x43: {  	_ =	shalt  }
0x44: {  	_ =	shalt  }
0x45: {  	_ =	shalt  }
0x46: {  	_ =	shalt  }
0x47: {  	_ =	shalt  }
0x48: {  	_ =	shalt  }
0x49: {  	_ =	shalt  }
0x4a: {  	_ =	shalt  }
0x4b: {  	_ =	shalt  }
0x4c: {  	_ =	shalt  }
0x4d: {  	_ =	shalt  }
0x4e: {  	_ =	shalt  }
0x4f: {  	_ =	shalt  }
0x50: {  	_ =	shalt  }
0x51: {  	_ =	shalt  }
0x52: {  	_ =	shalt  }
0x53: {  	_ =	shalt  }
0x54: {  	_ =	shalt  }
0x55: {  	_ =	shalt  }
0x56: {  	_ =	shalt  }
0x57: {  	_ =	shalt  }
0x58: {  	_ =	shalt  }
0x59: {  	_ =	shalt  }
0x5a: {  	_ =	shalt  }
0x5b: {  	_ =	shalt  }
0x5c: {  	_ =	shalt  }
0x5d: {  	_ =	shalt  }
0x5e: {  	_ =	shalt  }
0x5f: {  	_ =	shalt  }
0x60: {  	_ =	shalt  }
0x61: {  	_ =	shalt  }
0x62: {  	_ =	shalt  }
0x63: {  	_ =	shalt  }
0x64: {  	_ =	shalt  }
0x65: {  	_ =	shalt  }
0x66: {  	_ =	shalt  }
0x67: {  	_ =	shalt  }
0x68: {  	_ =	shalt  }
0x69: {  	_ =	shalt  }
0x6a: {  	_ =	shalt  }
0x6b: {  	_ =	shalt  }
0x6c: {  	_ =	shalt  }
0x6d: {  	_ =	shalt  }
0x6e: {  	_ =	shalt  }
0x6f: {  	_ =	shalt  }
0x70: {  	_ =	shalt  }
0x71: {  	_ =	shalt  }
0x72: {  	_ =	shalt  }
0x73: {  	_ =	shalt  }
0x74: {  	_ =	shalt  }
0x75: {  	_ =	shalt  }
0x76: {  	_ =	shalt  }
0x77: {  	_ =	shalt  }
0x78: {  	_ =	shalt  }
0x79: {  	_ =	shalt  }
0x7a: {  	_ =	shalt  }
0x7b: {  	_ =	shalt  }
0x7c: {  	_ =	shalt  }
0x7d: {  	_ =	shalt  }
0x7e: {  	_ =	shalt  }
0x7f: {  	_ =	shalt  }
0x80: {  	_ =	shalt  }
0x81: {  	_ =	shalt  }
0x82: {  	_ =	shalt  }
0x83: {  	_ =	shalt  }
0x84: {  	_ =	shalt  }
0x85: {  	_ =	shalt  }
0x86: {  	_ =	shalt  }
0x87: {  	_ =	shalt  }
.Lfunc_end0:
.L_simem_size_0:
called_computation_lowered:
.L_overlay_start_0:
0x88: {  	s2 =	sld [smem:$0x3FD9]  }
0x89: {  	s3 =	sld [smem:$0x3FFE];
	_ =	sdelay $0x1  }
0x8a: {  	s1 =	srdreg.scid  }
0x8b: {  	s0 =	sand.u32 $0x1, s1  }
0x8c: {  	s17 =	sshll.u32 s0, $0xA;
	s2 =	sadd.s32 s3, s2  }
0x8d: {  	s2 =	sadd.s32 s2, s17  }
0x8e: {  	[smem:$0x3FBF] =	sst s2  }
0x8f: {  	_ = 	snop  }
0x90: {  	s2 =	sld [smem:$0x3FD0];
	(tm) =	ssettm $0x1  }
0x91: {  	s18 =	sld [smem:$0x3FFB];
	_ =	sdelay $0x3  }
0x92: {  	_ =	strace s18  }
0x93: {  	s3 =	sld [smem:$0x3FFC];
	_ =	sdelay $0x3  }
0x94: {  	_ =	strace s3  }
0x95: {  	s3 =	sld [smem:$0x3FFD];
	_ =	sdelay $0x3  }
0x96: {  	_ =	strace s3  }
0x97: {  	_ =	strace $0x8FFFFFFF  }
0x98: {  	s19 =	sld [smem:$0x3FDB];
	_ =	sdelay $0x1  }
0x99: {  	s4 =	simm.s32 $_scs_section_size  }
0x9a: {  	s5 =	simm.s32 $_size__tile_overlayer_lowered;
	s6 =	simm.s32 $_tile_overlayer_lowered  }
0x9b: {  	s22 =	simm.s32 $0x1BFF;
	s21 =	sshll.u32 s6, $0x1;
	s3 =	sadd.s32 s4, s19  }
0x9c: {  	s7 =	simm.s32 $0x0;
	s20 =	sshll.u32 s5, $0x1;
	s5 =	sadd.s32 s21, s3  }
0x9d: {  	[timem:s7], [sflag:s22] =	dma.local [hbm:s5], s20  }
0x9e: {  	_ =	swait.ge [sflag:s22], s20  }
0x9f: {  	s4 =	ssub.s32 $0x0, s20;
	[sflag:s22] =	ssyncset.done $0x0  }
0xa0: {  	[sflag:s22] =	ssyncadd.s32 s4;
	_ =	sdelay $0x1  }
0xa1: {  	s23 =	simm.s32 $0x1B8B  }
0xa2: {  	_ =	swait.ge [sflag:s23], $0x1  }
0xa3: {  	[sflag:s23] =	ssyncset.done $0x0  }
0xa4: {  	s25 =	simm.s32 $0x1B8E;
	s24 =	sld [smem:$0x3FFE];
	[sflag:s23] =	ssyncadd.s32 $0xFFFFFFFF  }
0xa5: {  	s26 =	simm.s32 $execute0_lowered;
	[smem:$0x3FD2] =	sst s25  }
0xa6: {  	s5 =	sshll.u32 s26, $0x1;
	_ =	strace $0x80000049;
	[dreg:$0x1] =	wrdreg $0xFFFFFFFF  }
0xa7: {  	s28 =	simm.s32 $_size_execute0_lowered;
	s3 =	sadd.s32 s3, s5;
	[dreg:$0x0] =	wrdreg $0x0  }
0xa8: {  	s5 =	sshll.u32 s28, $0x1;
	[dreg:$0x2] =	wrdreg s3  }
0xa9: {  	[dreg:$0x3] =	wrdreg s5  }
0xaa: {  	[dreg:$0x4] =	wrdreg $0xC0  }
0xab: {  	_ =	task [dreg:s7], $0x5FFFF  }
0xac: {  	[dreg:$0x1] =	wrdreg $0xFFFFFFFF  }
0xad: {  	[dreg:$0x0] =	wrdreg $0x60  }
0xae: {  	[dreg:$0x2] =	wrdreg s2  }
0xaf: {  	[dreg:$0x3] =	wrdreg s24  }
0xb0: {  	[dreg:$0x4] =	wrdreg $0x84000  }
0xb1: {  	[dreg:$0x5] =	wrdreg $0x9  }
0xb2: {  	_ =	task.clear_ibuf [dreg:s7], $0x6FFFF;
	_ =	strace $0x90000049  }
0xb3: {  	s29 =	simm.s32 $0x9;
	_ =	strace $0x8000004B  }
0xb4: {  	_ =	swait.ge [sflag:s29], $0x1  }
0xb5: {  	[sflag:s29] =	ssyncadd.s32 $0xFFFFFFFF  }
0xb6: {  	_ =	strace $0x9000004B  }
0xb7: {  	_ =	sfence  }
0xb8: {  	s30 =	sld [smem:$0x0];
	_ =	sdelay $0x2  }
0xb9: {  	s31 =	sshll.u32 s1, $0xD;
	s1 =	sshrl.u32 s1, $0x2  }
0xba: {  	s3 =	sand.u32 $0x4000, s31;
	s1 =	sadd.s32 s1, s30  }
0xbb: {  	s0 =	sor.u32 s3, s0;
	s1 =	sshll.u32 s1, $0x11  }
0xbc: {  	s0 =	sor.u32 s1, s0  }
0xbd: {  	s0 =	sadd.s32 $0x8F2B, s0  }
0xbe: {  	[sflag:s0] =	ssyncadd.remote.s32 $0x1  }
0xbf: {  	_ =	sfence.sel $0xFFFF  }
0xc0: {  	[dreg:$0x0] =	wrdreg $0xFFFFFFFF;
	(pc) =	sbr.abs _section_cstart, $3  }
0xc1: {  	[dreg:$0x1] =	wrdreg $0xFFFFFFFF  }
0xc2: {  	_ =	task.clear_ibuf [dreg:s7], $0x2FFFF;
	_ =	strace $0x9FFFFFFF  }
0xc3: {  	(tm) =	ssettm $0x7FFFFFFF  }
tec
execute0_lowered:
.L_overlay_start_1:
0x0: {  	(tag) =	ssettag $0x1  }
0x1: {  	s0 =	rddreg [dreg:$0x0]  }
0x2: {  	s1 =	srdreg.scid;
	s2 =	rddreg [dreg:$0x1]  }
0x3: {  	s3 =	rddreg [dreg:$0x2];
	s16 =	stileid.u32;
	s4 =	simm.s32 $0x0  }
0x4: {  	s12 =	simm.s32 $0x200;
	s13 =	simm.s32 $0x7D;
	s14 =	simm.s32 $0x400  }
0x5: {  	s15 =	simm.s32 $0x80;
	s17 =	simm.s32 $0x280;
	s18 =	simm.s32 $0x100  }
0x6: {  	s28 =	simm.s32 $0x380;
	s29 =	simm.s32 $0x2;
	s30 =	simm.s32 $0x3  }
0x7: {  	s31 =	simm.s32 $0x4;
	s1 =	sand.u32 $0x1, s1;
	s7 =	smul.u32 $0x2800, s16  }
0x8: {  	[smem:$0x7FF] =	sst s4;
	s10 =	smul.u32 $0x50000, s16;
	s25 =	sshll.u32 s16, $0x6  }
0x9: {  	s5 =	sshll.u32 s1, $0x4;
	_ =	strace $0x8000004A;
	s21 =	smul.u32 $0x28000, s1  }
0xa: {  	s1 =	ssub.s32 $0x2, s1;
	s5 =	sor.u32 s16, s5;
	s9 =	sadd.s32 s7, s2  }
0xb: {  	s6 =	sshrl.u32 s1, $0x1;
	s10 =	sshrl.u32 s10, $0x2;
	s5 =	smul.u32 $0x500, s5  }
0xc: {  	s1 =	ssub.s32 s1, s6;
	s22 =	sadd.s32 s10, s3;
	s9 =	sadd.s32 $0x16400, s9  }
0xd: {  	[dreg:$0x6] =	wrdreg s9;
	s1 =	smax.u32 s1, $0x1;
	s9 =	sor.u32 $0x1C05, s25  }
0xe: {  	s25 =	simm.s32 $0x4400;
	s8 =	sadd.s32 s5, s2;
	[dreg:$0x7] =	wrdreg s1  }
0xf: {  	[dreg:$0xa] =	wrdreg s9;
	s5 =	sadd.s32 $0xC400, s8;
	s11 =	sadd.s32 $0xC410, s8  }
0x10: {  	s6 =	sadd.s32 $0x2400, s8;
	s8 =	sadd.s32 $0xC420, s8;
	[dreg:$0x4] =	wrdreg s11  }
0x11: {  	s2 =	sadd.s32 s21, s2;
	[dreg:$0x5] =	wrdreg s8;
	s23 =	sadd.s32 $0x10, s6  }
0x12: {  	s2 =	sadd.s32 $0x3E400, s2;
	s24 =	sadd.s32 $0x20, s6;
	[dreg:$0x8] =	wrdreg s23  }
0x13: {  	s1 =	simm.s32 $0x0;
	s26 =	sadd.s32 s7, s2;
	[dreg:$0x9] =	wrdreg s24  }
0x14: {  	s11 =	simm.s32 $0x5;
	s8 =	sshrl.u32 s22, $0x3;
	[dreg:$0xc] =	wrdreg s26  }
0x15: {  	s23 =	simm.s32 $0x1;
	s26 =	simm.s32 $0x180;
	[dreg:$0xb] =	wrdreg s8  }
.LBB2_1:
0x16: {  	[tilespmem:s4], [sflag:$0x5] =	stream.linear.gather [hbm4b:s5+s4], $0x80, $0x38;
	[tilespmem:$0x1C400] =	vst v63  }
0x17: {  	_ =	swait.ge [sflag:s11], $0x80  }
0x18: {  	[sflag:s11] =	ssyncset.done $0x0  }
0x19: {  	[sflag:s11] =	ssyncadd.s32 $0xFFFFFF80  }
0x1a: {  	[tilespmem:s12], [sflag:$0x5] =	stream.linear.gather [hbm4b:s6+s4], $0x80, $0x38;
	[tilespmem:$0x1C400] =	vst v63  }
0x1b: {  	_ =	swait.ge [sflag:s11], $0x80  }
0x1c: {  	[sflag:s11] =	ssyncset.done $0x0  }
0x1d: {  	s2 =	rddreg [dreg:$0x4];
	[sflag:s11] =	ssyncadd.s32 $0xFFFFFF80  }
0x1e: {  	[tilespmem:s14], [sflag:$0x2] =	stream.indirect.gather [hbm4b:s0+s13], $0x80, s4, s13, $0xb8;
	[tilespmem:$0x1C400] =	vst v63  }
0x1f: {  	s10 =	rddreg [dreg:$0x8]  }
0x20: {  	[tilespmem:s15], [sflag:$0x1] =	stream.linear.gather [hbm4b:s2+s4], $0x80, $0x38;
	[tilespmem:$0x1C400] =	vst v63  }
0x21: {  	s16 =	rddreg [dreg:$0x5]  }
0x22: {  	[tilespmem:s17], [sflag:$0x1] =	stream.linear.gather [hbm4b:s10+s4], $0x80, $0x38;
	[tilespmem:$0x1C400] =	vst v63  }
0x23: {  	s19 =	rddreg [dreg:$0x9]  }
0x24: {  	[tilespmem:s18], [sflag:$0x1] =	stream.linear.gather [hbm4b:s16+s4], $0x80, $0x38;
	[tilespmem:$0x1C400] =	vst v63  }
0x25: {  	s7 =	simm.s32 $0x300;
	s20 =	rddreg [dreg:$0x6]  }
0x26: {  	[tilespmem:s7], [sflag:$0x1] =	stream.linear.gather [hbm4b:s19+s4], $0x80, $0x38;
	[tilespmem:$0x1C400] =	vst v63  }
0x27: {  	[spmem:s8], [sflag:s9] =	dma.local [hbm:s20], $0x2800  }
0x28: {  	_ =	swait.ge [sflag:s11], $0x2800  }
0x29: {  	p0 =	por $0x1, $0x1;
	[sflag:s11] =	ssyncset.done $0x0  }
0x2a: {  	p0 =	por p0, p0;
	[sflag:s11] =	ssyncadd.s32 $0xFFFFD800  }
0x2b: {  	s2 =	simm.s32 @!p0 $0x4;
	[bflag:$0x0] =	sbarrier.arrive $0xFFFF  }
0x2c: {  	_ =	swait.ge @!p0 [sflag:s2], $0x3E80  }
0x2d: {  	[sflag:s2] =	ssyncset.done @!p0 $0x0  }
0x2e: {  	[sflag:s2] =	ssyncadd.s32 @!p0 $0xFFFFC180  }
0x2f: {  	_ =	swait.ge [sflag:s23], $0x80  }
0x30: {  	[sflag:s23] =	ssyncset.done $0x0  }
0x31: {  	[sflag:s23] =	ssyncadd.s32 $0xFFFFFF80  }
0x32: {  	_ =	swait.ge [sflag:s23], $0x80  }
0x33: {  	[sflag:s23] =	ssyncset.done $0x0  }
0x34: {  	s21 =	sadd.s32 $0x0, s5;
	[sflag:s23] =	ssyncadd.s32 $0xFFFFFF80  }
0x35: {  	[tilespmem:s25], [sflag:$0x2] =	stream.indirect.gather [hbm4b:s0+s13], $0x80, s15, s13, $0xb8;
	[tilespmem:$0x1C400] =	vst v63  }
0x36: {  	s22 =	sadd.s32 $0x0, s6;
	s2 =	sadd.s32 $0x30, s21  }
0x37: {  	[tilespmem:s26], [sflag:$0x1] =	stream.linear.gather [hbm4b:s2+s4], $0x80, $0x38;
	[tilespmem:$0x1C400] =	vst v63  }
0x38: {  	s24 =	sadd.s32 $0x30, s22  }
0x39: {  	[tilespmem:s28], [sflag:$0x1] =	stream.linear.gather [hbm4b:s24+s4], $0x80, $0x38;
	[tilespmem:$0x1C400] =	vst v63  }
0x3a: {  	_ =	swait.ge [sflag:s29], $0x3E80  }
0x3b: {  	[sflag:s29] =	ssyncset.done $0x0  }
0x3c: {  	[sflag:s29] =	ssyncadd.s32 $0xFFFFC180  }
0x3d: {  	[spmem:s3] =	stream.indirect.scatter.add.f32 [tilespmem:s14], [sflag:$0x3], $0x80, s12, s13, $0xb8;
	[tilespmem:$0x1C400] =	vst v63  }
0x3e: {  	_ =	swait.ge [sflag:s30], $0x3E80  }
0x3f: {  	[sflag:s30] =	ssyncset.done $0x0  }
0x40: {  	[sflag:s30] =	ssyncadd.s32 $0xFFFFC180  }
0x41: {  	_ =	swait.ge [sflag:s23], $0x80  }
0x42: {  	[sflag:s23] =	ssyncset.done $0x0  }
0x43: {  	[sflag:s23] =	ssyncadd.s32 $0xFFFFFF80  }
0x44: {  	_ =	swait.ge [sflag:s23], $0x80  }
0x45: {  	p0 =	por $0x0, $0x0;
	[sflag:s23] =	ssyncset.done $0x0  }
0x46: {  	s2 =	sadd.s32 @!p0 $0x0, s5;
	[sflag:s23] =	ssyncadd.s32 $0xFFFFFF80  }
0x47: {  	[tilespmem:s14], [sflag:$0x2] =	stream.indirect.gather [hbm4b:s0+s13], $0x80, s18, s13, $0xb8;
	[tilespmem:$0x1C400] =	vst v63  }
0x48: {  	s7 =	simm.s32 @!p0 $0x0;
	s8 =	sadd.s32 @!p0 $0x0, s6;
	s9 =	sadd.s32 @!p0 $0x40, s2  }
0x49: {  	[tilespmem:s7], [sflag:$0x1] =	stream.linear.gather @!p0 [hbm4b:s9+s7], $0x80, $0x38;
	[tilespmem:$0x1C400] =	vst v63  }
0x4a: {  	s10 =	simm.s32 @!p0 $0x200;
	s9 =	sadd.s32 @!p0 $0x40, s8  }
0x4b: {  	[tilespmem:s10], [sflag:$0x1] =	stream.linear.gather @!p0 [hbm4b:s9+s7], $0x80, $0x38;
	[tilespmem:$0x1C400] =	vst v63  }
0x4c: {  	_ =	swait.ge [sflag:s29], $0x3E80  }
0x4d: {  	[sflag:s29] =	ssyncset.done $0x0  }
0x4e: {  	[sflag:s29] =	ssyncadd.s32 $0xFFFFC180  }
0x4f: {  	[spmem:s3] =	stream.indirect.scatter.add.f32 [tilespmem:s25], [sflag:$0x4], $0x80, s17, s13, $0xb8;
	[tilespmem:$0x1C400] =	vst v63  }
0x50: {  	_ =	swait.ge [sflag:s31], $0x3E80  }
0x51: {  	[sflag:s31] =	ssyncset.done $0x0  }
0x52: {  	[sflag:s31] =	ssyncadd.s32 $0xFFFFC180  }
0x53: {  	_ =	swait.ge [sflag:s23], $0x80  }
0x54: {  	[sflag:s23] =	ssyncset.done $0x0  }
0x55: {  	[sflag:s23] =	ssyncadd.s32 $0xFFFFFF80  }
0x56: {  	_ =	swait.ge [sflag:s23], $0x80  }
0x57: {  	[sflag:s23] =	ssyncset.done $0x0  }
0x58: {  	s9 =	simm.s32 @p0 $0x2;
	[sflag:s23] =	ssyncadd.s32 $0xFFFFFF80  }
0x59: {  	[tilespmem:s25], [sflag:$0x2] =	stream.indirect.gather [hbm4b:s0+s13], $0x80, s26, s13, $0xb8;
	[tilespmem:$0x1C400] =	vst v63  }
0x5a: {  	_ =	swait.ge @p0 [sflag:s9], $0x3E80  }
0x5b: {  	s20 =	simm.s32 @p0 $0x7D;
	[sflag:s9] =	ssyncset.done @p0 $0x0  }
0x5c: {  	s16 =	simm.s32 @p0 $0x300;
	s10 =	simm.s32 @p0 $0x400;
	[sflag:s9] =	ssyncadd.s32 @p0 $0xFFFFC180  }
0x5d: {  	[spmem:s3] =	stream.indirect.scatter.add.f32 @p0 [tilespmem:s10], [sflag:$0x3], $0x80, s16, s20, $0xb8;
	[tilespmem:$0x1C400] =	vst v63  }
0x5e: {  	s9 =	sadd.s32 @!p0 $0x50, s2;
	s10 =	simm.s32 @!p0 $0x80  }
0x5f: {  	[tilespmem:s10], [sflag:$0x1] =	stream.linear.gather @!p0 [hbm4b:s9+s7], $0x80, $0x38;
	[tilespmem:$0x1C400] =	vst v63  }
0x60: {  	s16 =	simm.s32 @!p0 $0x2;
	s9 =	sadd.s32 @!p0 $0x50, s8;
	s10 =	simm.s32 @!p0 $0x280  }
0x61: {  	[tilespmem:s10], [sflag:$0x1] =	stream.linear.gather @!p0 [hbm4b:s9+s7], $0x80, $0x38;
	[tilespmem:$0x1C400] =	vst v63  }
0x62: {  	_ =	swait.ge @!p0 [sflag:s16], $0x3E80  }
0x63: {  	s20 =	simm.s32 @!p0 $0x300;
	s9 =	simm.s32 @!p0 $0x400;
	[sflag:s16] =	ssyncset.done @!p0 $0x0  }
0x64: {  	s10 =	simm.s32 @!p0 $0x7D;
	[sflag:s16] =	ssyncadd.s32 @!p0 $0xFFFFC180;
	s16 =	simm.s32 @!p0 $0x3  }
0x65: {  	[spmem:s3] =	stream.indirect.scatter.add.f32 @!p0 [tilespmem:s9], [sflag:$0x3], $0x80, s20, s10, $0xb8;
	[tilespmem:$0x1C400] =	vst v63  }
0x66: {  	_ =	swait.ge @!p0 [sflag:s16], $0x3E80  }
0x67: {  	[sflag:s16] =	ssyncset.done @!p0 $0x0  }
0x68: {  	[sflag:s16] =	ssyncadd.s32 @!p0 $0xFFFFC180;
	s16 =	simm.s32 @!p0 $0x1  }
0x69: {  	_ =	swait.ge @!p0 [sflag:s16], $0x80  }
0x6a: {  	[sflag:s16] =	ssyncset.done @!p0 $0x0  }
0x6b: {  	[sflag:s16] =	ssyncadd.s32 @!p0 $0xFFFFFF80  }
0x6c: {  	_ =	swait.ge @!p0 [sflag:s16], $0x80  }
0x6d: {  	[sflag:s16] =	ssyncset.done @!p0 $0x0  }
0x6e: {  	[sflag:s16] =	ssyncadd.s32 @!p0 $0xFFFFFF80  }
0x6f: {  	[tilespmem:s9], [sflag:$0x2] =	stream.indirect.gather @!p0 [hbm4b:s0+s10], $0x80, s7, s10, $0xb8;
	[tilespmem:$0x1C400] =	vst v63  }
0x70: {  	s2 =	sadd.s32 @!p0 $0x60, s2;
	s9 =	simm.s32 @!p0 $0x100  }
0x71: {  	[tilespmem:s9], [sflag:$0x1] =	stream.linear.gather @!p0 [hbm4b:s2+s7], $0x80, $0x38;
	[tilespmem:$0x1C400] =	vst v63  }
0x72: {  	s2 =	sadd.s32 @!p0 $0x60, s8  }
0x73: {  	[tilespmem:s20], [sflag:$0x1] =	stream.linear.gather @!p0 [hbm4b:s2+s7], $0x80, $0x38;
	[tilespmem:$0x1C400] =	vst v63  }
0x74: {  	p6 =	por $0x0, $0x0;
	s2 =	simm.s32 $0x40;
	_ =	swait.ge [sflag:s29], $0x3E80  }
0x75: {  	s20 =	simm.s32 $0x80;
	p0 =	por p6, p6;
	[sflag:s29] =	ssyncset.done $0x0  }
.LBB2_2:
0x76: {  	p2 =	seq.s32 s20, $0x0;
	s7 =	simm.s32 @!p0 $0x4;
	[sflag:s29] =	ssyncadd.s32 $0xFFFFC180  }
0x77: {  	[spmem:s3] =	stream.indirect.scatter.add.f32 [tilespmem:s25], [sflag:$0x4], $0x80, s28, s13, $0xb8;
	[tilespmem:$0x1C400] =	vst v63  }
0x78: {  	s10 =	smov.u32 s20;
	s20 =	sadd.s32 $0x40, s20;
	_ =	swait.ge @!p0 [sflag:s7], $0x3E80  }
0x79: {  	p1 =	sne.s32 s20, $0x500;
	[sflag:s7] =	ssyncset.done @!p0 $0x0  }
0x7a: {  	[sflag:s7] =	ssyncadd.s32 @!p0 $0xFFFFC180;
	p0 =	por p2, p2  }
0x7b: {  	_ =	swait.ge [sflag:s23], $0x80  }
0x7c: {  	[sflag:s23] =	ssyncset.done $0x0  }
0x7d: {  	[sflag:s23] =	ssyncadd.s32 $0xFFFFFF80  }
0x7e: {  	_ =	swait.ge [sflag:s23], $0x80  }
0x7f: {  	[sflag:s23] =	ssyncset.done $0x0  }
0x80: {  	s7 =	sadd.s32 s2, s5;
	[sflag:s23] =	ssyncadd.s32 $0xFFFFFF80  }
0x81: {  	[tilespmem:s25], [sflag:$0x2] =	stream.indirect.gather [hbm4b:s0+s13], $0x80, s15, s13, $0xb8;
	[tilespmem:$0x1C400] =	vst v63  }
0x82: {  	s8 =	sadd.s32 s2, s6;
	s7 =	sadd.s32 $0x30, s7  }
0x83: {  	[tilespmem:s26], [sflag:$0x1] =	stream.linear.gather [hbm4b:s7+s4], $0x80, $0x38;
	[tilespmem:$0x1C400] =	vst v63  }
0x84: {  	s7 =	sadd.s32 $0x30, s8  }
0x85: {  	[tilespmem:s28], [sflag:$0x1] =	stream.linear.gather [hbm4b:s7+s4], $0x80, $0x38;
	[tilespmem:$0x1C400] =	vst v63  }
0x86: {  	_ =	swait.ge [sflag:s29], $0x3E80  }
0x87: {  	[sflag:s29] =	ssyncset.done $0x0  }
0x88: {  	[sflag:s29] =	ssyncadd.s32 $0xFFFFC180  }
0x89: {  	[spmem:s3] =	stream.indirect.scatter.add.f32 [tilespmem:s14], [sflag:$0x3], $0x80, s12, s13, $0xb8;
	[tilespmem:$0x1C400] =	vst v63  }
0x8a: {  	_ =	swait.ge [sflag:s30], $0x3E80  }
0x8b: {  	[sflag:s30] =	ssyncset.done $0x0  }
0x8c: {  	[sflag:s30] =	ssyncadd.s32 $0xFFFFC180  }
0x8d: {  	_ =	swait.ge [sflag:s23], $0x80  }
0x8e: {  	[sflag:s23] =	ssyncset.done $0x0  }
0x8f: {  	[sflag:s23] =	ssyncadd.s32 $0xFFFFFF80  }
0x90: {  	_ =	swait.ge [sflag:s23], $0x80  }
0x91: {  	[sflag:s23] =	ssyncset.done $0x0  }
0x92: {  	p2 =	seq.s32 s2, $0x4C0;
	[sflag:s23] =	ssyncadd.s32 $0xFFFFFF80  }
0x93: {  	[tilespmem:s14], [sflag:$0x2] =	stream.indirect.gather [hbm4b:s0+s13], $0x80, s18, s13, $0xb8;
	[tilespmem:$0x1C400] =	vst v63  }
0x94: {  	s8 =	sadd.s32 @!p2 s2, s5;
	s2 =	sadd.s32 @!p2 s2, s6;
	s7 =	simm.s32 @!p2 $0x0  }
0x95: {  	s19 =	simm.s32 @!p2 $0x200;
	s9 =	sadd.s32 @!p2 $0x40, s8;
	s16 =	sadd.s32 @!p2 $0x40, s2  }
0x96: {  	[tilespmem:s7], [sflag:$0x1] =	stream.linear.gather @!p2 [hbm4b:s9+s7], $0x80, $0x38;
	[tilespmem:$0x1C400] =	vst v63  }
0x97: {  	s24 =	sadd.s32 @!p2 $0x50, s8;
	s21 =	sadd.s32 @!p2 $0x50, s2;
	s8 =	sadd.s32 @!p2 $0x60, s8  }
0x98: {  	[tilespmem:s19], [sflag:$0x1] =	stream.linear.gather @!p2 [hbm4b:s16+s7], $0x80, $0x38;
	[tilespmem:$0x1C400] =	vst v63  }
0x99: {  	s9 =	sadd.s32 @!p2 $0x60, s2;
	s2 =	smov.u32 s10;
	_ =	swait.ge [sflag:s29], $0x3E80  }
0x9a: {  	[sflag:s29] =	ssyncset.done $0x0  }
0x9b: {  	[sflag:s29] =	ssyncadd.s32 $0xFFFFC180  }
0x9c: {  	[spmem:s3] =	stream.indirect.scatter.add.f32 [tilespmem:s25], [sflag:$0x4], $0x80, s17, s13, $0xb8;
	[tilespmem:$0x1C400] =	vst v63  }
0x9d: {  	_ =	swait.ge [sflag:s31], $0x3E80  }
0x9e: {  	[sflag:s31] =	ssyncset.done $0x0  }
0x9f: {  	[sflag:s31] =	ssyncadd.s32 $0xFFFFC180  }
0xa0: {  	_ =	swait.ge [sflag:s23], $0x80  }
0xa1: {  	[sflag:s23] =	ssyncset.done $0x0  }
0xa2: {  	[sflag:s23] =	ssyncadd.s32 $0xFFFFFF80  }
0xa3: {  	_ =	swait.ge [sflag:s23], $0x80  }
0xa4: {  	[sflag:s23] =	ssyncset.done $0x0  }
0xa5: {  	s10 =	simm.s32 @p2 $0x2;
	[sflag:s23] =	ssyncadd.s32 $0xFFFFFF80  }
0xa6: {  	[tilespmem:s25], [sflag:$0x2] =	stream.indirect.gather [hbm4b:s0+s13], $0x80, s26, s13, $0xb8;
	[tilespmem:$0x1C400] =	vst v63  }
0xa7: {  	s16 =	simm.s32 @p2 $0x400;
	_ =	swait.ge @p2 [sflag:s10], $0x3E80  }
0xa8: {  	s22 =	simm.s32 @p2 $0x300;
	s19 =	simm.s32 @p2 $0x7D;
	[sflag:s10] =	ssyncset.done @p2 $0x0  }
0xa9: {  	[sflag:s10] =	ssyncadd.s32 @p2 $0xFFFFC180;
	s10 =	simm.s32 @!p2 $0x80  }
0xaa: {  	[spmem:s3] =	stream.indirect.scatter.add.f32 @p2 [tilespmem:s16], [sflag:$0x3], $0x80, s22, s19, $0xb8;
	[tilespmem:$0x1C400] =	vst v63  }
0xab: {  	s16 =	simm.s32 @!p2 $0x280  }
0xac: {  	[tilespmem:s10], [sflag:$0x1] =	stream.linear.gather @!p2 [hbm4b:s24+s7], $0x80, $0x38;
	[tilespmem:$0x1C400] =	vst v63  }
0xad: {  	s10 =	simm.s32 @!p2 $0x2  }
0xae: {  	[tilespmem:s16], [sflag:$0x1] =	stream.linear.gather @!p2 [hbm4b:s21+s7], $0x80, $0x38;
	[tilespmem:$0x1C400] =	vst v63  }
0xaf: {  	s16 =	simm.s32 @!p2 $0x400;
	_ =	swait.ge @!p2 [sflag:s10], $0x3E80  }
0xb0: {  	s19 =	simm.s32 @!p2 $0x7D;
	s21 =	simm.s32 @!p2 $0x300;
	[sflag:s10] =	ssyncset.done @!p2 $0x0  }
0xb1: {  	[sflag:s10] =	ssyncadd.s32 @!p2 $0xFFFFC180;
	s10 =	simm.s32 @!p2 $0x3  }
0xb2: {  	[spmem:s3] =	stream.indirect.scatter.add.f32 @!p2 [tilespmem:s16], [sflag:$0x3], $0x80, s21, s19, $0xb8;
	[tilespmem:$0x1C400] =	vst v63  }
0xb3: {  	_ =	swait.ge @!p2 [sflag:s10], $0x3E80  }
0xb4: {  	s22 =	simm.s32 @!p2 $0x1;
	[sflag:s10] =	ssyncset.done @!p2 $0x0  }
0xb5: {  	[sflag:s10] =	ssyncadd.s32 @!p2 $0xFFFFC180  }
0xb6: {  	_ =	swait.ge @!p2 [sflag:s22], $0x80  }
0xb7: {  	[sflag:s22] =	ssyncset.done @!p2 $0x0  }
0xb8: {  	[sflag:s22] =	ssyncadd.s32 @!p2 $0xFFFFFF80  }
0xb9: {  	_ =	swait.ge @!p2 [sflag:s22], $0x80  }
0xba: {  	[sflag:s22] =	ssyncset.done @!p2 $0x0  }
0xbb: {  	s10 =	simm.s32 @!p2 $0x100;
	[sflag:s22] =	ssyncadd.s32 @!p2 $0xFFFFFF80  }
0xbc: {  	[tilespmem:s16], [sflag:$0x2] =	stream.indirect.gather @!p2 [hbm4b:s0+s19], $0x80, s7, s19, $0xb8;
	[tilespmem:$0x1C400] =	vst v63  }
0xbd: {  	_ = 	snop  }
0xbe: {  	[tilespmem:s10], [sflag:$0x1] =	stream.linear.gather @!p2 [hbm4b:s8+s7], $0x80, $0x38;
	[tilespmem:$0x1C400] =	vst v63  }
.Ltmp0:
0xbf: {  	_ = 	snop;
	(pc) =	sbr.rel @p1 .LBB2_2-.Ltmp0, $4  }
0xc0: {  	_ = 	snop  }
0xc1: {  	[tilespmem:s21], [sflag:$0x1] =	stream.linear.gather @!p2 [hbm4b:s9+s7], $0x80, $0x38;
	[tilespmem:$0x1C400] =	vst v63  }
0xc2: {  	_ =	swait.ge [sflag:s29], $0x3E80  }
0xc3: {  	[sflag:s29] =	ssyncset.done $0x0  }
0xc4: {  	s7 =	simm.s32 @!p0 $0x4;
	[sflag:s29] =	ssyncadd.s32 $0xFFFFC180  }
0xc5: {  	[spmem:s3] =	stream.indirect.scatter.add.f32 [tilespmem:s25], [sflag:$0x4], $0x80, s28, s13, $0xb8;
	[tilespmem:$0x1C400] =	vst v63  }
0xc6: {  	_ =	swait.ge @!p0 [sflag:s7], $0x3E80  }
0xc7: {  	[sflag:s7] =	ssyncset.done @!p0 $0x0  }
0xc8: {  	[sflag:s7] =	ssyncadd.s32 @!p0 $0xFFFFC180  }
0xc9: {  	_ =	swait.ge [sflag:s23], $0x80  }
0xca: {  	[sflag:s23] =	ssyncset.done $0x0  }
0xcb: {  	[sflag:s23] =	ssyncadd.s32 $0xFFFFFF80  }
0xcc: {  	_ =	swait.ge [sflag:s23], $0x80  }
0xcd: {  	[sflag:s23] =	ssyncset.done $0x0  }
0xce: {  	s20 =	sadd.s32 s2, s5;
	[sflag:s23] =	ssyncadd.s32 $0xFFFFFF80  }
0xcf: {  	[tilespmem:s25], [sflag:$0x2] =	stream.indirect.gather [hbm4b:s0+s13], $0x80, s15, s13, $0xb8;
	[tilespmem:$0x1C400] =	vst v63  }
0xd0: {  	s8 =	sadd.s32 s2, s6;
	s7 =	sadd.s32 $0x30, s20  }
0xd1: {  	[tilespmem:s26], [sflag:$0x1] =	stream.linear.gather [hbm4b:s7+s4], $0x80, $0x38;
	[tilespmem:$0x1C400] =	vst v63  }
0xd2: {  	s21 =	sadd.s32 $0x30, s8  }
0xd3: {  	[tilespmem:s28], [sflag:$0x1] =	stream.linear.gather [hbm4b:s21+s4], $0x80, $0x38;
	[tilespmem:$0x1C400] =	vst v63  }
0xd4: {  	_ =	swait.ge [sflag:s29], $0x3E80  }
0xd5: {  	[sflag:s29] =	ssyncset.done $0x0  }
0xd6: {  	[sflag:s29] =	ssyncadd.s32 $0xFFFFC180  }
0xd7: {  	[spmem:s3] =	stream.indirect.scatter.add.f32 [tilespmem:s14], [sflag:$0x3], $0x80, s12, s13, $0xb8;
	[tilespmem:$0x1C400] =	vst v63  }
0xd8: {  	_ =	swait.ge [sflag:s30], $0x3E80  }
0xd9: {  	[sflag:s30] =	ssyncset.done $0x0  }
0xda: {  	[sflag:s30] =	ssyncadd.s32 $0xFFFFC180  }
0xdb: {  	_ =	swait.ge [sflag:s23], $0x80  }
0xdc: {  	[sflag:s23] =	ssyncset.done $0x0  }
0xdd: {  	[sflag:s23] =	ssyncadd.s32 $0xFFFFFF80  }
0xde: {  	_ =	swait.ge [sflag:s23], $0x80  }
0xdf: {  	p0 =	seq.s32 s2, $0x4C0;
	[sflag:s23] =	ssyncset.done $0x0  }
0xe0: {  	s7 =	sadd.s32 @!p0 s2, s5;
	[sflag:s23] =	ssyncadd.s32 $0xFFFFFF80  }
0xe1: {  	[tilespmem:s14], [sflag:$0x2] =	stream.indirect.gather [hbm4b:s0+s13], $0x80, s18, s13, $0xb8;
	[tilespmem:$0x1C400] =	vst v63  }
0xe2: {  	s8 =	simm.s32 @!p0 $0x0;
	s2 =	sadd.s32 @!p0 s2, s6;
	s9 =	sadd.s32 @!p0 $0x40, s7  }
0xe3: {  	[tilespmem:s8], [sflag:$0x1] =	stream.linear.gather @!p0 [hbm4b:s9+s8], $0x80, $0x38;
	[tilespmem:$0x1C400] =	vst v63  }
0xe4: {  	s10 =	simm.s32 @!p0 $0x200;
	s9 =	sadd.s32 @!p0 $0x40, s2  }
0xe5: {  	[tilespmem:s10], [sflag:$0x1] =	stream.linear.gather @!p0 [hbm4b:s9+s8], $0x80, $0x38;
	[tilespmem:$0x1C400] =	vst v63  }
0xe6: {  	_ =	swait.ge [sflag:s29], $0x3E80  }
0xe7: {  	[sflag:s29] =	ssyncset.done $0x0  }
0xe8: {  	[sflag:s29] =	ssyncadd.s32 $0xFFFFC180  }
0xe9: {  	[spmem:s3] =	stream.indirect.scatter.add.f32 [tilespmem:s25], [sflag:$0x4], $0x80, s17, s13, $0xb8;
	[tilespmem:$0x1C400] =	vst v63  }
0xea: {  	_ =	swait.ge [sflag:s31], $0x3E80  }
0xeb: {  	[sflag:s31] =	ssyncset.done $0x0  }
0xec: {  	[sflag:s31] =	ssyncadd.s32 $0xFFFFC180  }
0xed: {  	_ =	swait.ge [sflag:s23], $0x80  }
0xee: {  	[sflag:s23] =	ssyncset.done $0x0  }
0xef: {  	[sflag:s23] =	ssyncadd.s32 $0xFFFFFF80  }
0xf0: {  	_ =	swait.ge [sflag:s23], $0x80  }
0xf1: {  	[sflag:s23] =	ssyncset.done $0x0  }
0xf2: {  	s9 =	simm.s32 @p0 $0x2;
	[sflag:s23] =	ssyncadd.s32 $0xFFFFFF80  }
0xf3: {  	[tilespmem:s25], [sflag:$0x2] =	stream.indirect.gather [hbm4b:s0+s13], $0x80, s26, s13, $0xb8;
	[tilespmem:$0x1C400] =	vst v63  }
0xf4: {  	_ =	swait.ge @p0 [sflag:s9], $0x3E80  }
0xf5: {  	s16 =	simm.s32 @p0 $0x7D;
	[sflag:s9] =	ssyncset.done @p0 $0x0  }
0xf6: {  	s19 =	simm.s32 @p0 $0x300;
	s10 =	simm.s32 @p0 $0x400;
	[sflag:s9] =	ssyncadd.s32 @p0 $0xFFFFC180  }
0xf7: {  	[spmem:s3] =	stream.indirect.scatter.add.f32 @p0 [tilespmem:s10], [sflag:$0x3], $0x80, s19, s16, $0xb8;
	[tilespmem:$0x1C400] =	vst v63  }
0xf8: {  	s9 =	sadd.s32 @!p0 $0x50, s7;
	s10 =	simm.s32 @!p0 $0x80  }
0xf9: {  	[tilespmem:s10], [sflag:$0x1] =	stream.linear.gather @!p0 [hbm4b:s9+s8], $0x80, $0x38;
	[tilespmem:$0x1C400] =	vst v63  }
0xfa: {  	s16 =	simm.s32 @!p0 $0x2;
	s9 =	sadd.s32 @!p0 $0x50, s2;
	s10 =	simm.s32 @!p0 $0x280  }
0xfb: {  	[tilespmem:s10], [sflag:$0x1] =	stream.linear.gather @!p0 [hbm4b:s9+s8], $0x80, $0x38;
	[tilespmem:$0x1C400] =	vst v63  }
0xfc: {  	_ =	swait.ge @!p0 [sflag:s16], $0x3E80  }
0xfd: {  	s19 =	simm.s32 @!p0 $0x300;
	s9 =	simm.s32 @!p0 $0x400;
	[sflag:s16] =	ssyncset.done @!p0 $0x0  }
0xfe: {  	s10 =	simm.s32 @!p0 $0x7D;
	[sflag:s16] =	ssyncadd.s32 @!p0 $0xFFFFC180;
	s16 =	simm.s32 @!p0 $0x3  }
0xff: {  	[spmem:s3] =	stream.indirect.scatter.add.f32 @!p0 [tilespmem:s9], [sflag:$0x3], $0x80, s19, s10, $0xb8;
	[tilespmem:$0x1C400] =	vst v63  }
0x100: {  	_ =	swait.ge @!p0 [sflag:s16], $0x3E80  }
0x101: {  	[sflag:s16] =	ssyncset.done @!p0 $0x0  }
0x102: {  	[sflag:s16] =	ssyncadd.s32 @!p0 $0xFFFFC180;
	s16 =	simm.s32 @!p0 $0x1  }
0x103: {  	_ =	swait.ge @!p0 [sflag:s16], $0x80  }
0x104: {  	[sflag:s16] =	ssyncset.done @!p0 $0x0  }
0x105: {  	[sflag:s16] =	ssyncadd.s32 @!p0 $0xFFFFFF80  }
0x106: {  	_ =	swait.ge @!p0 [sflag:s16], $0x80  }
0x107: {  	[sflag:s16] =	ssyncset.done @!p0 $0x0  }
0x108: {  	[sflag:s16] =	ssyncadd.s32 @!p0 $0xFFFFFF80  }
0x109: {  	[tilespmem:s9], [sflag:$0x2] =	stream.indirect.gather @!p0 [hbm4b:s0+s10], $0x80, s8, s10, $0xb8;
	[tilespmem:$0x1C400] =	vst v63  }
0x10a: {  	s7 =	sadd.s32 @!p0 $0x60, s7;
	s9 =	simm.s32 @!p0 $0x100  }
0x10b: {  	[tilespmem:s9], [sflag:$0x1] =	stream.linear.gather @!p0 [hbm4b:s7+s8], $0x80, $0x38;
	[tilespmem:$0x1C400] =	vst v63  }
0x10c: {  	s2 =	sadd.s32 @!p0 $0x60, s2  }
0x10d: {  	[tilespmem:s19], [sflag:$0x1] =	stream.linear.gather @!p0 [hbm4b:s2+s8], $0x80, $0x38;
	[tilespmem:$0x1C400] =	vst v63  }
0x10e: {  	_ =	swait.ge [sflag:s29], $0x3E80  }
0x10f: {  	[sflag:s29] =	ssyncset.done $0x0  }
0x110: {  	[sflag:s29] =	ssyncadd.s32 $0xFFFFC180  }
0x111: {  	[spmem:s3] =	stream.indirect.scatter.add.f32 [tilespmem:s25], [sflag:$0x4], $0x80, s28, s13, $0xb8;
	[tilespmem:$0x1C400] =	vst v63  }
0x112: {  	_ =	swait.ge [sflag:s30], $0x3E80  }
0x113: {  	[sflag:s30] =	ssyncset.done $0x0  }
0x114: {  	[sflag:s30] =	ssyncadd.s32 $0xFFFFC180  }
0x115: {  	_ =	swait.ge [sflag:s31], $0x3E80  }
0x116: {  	[sflag:s31] =	ssyncset.done $0x0  }
0x117: {  	[sflag:s31] =	ssyncadd.s32 $0xFFFFC180  }
0x118: {  	[bflag:$0x0] =	sbarrier.arrive $0xFFFF  }
0x119: {  	s9 =	rddreg [dreg:$0xa]  }
0x11a: {  	s8 =	rddreg [dreg:$0xb]  }
0x11b: {  	s22 =	rddreg [dreg:$0xc]  }
0x11c: {  	[hbm:s22], [sflag:s9] =	dma.local [spmem:s8], $0x2800  }
0x11d: {  	_ =	swait.ge [sflag:s11], $0x2800  }
0x11e: {  	s1 =	sadd.s32 $0x1, s1;
	s24 =	rddreg [dreg:$0x7]  }
0x11f: {  	p0 =	sne.s32 s1, s24  }
.Ltmp1:
0x120: {  	_ = 	snop;
	(pc) =	sbr.rel @p0 .LBB2_1-.Ltmp1, $3  }
0x121: {  	_ =	sdelay $0x1  }
0x122: {  	[sflag:s11] =	ssyncset.done $0x0  }
0x123: {  	[sflag:s11] =	ssyncadd.s32 $0xFFFFD800  }
0x124: {  	_ =	sfence.sel $0x180000  }
0x125: {  	[bflag:$0x0] =	sbarrier.arrive $0xFFFF  }
0x126: {  	_ =	strace $0x9000004A  }
0x127: {  	s0 =	stileid.u32;
	[bflag:$0x2] =	sbarrier.arrive $0xFFFF  }
0x128: {  	p0 =	sne.s32 s0, $0x0;
	s0 =	rddreg [dreg:$0x3]  }
0x129: {  	s0 =	sadd.s32 @!p0 $0x100000, s0  }
0x12a: {  	[sflag:s0] =	ssyncadd.tile.s32 @!p0 $0x1;
	_ =	shalt  }
.Lfunc_end2:
_tile_overlayer_lowered:
.L_overlay_start_2:
0x12b: {  	(tag) =	ssettag $0x2  }
0x12c: {  	s0 =	rddreg [dreg:$0x0];
	s2 =	stileid.u32  }
0x12d: {  	s1 =	rddreg [dreg:$0x1];
	p0 =	sne.s32 s2, $0x0  }
0x12e: {  	s3 =	rddreg [dreg:$0x2];
	[bflag:$0x3] =	sbarrier.arrive $0xFFFF;
	s2 =	simm.s32 @!p0 $0x1C05  }
0x12f: {  	[timem:s3], [sflag:s2] =	dma.local @!p0 [hbm:s0], s1  }
0x130: {  	s0 =	simm.s32 @!p0 $0x5  }
0x131: {  	_ =	swait.ge @!p0 [sflag:s0], s1  }
0x132: {  	s1 =	ssub.s32 @!p0 $0x0, s1;
	[sflag:s0] =	ssyncset.done @!p0 $0x0  }
0x133: {  	[sflag:s0] =	ssyncadd.s32 @!p0 s1  }
0x134: {  	[bflag:$0x3] =	sbarrier.arrive $0xFFFF  }
0x135: {  	_ =	shalt  }

// kernel: kernel.4.cloned.1.call-start
scs
__scs_entry_jumppad:
0x0: {  	(pc) =	sbr.rel $0x88, $3  }
0x1: {  	(tag) =	ssettag $0x0;
	lr =	simm.s32 $0x1  }
0x2: {  	[smem:$0x3F98] =	sst lr;
	_ =	strace $0xD0000000  }
0x3: {  	_ = 	snop  }
0x4: {  	_ = 	snop  }
0x5: {  	_ = 	snop  }
0x6: {  	_ = 	snop  }
0x7: {  	_ = 	snop  }
__scs_overlays_trampoline_lowered:
0x8: {  	[smem:$0x3FA7] =	sst s0  }
0x9: {  	[smem:$0x3FA8] =	sst s1  }
0xa: {  	[smem:$0x3FA9] =	sst s2  }
0xb: {  	[smem:$0x3FAA] =	sst s3  }
0xc: {  	[smem:$0x3FAB] =	sst s4  }
0xd: {  	[smem:$0x3FAC] =	sst s5  }
0xe: {  	[smem:$0x3FAD] =	sst s6  }
0xf: {  	[smem:$0x3FAE] =	sst s7  }
0x10: {  	[smem:$0x3FAF] =	sst s8  }
0x11: {  	[smem:$0x3FB0] =	sst s9;
	s0 =	simm.s32 @!p0 $0x0  }
0x12: {  	s1 =	sld [smem:$0x3F96];
	s0 =	simm.s32 @p0 $0x1  }
0x13: {  	[smem:$0x3FB1] =	sst s0;
	s0 =	simm.s32 @!p1 $0x0  }
0x14: {  	s2 =	sld [smem:$0x3F95];
	s0 =	simm.s32 @p1 $0x1  }
0x15: {  	[smem:$0x3FB2] =	sst s0;
	s0 =	simm.s32 @!p2 $0x0  }
0x16: {  	s3 =	sld [smem:$0x3FDB];
	s0 =	simm.s32 @p2 $0x1  }
0x17: {  	s4 =	simm.s32 $0x1BF5;
	[smem:$0x3FB4] =	sst s0  }
0x18: {  	s0 =	sld [smem:$0x3F97];
	_ =	swait.ge [sflag:s4], $0x0  }
0x19: {  	s7 =	sld [smem:$0x3F98]  }
0x1a: {  	s8 =	sadd.s32 $0xFFFFE003, lr  }
0x1b: {  	s9 =	sadd.s32 $0xFFFFFEF7, lr;
	s5 =	simm.s32 $0xFFFFFFFF;
	p2 =	slt.u32 s8, $0xFFFFF086  }
0x1c: {  	p1 =	slt.u32 s9, $0xF7A;
	s5 =	simm.s32 @!p2 $0x0  }
0x1d: {  	s5 =	simm.s32 @p1 $0x1;
	p0 =	seq.s32 s7, s2  }
0x1e: {  	s7 =	smul.u32 @!p0 $0xF7A, s2;
	p2 =	seq.s32 @!p0 s5, $0x0  }
0x1f: {  	s9 =	smul.u32 $0xF7A, s1;
	s8 =	simm.s32 @!p0 $0x1BF5;
	p2 =	por !p2, p0  }
0x20: {  	[sflag:s8] =	ssyncset.s32 @!p0 $0xFFFFF086;
	s6 =	sadd.s32 @!p0 s3, s7;
	s7 =	simm.s32 @!p0 $0x108  }
0x21: {  	s3 =	sadd.s32 s3, s9;
	s6 =	sadd.s32 @!p0 $0x88, s6;
	s7 =	simm.s32 @p2 $0x1082  }
0x22: {  	[simem:s7], [sflag:s8] =	dma.local @!p0 [hbm:s6], $0xF7A  }
0x23: {  	s9 =	sor.u32 $0xD0000000, s2;
	s6 =	simm.s32 $0x108;
	_ =	swait.ge @!p0 [sflag:s8], $0x0  }
0x24: {  	s3 =	sadd.s32 $0x88, s3;
	s6 =	simm.s32 @!p1 $0x1082;
	[sflag:s4] =	ssyncset.s32 $0xFFFFF086  }
0x25: {  	[simem:s6], [sflag:s4] =	dma.local [hbm:s3], $0xF7A  }
0x26: {  	[smem:$0x3F98] =	sst s1;
	(tag) =	ssettag s2;
	_ =	strace s9  }
0x27: {  	s1 =	sld [smem:$0x3FA8]  }
0x28: {  	s2 =	sld [smem:$0x3FA9]  }
0x29: {  	s4 =	sld [smem:$0x3FAB]  }
0x2a: {  	p0 =	seq.s32 s5, $0x0;
	s5 =	sld [smem:$0x3FAC]  }
0x2b: {  	s6 =	sld [smem:$0x3FAD]  }
0x2c: {  	s7 =	sld [smem:$0x3FAE]  }
0x2d: {  	s3 =	simm.s32 $0x108;
	s8 =	sld [smem:$0x3FAF]  }
0x2e: {  	s3 =	simm.s32 @!p0 $0x1082;
	s9 =	sld [smem:$0x3FB0]  }
0x2f: {  	lr =	sadd.s32 s0, s3;
	s0 =	sld [smem:$0x3FA7]  }
0x30: {  	s3 =	sld [smem:$0x3FAA]  }
0x31: {  	[smem:$0x3FB3] =	sst s10  }
0x32: {  	s10 =	sld [smem:$0x3FB1];
	_ =	sdelay $0x3  }
0x33: {  	p0 =	seq.s32 s10, $0x1;
	s10 =	sld [smem:$0x3FB3];
	_ =	sdelay $0x3  }
0x34: {  	[smem:$0x3FB3] =	sst s10  }
0x35: {  	s10 =	sld [smem:$0x3FB2];
	_ =	sdelay $0x3  }
0x36: {  	p1 =	seq.s32 s10, $0x1;
	s10 =	sld [smem:$0x3FB3];
	_ =	sdelay $0x3  }
0x37: {  	[smem:$0x3FB3] =	sst s10  }
0x38: {  	s10 =	sld [smem:$0x3FB4]  }
0x39: {  	_ = 	snop;
	(pc) =	sbr.ind lr, $3  }
0x3a: {  	_ = 	snop  }
0x3b: {  	_ = 	snop  }
0x3c: {  	p2 =	seq.s32 s10, $0x1;
	s10 =	sld [smem:$0x3FB3]  }
0x3d: {  	_ =	shalt  }
0x3e: {  	_ =	shalt  }
0x3f: {  	_ =	shalt  }
0x40: {  	_ =	shalt  }
0x41: {  	_ =	shalt  }
0x42: {  	_ =	shalt  }
0x43: {  	_ =	shalt  }
0x44: {  	_ =	shalt  }
0x45: {  	_ =	shalt  }
0x46: {  	_ =	shalt  }
0x47: {  	_ =	shalt  }
0x48: {  	_ =	shalt  }
0x49: {  	_ =	shalt  }
0x4a: {  	_ =	shalt  }
0x4b: {  	_ =	shalt  }
0x4c: {  	_ =	shalt  }
0x4d: {  	_ =	shalt  }
0x4e: {  	_ =	shalt  }
0x4f: {  	_ =	shalt  }
0x50: {  	_ =	shalt  }
0x51: {  	_ =	shalt  }
0x52: {  	_ =	shalt  }
0x53: {  	_ =	shalt  }
0x54: {  	_ =	shalt  }
0x55: {  	_ =	shalt  }
0x56: {  	_ =	shalt  }
0x57: {  	_ =	shalt  }
0x58: {  	_ =	shalt  }
0x59: {  	_ =	shalt  }
0x5a: {  	_ =	shalt  }
0x5b: {  	_ =	shalt  }
0x5c: {  	_ =	shalt  }
0x5d: {  	_ =	shalt  }
0x5e: {  	_ =	shalt  }
0x5f: {  	_ =	shalt  }
0x60: {  	_ =	shalt  }
0x61: {  	_ =	shalt  }
0x62: {  	_ =	shalt  }
0x63: {  	_ =	shalt  }
0x64: {  	_ =	shalt  }
0x65: {  	_ =	shalt  }
0x66: {  	_ =	shalt  }
0x67: {  	_ =	shalt  }
0x68: {  	_ =	shalt  }
0x69: {  	_ =	shalt  }
0x6a: {  	_ =	shalt  }
0x6b: {  	_ =	shalt  }
0x6c: {  	_ =	shalt  }
0x6d: {  	_ =	shalt  }
0x6e: {  	_ =	shalt  }
0x6f: {  	_ =	shalt  }
0x70: {  	_ =	shalt  }
0x71: {  	_ =	shalt  }
0x72: {  	_ =	shalt  }
0x73: {  	_ =	shalt  }
0x74: {  	_ =	shalt  }
0x75: {  	_ =	shalt  }
0x76: {  	_ =	shalt  }
0x77: {  	_ =	shalt  }
0x78: {  	_ =	shalt  }
0x79: {  	_ =	shalt  }
0x7a: {  	_ =	shalt  }
0x7b: {  	_ =	shalt  }
0x7c: {  	_ =	shalt  }
0x7d: {  	_ =	shalt  }
0x7e: {  	_ =	shalt  }
0x7f: {  	_ =	shalt  }
0x80: {  	_ =	shalt  }
0x81: {  	_ =	shalt  }
0x82: {  	_ =	shalt  }
0x83: {  	_ =	shalt  }
0x84: {  	_ =	shalt  }
0x85: {  	_ =	shalt  }
0x86: {  	_ =	shalt  }
0x87: {  	_ =	shalt  }
.Lfunc_end0:
.L_simem_size_0:
called_computation.1_lowered:
.L_overlay_start_0:
0x88: {  	s2 =	sld [smem:$0x3FD9]  }
0x89: {  	s3 =	sld [smem:$0x3FFE];
	_ =	sdelay $0x1  }
0x8a: {  	s1 =	srdreg.scid  }
0x8b: {  	s0 =	sand.u32 $0x1, s1  }
0x8c: {  	s17 =	sshll.u32 s0, $0xA;
	s2 =	sadd.s32 s3, s2  }
0x8d: {  	s2 =	sadd.s32 s2, s17  }
0x8e: {  	[smem:$0x3FBF] =	sst s2  }
0x8f: {  	_ = 	snop  }
0x90: {  	s2 =	sld [smem:$0x3FD0];
	(tm) =	ssettm $0x1  }
0x91: {  	s18 =	sld [smem:$0x3FFB];
	_ =	sdelay $0x3  }
0x92: {  	_ =	strace s18  }
0x93: {  	s3 =	sld [smem:$0x3FFC];
	_ =	sdelay $0x3  }
0x94: {  	_ =	strace s3  }
0x95: {  	s3 =	sld [smem:$0x3FFD];
	_ =	sdelay $0x3  }
0x96: {  	_ =	strace s3  }
0x97: {  	_ =	strace $0x8FFFFFFF  }
0x98: {  	s19 =	sld [smem:$0x3FDB];
	_ =	sdelay $0x1  }
0x99: {  	s4 =	simm.s32 $_scs_section_size  }
0x9a: {  	s5 =	simm.s32 $_size__tile_overlayer_lowered;
	s6 =	simm.s32 $_tile_overlayer_lowered  }
0x9b: {  	s22 =	simm.s32 $0x1BFF;
	s21 =	sshll.u32 s6, $0x1;
	s3 =	sadd.s32 s4, s19  }
0x9c: {  	s7 =	simm.s32 $0x0;
	s20 =	sshll.u32 s5, $0x1;
	s5 =	sadd.s32 s21, s3  }
0x9d: {  	[timem:s7], [sflag:s22] =	dma.local [hbm:s5], s20  }
0x9e: {  	_ =	swait.ge [sflag:s22], s20  }
0x9f: {  	s4 =	ssub.s32 $0x0, s20;
	[sflag:s22] =	ssyncset.done $0x0  }
0xa0: {  	[sflag:s22] =	ssyncadd.s32 s4;
	_ =	sdelay $0x1  }
0xa1: {  	s23 =	simm.s32 $0x1B8B  }
0xa2: {  	_ =	swait.ge [sflag:s23], $0x1  }
0xa3: {  	[sflag:s23] =	ssyncset.done $0x0  }
0xa4: {  	s25 =	simm.s32 $0x1B8E;
	s24 =	sld [smem:$0x3FFE];
	[sflag:s23] =	ssyncadd.s32 $0xFFFFFFFF  }
0xa5: {  	s26 =	simm.s32 $execute0_lowered;
	[smem:$0x3FD2] =	sst s25  }
0xa6: {  	s5 =	sshll.u32 s26, $0x1;
	_ =	strace $0x80000046;
	[dreg:$0x1] =	wrdreg $0xFFFFFFFF  }
0xa7: {  	s28 =	simm.s32 $_size_execute0_lowered;
	s3 =	sadd.s32 s3, s5;
	[dreg:$0x0] =	wrdreg $0x0  }
0xa8: {  	s5 =	sshll.u32 s28, $0x1;
	[dreg:$0x2] =	wrdreg s3  }
0xa9: {  	[dreg:$0x3] =	wrdreg s5  }
0xaa: {  	[dreg:$0x4] =	wrdreg $0xC0  }
0xab: {  	_ =	task [dreg:s7], $0x5FFFF  }
0xac: {  	[dreg:$0x1] =	wrdreg $0xFFFFFFFF  }
0xad: {  	[dreg:$0x0] =	wrdreg $0x60  }
0xae: {  	[dreg:$0x2] =	wrdreg s2  }
0xaf: {  	[dreg:$0x3] =	wrdreg s24  }
0xb0: {  	[dreg:$0x4] =	wrdreg $0x84000  }
0xb1: {  	[dreg:$0x5] =	wrdreg $0x9  }
0xb2: {  	_ =	task.clear_ibuf [dreg:s7], $0x6FFFF;
	_ =	strace $0x90000046  }
0xb3: {  	s29 =	simm.s32 $0x9;
	_ =	strace $0x80000048  }
0xb4: {  	_ =	swait.ge [sflag:s29], $0x1  }
0xb5: {  	[sflag:s29] =	ssyncadd.s32 $0xFFFFFFFF  }
0xb6: {  	_ =	strace $0x90000048  }
0xb7: {  	_ =	sfence  }
0xb8: {  	s30 =	sld [smem:$0x0];
	_ =	sdelay $0x2  }
0xb9: {  	s31 =	sshll.u32 s1, $0xD;
	s1 =	sshrl.u32 s1, $0x2  }
0xba: {  	s3 =	sand.u32 $0x4000, s31;
	s1 =	sadd.s32 s1, s30  }
0xbb: {  	s0 =	sor.u32 s3, s0;
	s1 =	sshll.u32 s1, $0x11  }
0xbc: {  	s0 =	sor.u32 s1, s0  }
0xbd: {  	s0 =	sadd.s32 $0x8F2B, s0  }
0xbe: {  	[sflag:s0] =	ssyncadd.remote.s32 $0x1  }
0xbf: {  	_ =	sfence.sel $0xFFFF  }
0xc0: {  	[dreg:$0x0] =	wrdreg $0xFFFFFFFF;
	(pc) =	sbr.abs _section_cstart, $3  }
0xc1: {  	[dreg:$0x1] =	wrdreg $0xFFFFFFFF  }
0xc2: {  	_ =	task.clear_ibuf [dreg:s7], $0x2FFFF;
	_ =	strace $0x9FFFFFFF  }
0xc3: {  	(tm) =	ssettm $0x7FFFFFFF  }
tec
execute0_lowered:
.L_overlay_start_1:
0x0: {  	(tag) =	ssettag $0x1  }
0x1: {  	s0 =	rddreg [dreg:$0x0]  }
0x2: {  	s1 =	srdreg.scid;
	s2 =	rddreg [dreg:$0x1]  }
0x3: {  	s3 =	rddreg [dreg:$0x2];
	s16 =	stileid.u32;
	s4 =	simm.s32 $0x0  }
0x4: {  	s12 =	simm.s32 $0x200;
	s13 =	simm.s32 $0x7D;
	s14 =	simm.s32 $0x400  }
0x5: {  	s15 =	simm.s32 $0x80;
	s17 =	simm.s32 $0x280;
	s18 =	simm.s32 $0x100  }
0x6: {  	s28 =	simm.s32 $0x380;
	s29 =	simm.s32 $0x2;
	s30 =	simm.s32 $0x3  }
0x7: {  	s31 =	simm.s32 $0x4;
	s1 =	sand.u32 $0x1, s1;
	s7 =	smul.u32 $0x2800, s16  }
0x8: {  	[smem:$0x7FF] =	sst s4;
	s10 =	smul.u32 $0x50000, s16;
	s25 =	sshll.u32 s16, $0x6  }
0x9: {  	s5 =	sshll.u32 s1, $0x4;
	_ =	strace $0x80000047;
	s21 =	smul.u32 $0x28000, s1  }
0xa: {  	s1 =	ssub.s32 $0x2, s1;
	s5 =	sor.u32 s16, s5;
	s9 =	sadd.s32 s7, s2  }
0xb: {  	s6 =	sshrl.u32 s1, $0x1;
	s10 =	sshrl.u32 s10, $0x2;
	s5 =	smul.u32 $0x500, s5  }
0xc: {  	s1 =	ssub.s32 s1, s6;
	s22 =	sadd.s32 s10, s3;
	s9 =	sadd.s32 $0x16400, s9  }
0xd: {  	[dreg:$0x6] =	wrdreg s9;
	s1 =	smax.u32 s1, $0x1;
	s9 =	sor.u32 $0x1C05, s25  }
0xe: {  	s25 =	simm.s32 $0x4400;
	s8 =	sadd.s32 s5, s2;
	[dreg:$0x7] =	wrdreg s1  }
0xf: {  	[dreg:$0xa] =	wrdreg s9;
	s5 =	sadd.s32 $0xC400, s8;
	s11 =	sadd.s32 $0xC410, s8  }
0x10: {  	s6 =	sadd.s32 $0x2400, s8;
	s8 =	sadd.s32 $0xC420, s8;
	[dreg:$0x4] =	wrdreg s11  }
0x11: {  	s2 =	sadd.s32 s21, s2;
	[dreg:$0x5] =	wrdreg s8;
	s23 =	sadd.s32 $0x10, s6  }
0x12: {  	s2 =	sadd.s32 $0x3E400, s2;
	s24 =	sadd.s32 $0x20, s6;
	[dreg:$0x8] =	wrdreg s23  }
0x13: {  	s1 =	simm.s32 $0x0;
	s26 =	sadd.s32 s7, s2;
	[dreg:$0x9] =	wrdreg s24  }
0x14: {  	s11 =	simm.s32 $0x5;
	s8 =	sshrl.u32 s22, $0x3;
	[dreg:$0xc] =	wrdreg s26  }
0x15: {  	s23 =	simm.s32 $0x1;
	s26 =	simm.s32 $0x180;
	[dreg:$0xb] =	wrdreg s8  }
.LBB2_1:
0x16: {  	[tilespmem:s4], [sflag:$0x5] =	stream.linear.gather [hbm4b:s5+s4], $0x80, $0x38;
	[tilespmem:$0x1C400] =	vst v63  }
0x17: {  	_ =	swait.ge [sflag:s11], $0x80  }
0x18: {  	[sflag:s11] =	ssyncset.done $0x0  }
0x19: {  	[sflag:s11] =	ssyncadd.s32 $0xFFFFFF80  }
0x1a: {  	[tilespmem:s12], [sflag:$0x5] =	stream.linear.gather [hbm4b:s6+s4], $0x80, $0x38;
	[tilespmem:$0x1C400] =	vst v63  }
0x1b: {  	_ =	swait.ge [sflag:s11], $0x80  }
0x1c: {  	[sflag:s11] =	ssyncset.done $0x0  }
0x1d: {  	s2 =	rddreg [dreg:$0x4];
	[sflag:s11] =	ssyncadd.s32 $0xFFFFFF80  }
0x1e: {  	[tilespmem:s14], [sflag:$0x2] =	stream.indirect.gather [hbm4b:s0+s13], $0x80, s4, s13, $0xb8;
	[tilespmem:$0x1C400] =	vst v63  }
0x1f: {  	s10 =	rddreg [dreg:$0x8]  }
0x20: {  	[tilespmem:s15], [sflag:$0x1] =	stream.linear.gather [hbm4b:s2+s4], $0x80, $0x38;
	[tilespmem:$0x1C400] =	vst v63  }
0x21: {  	s16 =	rddreg [dreg:$0x5]  }
0x22: {  	[tilespmem:s17], [sflag:$0x1] =	stream.linear.gather [hbm4b:s10+s4], $0x80, $0x38;
	[tilespmem:$0x1C400] =	vst v63  }
0x23: {  	s19 =	rddreg [dreg:$0x9]  }
0x24: {  	[tilespmem:s18], [sflag:$0x1] =	stream.linear.gather [hbm4b:s16+s4], $0x80, $0x38;
	[tilespmem:$0x1C400] =	vst v63  }
0x25: {  	s7 =	simm.s32 $0x300;
	s20 =	rddreg [dreg:$0x6]  }
0x26: {  	[tilespmem:s7], [sflag:$0x1] =	stream.linear.gather [hbm4b:s19+s4], $0x80, $0x38;
	[tilespmem:$0x1C400] =	vst v63  }
0x27: {  	[spmem:s8], [sflag:s9] =	dma.local [hbm:s20], $0x2800  }
0x28: {  	_ =	swait.ge [sflag:s11], $0x2800  }
0x29: {  	p0 =	por $0x1, $0x1;
	[sflag:s11] =	ssyncset.done $0x0  }
0x2a: {  	p0 =	por p0, p0;
	[sflag:s11] =	ssyncadd.s32 $0xFFFFD800  }
0x2b: {  	s2 =	simm.s32 @!p0 $0x4;
	[bflag:$0x0] =	sbarrier.arrive $0xFFFF  }
0x2c: {  	_ =	swait.ge @!p0 [sflag:s2], $0x3E80  }
0x2d: {  	[sflag:s2] =	ssyncset.done @!p0 $0x0  }
0x2e: {  	[sflag:s2] =	ssyncadd.s32 @!p0 $0xFFFFC180  }
0x2f: {  	_ =	swait.ge [sflag:s23], $0x80  }
0x30: {  	[sflag:s23] =	ssyncset.done $0x0  }
0x31: {  	[sflag:s23] =	ssyncadd.s32 $0xFFFFFF80  }
0x32: {  	_ =	swait.ge [sflag:s23], $0x80  }
0x33: {  	[sflag:s23] =	ssyncset.done $0x0  }
0x34: {  	s21 =	sadd.s32 $0x0, s5;
	[sflag:s23] =	ssyncadd.s32 $0xFFFFFF80  }
0x35: {  	[tilespmem:s25], [sflag:$0x2] =	stream.indirect.gather [hbm4b:s0+s13], $0x80, s15, s13, $0xb8;
	[tilespmem:$0x1C400] =	vst v63  }
0x36: {  	s22 =	sadd.s32 $0x0, s6;
	s2 =	sadd.s32 $0x30, s21  }
0x37: {  	[tilespmem:s26], [sflag:$0x1] =	stream.linear.gather [hbm4b:s2+s4], $0x80, $0x38;
	[tilespmem:$0x1C400] =	vst v63  }
0x38: {  	s24 =	sadd.s32 $0x30, s22  }
0x39: {  	[tilespmem:s28], [sflag:$0x1] =	stream.linear.gather [hbm4b:s24+s4], $0x80, $0x38;
	[tilespmem:$0x1C400] =	vst v63  }
0x3a: {  	_ =	swait.ge [sflag:s29], $0x3E80  }
0x3b: {  	[sflag:s29] =	ssyncset.done $0x0  }
0x3c: {  	[sflag:s29] =	ssyncadd.s32 $0xFFFFC180  }
0x3d: {  	[spmem:s3] =	stream.indirect.scatter.add.f32 [tilespmem:s14], [sflag:$0x3], $0x80, s12, s13, $0xb8;
	[tilespmem:$0x1C400] =	vst v63  }
0x3e: {  	_ =	swait.ge [sflag:s30], $0x3E80  }
0x3f: {  	[sflag:s30] =	ssyncset.done $0x0  }
0x40: {  	[sflag:s30] =	ssyncadd.s32 $0xFFFFC180  }
0x41: {  	_ =	swait.ge [sflag:s23], $0x80  }
0x42: {  	[sflag:s23] =	ssyncset.done $0x0  }
0x43: {  	[sflag:s23] =	ssyncadd.s32 $0xFFFFFF80  }
0x44: {  	_ =	swait.ge [sflag:s23], $0x80  }
0x45: {  	p0 =	por $0x0, $0x0;
	[sflag:s23] =	ssyncset.done $0x0  }
0x46: {  	s2 =	sadd.s32 @!p0 $0x0, s5;
	[sflag:s23] =	ssyncadd.s32 $0xFFFFFF80  }
0x47: {  	[tilespmem:s14], [sflag:$0x2] =	stream.indirect.gather [hbm4b:s0+s13], $0x80, s18, s13, $0xb8;
	[tilespmem:$0x1C400] =	vst v63  }
0x48: {  	s7 =	simm.s32 @!p0 $0x0;
	s8 =	sadd.s32 @!p0 $0x0, s6;
	s9 =	sadd.s32 @!p0 $0x40, s2  }
0x49: {  	[tilespmem:s7], [sflag:$0x1] =	stream.linear.gather @!p0 [hbm4b:s9+s7], $0x80, $0x38;
	[tilespmem:$0x1C400] =	vst v63  }
0x4a: {  	s10 =	simm.s32 @!p0 $0x200;
	s9 =	sadd.s32 @!p0 $0x40, s8  }
0x4b: {  	[tilespmem:s10], [sflag:$0x1] =	stream.linear.gather @!p0 [hbm4b:s9+s7], $0x80, $0x38;
	[tilespmem:$0x1C400] =	vst v63  }
0x4c: {  	_ =	swait.ge [sflag:s29], $0x3E80  }
0x4d: {  	[sflag:s29] =	ssyncset.done $0x0  }
0x4e: {  	[sflag:s29] =	ssyncadd.s32 $0xFFFFC180  }
0x4f: {  	[spmem:s3] =	stream.indirect.scatter.add.f32 [tilespmem:s25], [sflag:$0x4], $0x80, s17, s13, $0xb8;
	[tilespmem:$0x1C400] =	vst v63  }
0x50: {  	_ =	swait.ge [sflag:s31], $0x3E80  }
0x51: {  	[sflag:s31] =	ssyncset.done $0x0  }
0x52: {  	[sflag:s31] =	ssyncadd.s32 $0xFFFFC180  }
0x53: {  	_ =	swait.ge [sflag:s23], $0x80  }
0x54: {  	[sflag:s23] =	ssyncset.done $0x0  }
0x55: {  	[sflag:s23] =	ssyncadd.s32 $0xFFFFFF80  }
0x56: {  	_ =	swait.ge [sflag:s23], $0x80  }
0x57: {  	[sflag:s23] =	ssyncset.done $0x0  }
0x58: {  	s9 =	simm.s32 @p0 $0x2;
	[sflag:s23] =	ssyncadd.s32 $0xFFFFFF80  }
0x59: {  	[tilespmem:s25], [sflag:$0x2] =	stream.indirect.gather [hbm4b:s0+s13], $0x80, s26, s13, $0xb8;
	[tilespmem:$0x1C400] =	vst v63  }
0x5a: {  	_ =	swait.ge @p0 [sflag:s9], $0x3E80  }
0x5b: {  	s20 =	simm.s32 @p0 $0x7D;
	[sflag:s9] =	ssyncset.done @p0 $0x0  }
0x5c: {  	s16 =	simm.s32 @p0 $0x300;
	s10 =	simm.s32 @p0 $0x400;
	[sflag:s9] =	ssyncadd.s32 @p0 $0xFFFFC180  }
0x5d: {  	[spmem:s3] =	stream.indirect.scatter.add.f32 @p0 [tilespmem:s10], [sflag:$0x3], $0x80, s16, s20, $0xb8;
	[tilespmem:$0x1C400] =	vst v63  }
0x5e: {  	s9 =	sadd.s32 @!p0 $0x50, s2;
	s10 =	simm.s32 @!p0 $0x80  }
0x5f: {  	[tilespmem:s10], [sflag:$0x1] =	stream.linear.gather @!p0 [hbm4b:s9+s7], $0x80, $0x38;
	[tilespmem:$0x1C400] =	vst v63  }
0x60: {  	s16 =	simm.s32 @!p0 $0x2;
	s9 =	sadd.s32 @!p0 $0x50, s8;
	s10 =	simm.s32 @!p0 $0x280  }
0x61: {  	[tilespmem:s10], [sflag:$0x1] =	stream.linear.gather @!p0 [hbm4b:s9+s7], $0x80, $0x38;
	[tilespmem:$0x1C400] =	vst v63  }
0x62: {  	_ =	swait.ge @!p0 [sflag:s16], $0x3E80  }
0x63: {  	s20 =	simm.s32 @!p0 $0x300;
	s9 =	simm.s32 @!p0 $0x400;
	[sflag:s16] =	ssyncset.done @!p0 $0x0  }
0x64: {  	s10 =	simm.s32 @!p0 $0x7D;
	[sflag:s16] =	ssyncadd.s32 @!p0 $0xFFFFC180;
	s16 =	simm.s32 @!p0 $0x3  }
0x65: {  	[spmem:s3] =	stream.indirect.scatter.add.f32 @!p0 [tilespmem:s9], [sflag:$0x3], $0x80, s20, s10, $0xb8;
	[tilespmem:$0x1C400] =	vst v63  }
0x66: {  	_ =	swait.ge @!p0 [sflag:s16], $0x3E80  }
0x67: {  	[sflag:s16] =	ssyncset.done @!p0 $0x0  }
0x68: {  	[sflag:s16] =	ssyncadd.s32 @!p0 $0xFFFFC180;
	s16 =	simm.s32 @!p0 $0x1  }
0x69: {  	_ =	swait.ge @!p0 [sflag:s16], $0x80  }
0x6a: {  	[sflag:s16] =	ssyncset.done @!p0 $0x0  }
0x6b: {  	[sflag:s16] =	ssyncadd.s32 @!p0 $0xFFFFFF80  }
0x6c: {  	_ =	swait.ge @!p0 [sflag:s16], $0x80  }
0x6d: {  	[sflag:s16] =	ssyncset.done @!p0 $0x0  }
0x6e: {  	[sflag:s16] =	ssyncadd.s32 @!p0 $0xFFFFFF80  }
0x6f: {  	[tilespmem:s9], [sflag:$0x2] =	stream.indirect.gather @!p0 [hbm4b:s0+s10], $0x80, s7, s10, $0xb8;
	[tilespmem:$0x1C400] =	vst v63  }
0x70: {  	s2 =	sadd.s32 @!p0 $0x60, s2;
	s9 =	simm.s32 @!p0 $0x100  }
0x71: {  	[tilespmem:s9], [sflag:$0x1] =	stream.linear.gather @!p0 [hbm4b:s2+s7], $0x80, $0x38;
	[tilespmem:$0x1C400] =	vst v63  }
0x72: {  	s2 =	sadd.s32 @!p0 $0x60, s8  }
0x73: {  	[tilespmem:s20], [sflag:$0x1] =	stream.linear.gather @!p0 [hbm4b:s2+s7], $0x80, $0x38;
	[tilespmem:$0x1C400] =	vst v63  }
0x74: {  	p6 =	por $0x0, $0x0;
	s2 =	simm.s32 $0x40;
	_ =	swait.ge [sflag:s29], $0x3E80  }
0x75: {  	s20 =	simm.s32 $0x80;
	p0 =	por p6, p6;
	[sflag:s29] =	ssyncset.done $0x0  }
.LBB2_2:
0x76: {  	p2 =	seq.s32 s20, $0x0;
	s7 =	simm.s32 @!p0 $0x4;
	[sflag:s29] =	ssyncadd.s32 $0xFFFFC180  }
0x77: {  	[spmem:s3] =	stream.indirect.scatter.add.f32 [tilespmem:s25], [sflag:$0x4], $0x80, s28, s13, $0xb8;
	[tilespmem:$0x1C400] =	vst v63  }
0x78: {  	s10 =	smov.u32 s20;
	s20 =	sadd.s32 $0x40, s20;
	_ =	swait.ge @!p0 [sflag:s7], $0x3E80  }
0x79: {  	p1 =	sne.s32 s20, $0x500;
	[sflag:s7] =	ssyncset.done @!p0 $0x0  }
0x7a: {  	[sflag:s7] =	ssyncadd.s32 @!p0 $0xFFFFC180;
	p0 =	por p2, p2  }
0x7b: {  	_ =	swait.ge [sflag:s23], $0x80  }
0x7c: {  	[sflag:s23] =	ssyncset.done $0x0  }
0x7d: {  	[sflag:s23] =	ssyncadd.s32 $0xFFFFFF80  }
0x7e: {  	_ =	swait.ge [sflag:s23], $0x80  }
0x7f: {  	[sflag:s23] =	ssyncset.done $0x0  }
0x80: {  	s7 =	sadd.s32 s2, s5;
	[sflag:s23] =	ssyncadd.s32 $0xFFFFFF80  }
0x81: {  	[tilespmem:s25], [sflag:$0x2] =	stream.indirect.gather [hbm4b:s0+s13], $0x80, s15, s13, $0xb8;
	[tilespmem:$0x1C400] =	vst v63  }
0x82: {  	s8 =	sadd.s32 s2, s6;
	s7 =	sadd.s32 $0x30, s7  }
0x83: {  	[tilespmem:s26], [sflag:$0x1] =	stream.linear.gather [hbm4b:s7+s4], $0x80, $0x38;
	[tilespmem:$0x1C400] =	vst v63  }
0x84: {  	s7 =	sadd.s32 $0x30, s8  }
0x85: {  	[tilespmem:s28], [sflag:$0x1] =	stream.linear.gather [hbm4b:s7+s4], $0x80, $0x38;
	[tilespmem:$0x1C400] =	vst v63  }
0x86: {  	_ =	swait.ge [sflag:s29], $0x3E80  }
0x87: {  	[sflag:s29] =	ssyncset.done $0x0  }
0x88: {  	[sflag:s29] =	ssyncadd.s32 $0xFFFFC180  }
0x89: {  	[spmem:s3] =	stream.indirect.scatter.add.f32 [tilespmem:s14], [sflag:$0x3], $0x80, s12, s13, $0xb8;
	[tilespmem:$0x1C400] =	vst v63  }
0x8a: {  	_ =	swait.ge [sflag:s30], $0x3E80  }
0x8b: {  	[sflag:s30] =	ssyncset.done $0x0  }
0x8c: {  	[sflag:s30] =	ssyncadd.s32 $0xFFFFC180  }
0x8d: {  	_ =	swait.ge [sflag:s23], $0x80  }
0x8e: {  	[sflag:s23] =	ssyncset.done $0x0  }
0x8f: {  	[sflag:s23] =	ssyncadd.s32 $0xFFFFFF80  }
0x90: {  	_ =	swait.ge [sflag:s23], $0x80  }
0x91: {  	[sflag:s23] =	ssyncset.done $0x0  }
0x92: {  	p2 =	seq.s32 s2, $0x4C0;
	[sflag:s23] =	ssyncadd.s32 $0xFFFFFF80  }
0x93: {  	[tilespmem:s14], [sflag:$0x2] =	stream.indirect.gather [hbm4b:s0+s13], $0x80, s18, s13, $0xb8;
	[tilespmem:$0x1C400] =	vst v63  }
0x94: {  	s8 =	sadd.s32 @!p2 s2, s5;
	s2 =	sadd.s32 @!p2 s2, s6;
	s7 =	simm.s32 @!p2 $0x0  }
0x95: {  	s19 =	simm.s32 @!p2 $0x200;
	s9 =	sadd.s32 @!p2 $0x40, s8;
	s16 =	sadd.s32 @!p2 $0x40, s2  }
0x96: {  	[tilespmem:s7], [sflag:$0x1] =	stream.linear.gather @!p2 [hbm4b:s9+s7], $0x80, $0x38;
	[tilespmem:$0x1C400] =	vst v63  }
0x97: {  	s24 =	sadd.s32 @!p2 $0x50, s8;
	s21 =	sadd.s32 @!p2 $0x50, s2;
	s8 =	sadd.s32 @!p2 $0x60, s8  }
0x98: {  	[tilespmem:s19], [sflag:$0x1] =	stream.linear.gather @!p2 [hbm4b:s16+s7], $0x80, $0x38;
	[tilespmem:$0x1C400] =	vst v63  }
0x99: {  	s9 =	sadd.s32 @!p2 $0x60, s2;
	s2 =	smov.u32 s10;
	_ =	swait.ge [sflag:s29], $0x3E80  }
0x9a: {  	[sflag:s29] =	ssyncset.done $0x0  }
0x9b: {  	[sflag:s29] =	ssyncadd.s32 $0xFFFFC180  }
0x9c: {  	[spmem:s3] =	stream.indirect.scatter.add.f32 [tilespmem:s25], [sflag:$0x4], $0x80, s17, s13, $0xb8;
	[tilespmem:$0x1C400] =	vst v63  }
0x9d: {  	_ =	swait.ge [sflag:s31], $0x3E80  }
0x9e: {  	[sflag:s31] =	ssyncset.done $0x0  }
0x9f: {  	[sflag:s31] =	ssyncadd.s32 $0xFFFFC180  }
0xa0: {  	_ =	swait.ge [sflag:s23], $0x80  }
0xa1: {  	[sflag:s23] =	ssyncset.done $0x0  }
0xa2: {  	[sflag:s23] =	ssyncadd.s32 $0xFFFFFF80  }
0xa3: {  	_ =	swait.ge [sflag:s23], $0x80  }
0xa4: {  	[sflag:s23] =	ssyncset.done $0x0  }
0xa5: {  	s10 =	simm.s32 @p2 $0x2;
	[sflag:s23] =	ssyncadd.s32 $0xFFFFFF80  }
0xa6: {  	[tilespmem:s25], [sflag:$0x2] =	stream.indirect.gather [hbm4b:s0+s13], $0x80, s26, s13, $0xb8;
	[tilespmem:$0x1C400] =	vst v63  }
0xa7: {  	s16 =	simm.s32 @p2 $0x400;
	_ =	swait.ge @p2 [sflag:s10], $0x3E80  }
0xa8: {  	s22 =	simm.s32 @p2 $0x300;
	s19 =	simm.s32 @p2 $0x7D;
	[sflag:s10] =	ssyncset.done @p2 $0x0  }
0xa9: {  	[sflag:s10] =	ssyncadd.s32 @p2 $0xFFFFC180;
	s10 =	simm.s32 @!p2 $0x80  }
0xaa: {  	[spmem:s3] =	stream.indirect.scatter.add.f32 @p2 [tilespmem:s16], [sflag:$0x3], $0x80, s22, s19, $0xb8;
	[tilespmem:$0x1C400] =	vst v63  }
0xab: {  	s16 =	simm.s32 @!p2 $0x280  }
0xac: {  	[tilespmem:s10], [sflag:$0x1] =	stream.linear.gather @!p2 [hbm4b:s24+s7], $0x80, $0x38;
	[tilespmem:$0x1C400] =	vst v63  }
0xad: {  	s10 =	simm.s32 @!p2 $0x2  }
0xae: {  	[tilespmem:s16], [sflag:$0x1] =	stream.linear.gather @!p2 [hbm4b:s21+s7], $0x80, $0x38;
	[tilespmem:$0x1C400] =	vst v63  }
0xaf: {  	s16 =	simm.s32 @!p2 $0x400;
	_ =	swait.ge @!p2 [sflag:s10], $0x3E80  }
0xb0: {  	s19 =	simm.s32 @!p2 $0x7D;
	s21 =	simm.s32 @!p2 $0x300;
	[sflag:s10] =	ssyncset.done @!p2 $0x0  }
0xb1: {  	[sflag:s10] =	ssyncadd.s32 @!p2 $0xFFFFC180;
	s10 =	simm.s32 @!p2 $0x3  }
0xb2: {  	[spmem:s3] =	stream.indirect.scatter.add.f32 @!p2 [tilespmem:s16], [sflag:$0x3], $0x80, s21, s19, $0xb8;
	[tilespmem:$0x1C400] =	vst v63  }
0xb3: {  	_ =	swait.ge @!p2 [sflag:s10], $0x3E80  }
0xb4: {  	s22 =	simm.s32 @!p2 $0x1;
	[sflag:s10] =	ssyncset.done @!p2 $0x0  }
0xb5: {  	[sflag:s10] =	ssyncadd.s32 @!p2 $0xFFFFC180  }
0xb6: {  	_ =	swait.ge @!p2 [sflag:s22], $0x80  }
0xb7: {  	[sflag:s22] =	ssyncset.done @!p2 $0x0  }
0xb8: {  	[sflag:s22] =	ssyncadd.s32 @!p2 $0xFFFFFF80  }
0xb9: {  	_ =	swait.ge @!p2 [sflag:s22], $0x80  }
0xba: {  	[sflag:s22] =	ssyncset.done @!p2 $0x0  }
0xbb: {  	s10 =	simm.s32 @!p2 $0x100;
	[sflag:s22] =	ssyncadd.s32 @!p2 $0xFFFFFF80  }
0xbc: {  	[tilespmem:s16], [sflag:$0x2] =	stream.indirect.gather @!p2 [hbm4b:s0+s19], $0x80, s7, s19, $0xb8;
	[tilespmem:$0x1C400] =	vst v63  }
0xbd: {  	_ = 	snop  }
0xbe: {  	[tilespmem:s10], [sflag:$0x1] =	stream.linear.gather @!p2 [hbm4b:s8+s7], $0x80, $0x38;
	[tilespmem:$0x1C400] =	vst v63  }
.Ltmp0:
0xbf: {  	_ = 	snop;
	(pc) =	sbr.rel @p1 .LBB2_2-.Ltmp0, $4  }
0xc0: {  	_ = 	snop  }
0xc1: {  	[tilespmem:s21], [sflag:$0x1] =	stream.linear.gather @!p2 [hbm4b:s9+s7], $0x80, $0x38;
	[tilespmem:$0x1C400] =	vst v63  }
0xc2: {  	_ =	swait.ge [sflag:s29], $0x3E80  }
0xc3: {  	[sflag:s29] =	ssyncset.done $0x0  }
0xc4: {  	s7 =	simm.s32 @!p0 $0x4;
	[sflag:s29] =	ssyncadd.s32 $0xFFFFC180  }
0xc5: {  	[spmem:s3] =	stream.indirect.scatter.add.f32 [tilespmem:s25], [sflag:$0x4], $0x80, s28, s13, $0xb8;
	[tilespmem:$0x1C400] =	vst v63  }
0xc6: {  	_ =	swait.ge @!p0 [sflag:s7], $0x3E80  }
0xc7: {  	[sflag:s7] =	ssyncset.done @!p0 $0x0  }
0xc8: {  	[sflag:s7] =	ssyncadd.s32 @!p0 $0xFFFFC180  }
0xc9: {  	_ =	swait.ge [sflag:s23], $0x80  }
0xca: {  	[sflag:s23] =	ssyncset.done $0x0  }
0xcb: {  	[sflag:s23] =	ssyncadd.s32 $0xFFFFFF80  }
0xcc: {  	_ =	swait.ge [sflag:s23], $0x80  }
0xcd: {  	[sflag:s23] =	ssyncset.done $0x0  }
0xce: {  	s20 =	sadd.s32 s2, s5;
	[sflag:s23] =	ssyncadd.s32 $0xFFFFFF80  }
0xcf: {  	[tilespmem:s25], [sflag:$0x2] =	stream.indirect.gather [hbm4b:s0+s13], $0x80, s15, s13, $0xb8;
	[tilespmem:$0x1C400] =	vst v63  }
0xd0: {  	s8 =	sadd.s32 s2, s6;
	s7 =	sadd.s32 $0x30, s20  }
0xd1: {  	[tilespmem:s26], [sflag:$0x1] =	stream.linear.gather [hbm4b:s7+s4], $0x80, $0x38;
	[tilespmem:$0x1C400] =	vst v63  }
0xd2: {  	s21 =	sadd.s32 $0x30, s8  }
0xd3: {  	[tilespmem:s28], [sflag:$0x1] =	stream.linear.gather [hbm4b:s21+s4], $0x80, $0x38;
	[tilespmem:$0x1C400] =	vst v63  }
0xd4: {  	_ =	swait.ge [sflag:s29], $0x3E80  }
0xd5: {  	[sflag:s29] =	ssyncset.done $0x0  }
0xd6: {  	[sflag:s29] =	ssyncadd.s32 $0xFFFFC180  }
0xd7: {  	[spmem:s3] =	stream.indirect.scatter.add.f32 [tilespmem:s14], [sflag:$0x3], $0x80, s12, s13, $0xb8;
	[tilespmem:$0x1C400] =	vst v63  }
0xd8: {  	_ =	swait.ge [sflag:s30], $0x3E80  }
0xd9: {  	[sflag:s30] =	ssyncset.done $0x0  }
0xda: {  	[sflag:s30] =	ssyncadd.s32 $0xFFFFC180  }
0xdb: {  	_ =	swait.ge [sflag:s23], $0x80  }
0xdc: {  	[sflag:s23] =	ssyncset.done $0x0  }
0xdd: {  	[sflag:s23] =	ssyncadd.s32 $0xFFFFFF80  }
0xde: {  	_ =	swait.ge [sflag:s23], $0x80  }
0xdf: {  	p0 =	seq.s32 s2, $0x4C0;
	[sflag:s23] =	ssyncset.done $0x0  }
0xe0: {  	s7 =	sadd.s32 @!p0 s2, s5;
	[sflag:s23] =	ssyncadd.s32 $0xFFFFFF80  }
0xe1: {  	[tilespmem:s14], [sflag:$0x2] =	stream.indirect.gather [hbm4b:s0+s13], $0x80, s18, s13, $0xb8;
	[tilespmem:$0x1C400] =	vst v63  }
0xe2: {  	s8 =	simm.s32 @!p0 $0x0;
	s2 =	sadd.s32 @!p0 s2, s6;
	s9 =	sadd.s32 @!p0 $0x40, s7  }
0xe3: {  	[tilespmem:s8], [sflag:$0x1] =	stream.linear.gather @!p0 [hbm4b:s9+s8], $0x80, $0x38;
	[tilespmem:$0x1C400] =	vst v63  }
0xe4: {  	s10 =	simm.s32 @!p0 $0x200;
	s9 =	sadd.s32 @!p0 $0x40, s2  }
0xe5: {  	[tilespmem:s10], [sflag:$0x1] =	stream.linear.gather @!p0 [hbm4b:s9+s8], $0x80, $0x38;
	[tilespmem:$0x1C400] =	vst v63  }
0xe6: {  	_ =	swait.ge [sflag:s29], $0x3E80  }
0xe7: {  	[sflag:s29] =	ssyncset.done $0x0  }
0xe8: {  	[sflag:s29] =	ssyncadd.s32 $0xFFFFC180  }
0xe9: {  	[spmem:s3] =	stream.indirect.scatter.add.f32 [tilespmem:s25], [sflag:$0x4], $0x80, s17, s13, $0xb8;
	[tilespmem:$0x1C400] =	vst v63  }
0xea: {  	_ =	swait.ge [sflag:s31], $0x3E80  }
0xeb: {  	[sflag:s31] =	ssyncset.done $0x0  }
0xec: {  	[sflag:s31] =	ssyncadd.s32 $0xFFFFC180  }
0xed: {  	_ =	swait.ge [sflag:s23], $0x80  }
0xee: {  	[sflag:s23] =	ssyncset.done $0x0  }
0xef: {  	[sflag:s23] =	ssyncadd.s32 $0xFFFFFF80  }
0xf0: {  	_ =	swait.ge [sflag:s23], $0x80  }
0xf1: {  	[sflag:s23] =	ssyncset.done $0x0  }
0xf2: {  	s9 =	simm.s32 @p0 $0x2;
	[sflag:s23] =	ssyncadd.s32 $0xFFFFFF80  }
0xf3: {  	[tilespmem:s25], [sflag:$0x2] =	stream.indirect.gather [hbm4b:s0+s13], $0x80, s26, s13, $0xb8;
	[tilespmem:$0x1C400] =	vst v63  }
0xf4: {  	_ =	swait.ge @p0 [sflag:s9], $0x3E80  }
0xf5: {  	s16 =	simm.s32 @p0 $0x7D;
	[sflag:s9] =	ssyncset.done @p0 $0x0  }
0xf6: {  	s19 =	simm.s32 @p0 $0x300;
	s10 =	simm.s32 @p0 $0x400;
	[sflag:s9] =	ssyncadd.s32 @p0 $0xFFFFC180  }
0xf7: {  	[spmem:s3] =	stream.indirect.scatter.add.f32 @p0 [tilespmem:s10], [sflag:$0x3], $0x80, s19, s16, $0xb8;
	[tilespmem:$0x1C400] =	vst v63  }
0xf8: {  	s9 =	sadd.s32 @!p0 $0x50, s7;
	s10 =	simm.s32 @!p0 $0x80  }
0xf9: {  	[tilespmem:s10], [sflag:$0x1] =	stream.linear.gather @!p0 [hbm4b:s9+s8], $0x80, $0x38;
	[tilespmem:$0x1C400] =	vst v63  }
0xfa: {  	s16 =	simm.s32 @!p0 $0x2;
	s9 =	sadd.s32 @!p0 $0x50, s2;
	s10 =	simm.s32 @!p0 $0x280  }
0xfb: {  	[tilespmem:s10], [sflag:$0x1] =	stream.linear.gather @!p0 [hbm4b:s9+s8], $0x80, $0x38;
	[tilespmem:$0x1C400] =	vst v63  }
0xfc: {  	_ =	swait.ge @!p0 [sflag:s16], $0x3E80  }
0xfd: {  	s19 =	simm.s32 @!p0 $0x300;
	s9 =	simm.s32 @!p0 $0x400;
	[sflag:s16] =	ssyncset.done @!p0 $0x0  }
0xfe: {  	s10 =	simm.s32 @!p0 $0x7D;
	[sflag:s16] =	ssyncadd.s32 @!p0 $0xFFFFC180;
	s16 =	simm.s32 @!p0 $0x3  }
0xff: {  	[spmem:s3] =	stream.indirect.scatter.add.f32 @!p0 [tilespmem:s9], [sflag:$0x3], $0x80, s19, s10, $0xb8;
	[tilespmem:$0x1C400] =	vst v63  }
0x100: {  	_ =	swait.ge @!p0 [sflag:s16], $0x3E80  }
0x101: {  	[sflag:s16] =	ssyncset.done @!p0 $0x0  }
0x102: {  	[sflag:s16] =	ssyncadd.s32 @!p0 $0xFFFFC180;
	s16 =	simm.s32 @!p0 $0x1  }
0x103: {  	_ =	swait.ge @!p0 [sflag:s16], $0x80  }
0x104: {  	[sflag:s16] =	ssyncset.done @!p0 $0x0  }
0x105: {  	[sflag:s16] =	ssyncadd.s32 @!p0 $0xFFFFFF80  }
0x106: {  	_ =	swait.ge @!p0 [sflag:s16], $0x80  }
0x107: {  	[sflag:s16] =	ssyncset.done @!p0 $0x0  }
0x108: {  	[sflag:s16] =	ssyncadd.s32 @!p0 $0xFFFFFF80  }
0x109: {  	[tilespmem:s9], [sflag:$0x2] =	stream.indirect.gather @!p0 [hbm4b:s0+s10], $0x80, s8, s10, $0xb8;
	[tilespmem:$0x1C400] =	vst v63  }
0x10a: {  	s7 =	sadd.s32 @!p0 $0x60, s7;
	s9 =	simm.s32 @!p0 $0x100  }
0x10b: {  	[tilespmem:s9], [sflag:$0x1] =	stream.linear.gather @!p0 [hbm4b:s7+s8], $0x80, $0x38;
	[tilespmem:$0x1C400] =	vst v63  }
0x10c: {  	s2 =	sadd.s32 @!p0 $0x60, s2  }
0x10d: {  	[tilespmem:s19], [sflag:$0x1] =	stream.linear.gather @!p0 [hbm4b:s2+s8], $0x80, $0x38;
	[tilespmem:$0x1C400] =	vst v63  }
0x10e: {  	_ =	swait.ge [sflag:s29], $0x3E80  }
0x10f: {  	[sflag:s29] =	ssyncset.done $0x0  }
0x110: {  	[sflag:s29] =	ssyncadd.s32 $0xFFFFC180  }
0x111: {  	[spmem:s3] =	stream.indirect.scatter.add.f32 [tilespmem:s25], [sflag:$0x4], $0x80, s28, s13, $0xb8;
	[tilespmem:$0x1C400] =	vst v63  }
0x112: {  	_ =	swait.ge [sflag:s30], $0x3E80  }
0x113: {  	[sflag:s30] =	ssyncset.done $0x0  }
0x114: {  	[sflag:s30] =	ssyncadd.s32 $0xFFFFC180  }
0x115: {  	_ =	swait.ge [sflag:s31], $0x3E80  }
0x116: {  	[sflag:s31] =	ssyncset.done $0x0  }
0x117: {  	[sflag:s31] =	ssyncadd.s32 $0xFFFFC180  }
0x118: {  	[bflag:$0x0] =	sbarrier.arrive $0xFFFF  }
0x119: {  	s9 =	rddreg [dreg:$0xa]  }
0x11a: {  	s8 =	rddreg [dreg:$0xb]  }
0x11b: {  	s22 =	rddreg [dreg:$0xc]  }
0x11c: {  	[hbm:s22], [sflag:s9] =	dma.local [spmem:s8], $0x2800  }
0x11d: {  	_ =	swait.ge [sflag:s11], $0x2800  }
0x11e: {  	s1 =	sadd.s32 $0x1, s1;
	s24 =	rddreg [dreg:$0x7]  }
0x11f: {  	p0 =	sne.s32 s1, s24  }
.Ltmp1:
0x120: {  	_ = 	snop;
	(pc) =	sbr.rel @p0 .LBB2_1-.Ltmp1, $3  }
0x121: {  	_ =	sdelay $0x1  }
0x122: {  	[sflag:s11] =	ssyncset.done $0x0  }
0x123: {  	[sflag:s11] =	ssyncadd.s32 $0xFFFFD800  }
0x124: {  	_ =	sfence.sel $0x180000  }
0x125: {  	[bflag:$0x0] =	sbarrier.arrive $0xFFFF  }
0x126: {  	_ =	strace $0x90000047  }
0x127: {  	s0 =	stileid.u32;
	[bflag:$0x2] =	sbarrier.arrive $0xFFFF  }
0x128: {  	p0 =	sne.s32 s0, $0x0;
	s0 =	rddreg [dreg:$0x3]  }
0x129: {  	s0 =	sadd.s32 @!p0 $0x100000, s0  }
0x12a: {  	[sflag:s0] =	ssyncadd.tile.s32 @!p0 $0x1;
	_ =	shalt  }
.Lfunc_end2:
_tile_overlayer_lowered:
.L_overlay_start_2:
0x12b: {  	(tag) =	ssettag $0x2  }
0x12c: {  	s0 =	rddreg [dreg:$0x0];
	s2 =	stileid.u32  }
0x12d: {  	s1 =	rddreg [dreg:$0x1];
	p0 =	sne.s32 s2, $0x0  }
0x12e: {  	s3 =	rddreg [dreg:$0x2];
	[bflag:$0x3] =	sbarrier.arrive $0xFFFF;
	s2 =	simm.s32 @!p0 $0x1C05  }
0x12f: {  	[timem:s3], [sflag:s2] =	dma.local @!p0 [hbm:s0], s1  }
0x130: {  	s0 =	simm.s32 @!p0 $0x5  }
0x131: {  	_ =	swait.ge @!p0 [sflag:s0], s1  }
0x132: {  	s1 =	ssub.s32 @!p0 $0x0, s1;
	[sflag:s0] =	ssyncset.done @!p0 $0x0  }
0x133: {  	[sflag:s0] =	ssyncadd.s32 @!p0 s1  }
0x134: {  	[bflag:$0x3] =	sbarrier.arrive $0xFFFF  }
0x135: {  	_ =	shalt  }

</sc_bundles>
